<compile_context>
chip_gen: v7x
topology: tpu7x:2x2x1
jax: 0.10.2.dev20260603
libtpu: 0.0.44.dev20260713+nightly
codegen_flags: <defaults>
</compile_context>

<pallas_src>
import functools

import jax
import jax.numpy as jnp
from jax import lax
from jax.experimental import pallas as pl
from jax.experimental.pallas import tpu as pltpu
from jax.experimental.pallas import tpu_sc as plsc

_B, _P, _K = 32, 1024, 16
_N = _B * _P
_E = _N * _K
_NUM_CLASSES = 40
_RB = 512



def _knn_body(posr_ref, posc_ref, idx_ref, d2_ref):
    b = pl.program_id(0)
    pr = posr_ref[...]
    pc = posc_ref[...]
    sqr = jnp.sum(pr * pr, axis=1, keepdims=True)
    sqc = jnp.sum(pc * pc, axis=1)
    dots = lax.dot_general(pr, pc, (((1,), (1,)), ((), ())),
                           preferred_element_type=jnp.float32)
    d2_ref[...] = sqr + sqc[None, :] - 2.0 * dots
    colids = lax.broadcasted_iota(jnp.int32, (_RB, _P), 1)
    lanek = lax.broadcasted_iota(jnp.int32, (_RB, _K), 1)
    inf = jnp.float32(jnp.inf)

    def body(k, sels):
        d2 = d2_ref[...]
        m = jnp.min(d2, axis=1, keepdims=True)
        cand = jnp.where(d2 == m, colids, _P)
        sel = jnp.min(cand, axis=1, keepdims=True)
        d2_ref[...] = jnp.where(colids == sel, inf, d2)
        return jnp.where(lanek == k, sel, sels)

    sels = lax.fori_loop(0, _K, body, jnp.zeros((_RB, _K), jnp.int32))
    idx_ref[...] = sels + b * _P


def _knn_call(pos, interpret=False):
    nr = _P // _RB
    return pl.pallas_call(
        _knn_body,
        grid=(_B, nr),
        in_specs=[
            pl.BlockSpec((_RB, 3), lambda b, r: (b * nr + r, 0)),
            pl.BlockSpec((_P, 3), lambda b, r: (b, 0)),
        ],
        out_specs=pl.BlockSpec((_RB, _K), lambda b, r: (b * nr + r, 0)),
        out_shape=jax.ShapeDtypeStruct((_N, _K), jnp.int32),
        scratch_shapes=[pltpu.VMEM((_RB, _P), jnp.float32)],
        interpret=interpret,
    )(pos, pos)



def _sc_gather(table, idx, chunk=2048):
    _, d = table.shape
    m = idx.shape[0]
    nw = 32
    per_w = m // nw
    nch = per_w // chunk
    assert per_w % chunk == 0 and d % 16 == 0
    mesh = plsc.VectorSubcoreMesh(core_axis_name="c", subcore_axis_name="s")

    @functools.partial(
        pl.kernel, mesh=mesh,
        out_type=jax.ShapeDtypeStruct((m, d), jnp.float32),
        scratch_types=[
            pltpu.VMEM((chunk,), jnp.int32),
            pltpu.VMEM((chunk, d), jnp.float32),
            pltpu.SemaphoreType.DMA,
        ],
        compiler_params=pltpu.CompilerParams(use_tc_tiling_on_sc=False),
    )
    def k(table_hbm, idx_hbm, out_hbm, idx_v, rows_v, sem):
        wid = lax.axis_index("s") * 2 + lax.axis_index("c")

        def body(c, carry):
            base = wid * per_w + c * chunk
            pltpu.sync_copy(idx_hbm.at[pl.ds(base, chunk)], idx_v)
            pltpu.async_copy(table_hbm.at[idx_v], rows_v, sem).wait()
            pltpu.sync_copy(rows_v, out_hbm.at[pl.ds(base, chunk)])
            return carry

        lax.fori_loop(0, nch, body, 0)

    return k(table, idx)



def _psqrt(x):
    r = lax.rsqrt(x)
    r = r * (1.5 - 0.5 * x * r * r)
    r = r * (1.5 - 0.5 * x * r * r)
    return x * r

_ATAN_C = (0.9999999880821423, -0.333331207776302, 0.1999371609301849,
           -0.14213195870325876, 0.10681419898649704, -0.07596807640005956,
           0.04385557421611047, -0.016827433863723106, 0.003049964511658644)


def _atan2_nn(y, x):
    ax = jnp.abs(x)
    num = jnp.minimum(y, ax)
    den = jnp.maximum(y, ax)
    r = lax.reciprocal(den)
    r = r * (2.0 - den * r)
    r = r * (2.0 - den * r)
    q = num * r
    s = q * q
    acc = jnp.float32(_ATAN_C[-1])
    for c in _ATAN_C[-2::-1]:
        acc = acc * s + jnp.float32(c)
    base = acc * q
    res = jnp.where(y > ax, jnp.float32(jnp.pi / 2) - base, base)
    return jnp.where(x < 0, jnp.float32(jnp.pi) - res, res)


def _angle(v1x, v1y, v1z, v2x, v2y, v2z):
    cx = v1y * v2z - v1z * v2y
    cy = v1z * v2x - v1x * v2z
    cz = v1x * v2y - v1y * v2x
    cn2 = cx * cx + cy * cy + cz * cz
    cn = jnp.where(cn2 == 0, 0.0, _psqrt(jnp.where(cn2 == 0, 1.0, cn2)))
    dot = v1x * v2x + v1y * v2y + v1z * v2z
    both = (cn == 0) & (dot == 0)
    return _atan2_nn(jnp.where(both, 0.0, cn), jnp.where(both, 1.0, dot))


def _ppf_rows(git, gjt):
    dx = gjt[0:1, :] - git[0:1, :]
    dy = gjt[1:2, :] - git[1:2, :]
    dz = gjt[2:3, :] - git[2:3, :]
    nix, niy, niz = git[3:4, :], git[4:5, :], git[5:6, :]
    njx, njy, njz = gjt[3:4, :], gjt[4:5, :], gjt[5:6, :]
    d2s = dx * dx + dy * dy + dz * dz
    dn = jnp.where(d2s == 0, 0.0, _psqrt(jnp.where(d2s == 0, 1.0, d2s)))
    a1 = _angle(nix, niy, niz, dx, dy, dz)
    a2 = _angle(njx, njy, njz, dx, dy, dz)
    a3 = _angle(nix, niy, niz, njx, njy, njz)
    return dn, a1, a2, a3



def _conv1_body(gj0_ref, gj1_ref, gj2_ref, gj3_ref, git_ref,
                w0_ref, b0_ref, w1_ref, b1_ref, x_ref, ft_ref, acc_ref):
    j = pl.program_id(1)
    git = git_ref[...]
    fts = []
    for i, gj_ref in enumerate((gj0_ref, gj1_ref, gj2_ref, gj3_ref)):
        dn, a1, a2, a3 = _ppf_rows(git, gj_ref[0])
        fts.append(jnp.concatenate([dn, a1, a2, a3], axis=0))
        ft_ref[0, i] = fts[i]
    ftcat = jnp.concatenate(fts, axis=1)
    h = jax.nn.relu(
        lax.dot_general(ftcat, w0_ref[...], (((0,), (0,)), ((), ())),
                        preferred_element_type=jnp.float32) + b0_ref[...])
    h = jax.nn.relu(
        lax.dot_general(h, w1_ref[...], (((1,), (0,)), ((), ())),
                        preferred_element_type=jnp.float32) + b1_ref[...])
    hm = jnp.maximum(jnp.maximum(h[0:_P, :], h[_P:2 * _P, :]),
                     jnp.maximum(h[2 * _P:3 * _P, :], h[3 * _P:4 * _P, :]))
    prev = acc_ref[...]
    new = jnp.where(j == 0, hm, jnp.maximum(prev, hm))
    acc_ref[...] = new

    @pl.when(j == _K // 4 - 1)
    def _():
        x_ref[...] = jax.nn.relu(new)


def _conv1_call(g, table_t, m1w0, m1b0, m1w1, m1b1, interpret=False):
    return pl.pallas_call(
        _conv1_body,
        grid=(_B, _K // 4),
        in_specs=[
            pl.BlockSpec((1, 16, _P), lambda b, j: (4 * j, 0, b)),
            pl.BlockSpec((1, 16, _P), lambda b, j: (4 * j + 1, 0, b)),
            pl.BlockSpec((1, 16, _P), lambda b, j: (4 * j + 2, 0, b)),
            pl.BlockSpec((1, 16, _P), lambda b, j: (4 * j + 3, 0, b)),
            pl.BlockSpec((16, _P), lambda b, j: (0, b)),
            pl.BlockSpec((4, 16), lambda b, j: (0, 0)),
            pl.BlockSpec((1, 16), lambda b, j: (0, 0)),
            pl.BlockSpec((16, 32), lambda b, j: (0, 0)),
            pl.BlockSpec((1, 32), lambda b, j: (0, 0)),
        ],
        out_specs=[
            pl.BlockSpec((_P, 32), lambda b, j: (b, 0)),
            pl.BlockSpec((1, 4, 4, _P), lambda b, j: (j, 0, 0, b)),
        ],
        out_shape=[
            jax.ShapeDtypeStruct((_N, 32), jnp.float32),
            jax.ShapeDtypeStruct((_K // 4, 4, 4, _N), jnp.float32),
        ],
        scratch_shapes=[pltpu.VMEM((_P, 32), jnp.float32)],
        interpret=interpret,
    )(g, g, g, g, table_t, m1w0, m1b0.reshape(1, 16), m1w1,
      m1b1.reshape(1, 32))



def _conv2_body(xg0_ref, xg1_ref, xg2_ref, xg3_ref, ft_ref, w0_ref, b0_ref,
                w1_ref, b1_ref, cw_ref, cb_ref, out_ref, acc_ref):
    j = pl.program_id(1)
    w0 = w0_ref[...]
    xgcat = jnp.concatenate(
        [xg0_ref[...], xg1_ref[...], xg2_ref[...], xg3_ref[...]], axis=0)
    ftcat = jnp.concatenate(
        [ft_ref[0, 0], ft_ref[0, 1], ft_ref[0, 2], ft_ref[0, 3]], axis=1)
    h = (lax.dot_general(xgcat, w0[0:32, :], (((1,), (0,)), ((), ())),
                         preferred_element_type=jnp.float32)
         + lax.dot_general(ftcat, w0[32:36, :], (((0,), (0,)), ((), ())),
                           preferred_element_type=jnp.float32)
         + b0_ref[...])
    h = jax.nn.relu(h)
    h = jax.nn.relu(
        lax.dot_general(h, w1_ref[...], (((1,), (0,)), ((), ())),
                        preferred_element_type=jnp.float32) + b1_ref[...])
    hm = jnp.maximum(jnp.maximum(h[0:_P, :], h[_P:2 * _P, :]),
                     jnp.maximum(h[2 * _P:3 * _P, :], h[3 * _P:4 * _P, :]))
    prev = acc_ref[...]
    new = jnp.where(j == 0, hm, jnp.maximum(prev, hm))
    acc_ref[...] = new

    @pl.when(j == _K // 4 - 1)
    def _():
        x2 = jax.nn.relu(new)
        pooled = jnp.max(x2, axis=0, keepdims=True)
        out_ref[0] = (lax.dot_general(pooled, cw_ref[...],
                                      (((1,), (0,)), ((), ())),
                                      preferred_element_type=jnp.float32)
                      + cb_ref[...])


def _conv2_call(xg, ft, m2w0, m2b0, m2w1, m2b1, cw, cb, interpret=False):
    return pl.pallas_call(
        _conv2_body,
        grid=(_B, _K // 4),
        in_specs=[
            pl.BlockSpec((_P, 32), lambda b, j: (4 * j * _B + b, 0)),
            pl.BlockSpec((_P, 32), lambda b, j: ((4 * j + 1) * _B + b, 0)),
            pl.BlockSpec((_P, 32), lambda b, j: ((4 * j + 2) * _B + b, 0)),
            pl.BlockSpec((_P, 32), lambda b, j: ((4 * j + 3) * _B + b, 0)),
            pl.BlockSpec((1, 4, 4, _P), lambda b, j: (j, 0, 0, b)),
            pl.BlockSpec((36, 64), lambda b, j: (0, 0)),
            pl.BlockSpec((1, 64), lambda b, j: (0, 0)),
            pl.BlockSpec((64, 128), lambda b, j: (0, 0)),
            pl.BlockSpec((1, 128), lambda b, j: (0, 0)),
            pl.BlockSpec((128, _NUM_CLASSES), lambda b, j: (0, 0)),
            pl.BlockSpec((1, _NUM_CLASSES), lambda b, j: (0, 0)),
        ],
        out_specs=pl.BlockSpec((1, 1, _NUM_CLASSES), lambda b, j: (b, 0, 0)),
        out_shape=jax.ShapeDtypeStruct((_B, 1, _NUM_CLASSES), jnp.float32),
        scratch_shapes=[pltpu.VMEM((_P, 128), jnp.float32)],
        interpret=interpret,
    )(xg, xg, xg, xg, ft, m2w0, m2b0.reshape(1, 64), m2w1, m2b1.reshape(1, 128),
      cw, cb.reshape(1, _NUM_CLASSES)).reshape(_B, _NUM_CLASSES)



def kernel(pos, normal, batch, m1w0, m1b0, m1w1, m1b1, m2w0, m2b0, m2w1, m2b1,
           cw, cb):
    del batch
    idx = _knn_call(pos)
    src_km = idx.T.reshape(_E)
    table = jnp.concatenate(
        [pos, normal, jnp.zeros((_N, 10), jnp.float32)], axis=1)
    table_t = jnp.concatenate([pos.T, normal.T], axis=0)
    table_t = jnp.concatenate(
        [table_t, jnp.zeros((10, _N), jnp.float32)], axis=0)
    g = _sc_gather(table, src_km, chunk=4096)
    g_t = g.reshape(_K, _N, 16).transpose(0, 2, 1)
    x, ft = _conv1_call(g_t, table_t, m1w0, m1b0, m1w1, m1b1)
    xg = _sc_gather(x, src_km)
    return _conv2_call(xg, ft, m2w0, m2b0, m2w1, m2b1, cw, cb)

# --- scband reference (transcript-rebuilt; emitter-appended) ---
"""Pipeline reference for scband-rota-inv-net-21406117003955 (READ-ONLY COPY).

The authoritative reference and input builder live on the scoring server;
editing this copy changes nothing except your own understanding.
"""

import jax, jax.numpy as jnp
import numpy as np

B, P, K = 32, 1024, 16
N = B * P
NUM_CLASSES = 40


def _knn_edges(pos):
    p = pos.reshape(B, P, 3)
    sq = jnp.sum(p * p, axis=-1)
    d2 = sq[:, :, None] + sq[:, None, :] - 2.0 * jnp.einsum('bpd,bqd->bpq', p, p)
    _, idx = jax.lax.top_k(-d2, K)
    offs = (jnp.arange(B) * P)[:, None, None]
    src = (idx + offs).reshape(-1)
    dst = jnp.repeat(jnp.arange(N), K)
    return src, dst


def _get_angle(v1, v2):
    c = jnp.cross(v1, v2)
    cn2 = jnp.sum(c * c, axis=1)
    cn = jnp.where(cn2 == 0, 0.0, jnp.sqrt(jnp.where(cn2 == 0, 1.0, cn2)))
    dot = jnp.sum(v1 * v2, axis=1)
    both = (cn == 0) & (dot == 0)
    return jnp.arctan2(jnp.where(both, 0.0, cn), jnp.where(both, 1.0, dot))


def _ppf(pos_i, pos_j, n_i, n_j):
    d = pos_j - pos_i
    d2s = jnp.sum(d * d, axis=1)
    dn = jnp.where(d2s == 0, 0.0, jnp.sqrt(jnp.where(d2s == 0, 1.0, d2s)))
    return jnp.stack([dn, _get_angle(n_i, d), _get_angle(n_j, d), _get_angle(n_i, n_j)], axis=1)


def _mlp(x, params):
    for w, b in params:
        x = jax.nn.relu(x @ w + b)
    return x


def _ppf_conv(x, pos, normal, src, dst, params):
    f = _ppf(pos[dst], pos[src], normal[dst], normal[src])
    msg = f if x is None else jnp.concatenate([x[src], f], axis=1)
    h = _mlp(msg, params)
    return jax.ops.segment_max(h, dst, num_segments=N, indices_are_sorted=True)


def setup_inputs(seed: int = 0):
    key = jax.random.key(seed)
    ks = jax.random.split(key, 12)
    pos = jax.random.normal(ks[0], (N, 3), dtype=jnp.float32)
    normal = jax.random.normal(ks[1], (N, 3), dtype=jnp.float32)
    normal = normal / jnp.linalg.norm(normal, axis=1, keepdims=True)
    batch = jnp.repeat(jnp.arange(B, dtype=jnp.int32), P)

    def lin(k, i, o):
        return jax.random.normal(k, (i, o), dtype=jnp.float32) * (1.0 / np.sqrt(i))

    return {
        'pos': pos, 'normal': normal, 'batch': batch,
        'm1w0': lin(ks[2], 4, 16), 'm1b0': jnp.zeros((16,), jnp.float32),
        'm1w1': lin(ks[3], 16, 32), 'm1b1': jnp.zeros((32,), jnp.float32),
        'm2w0': lin(ks[4], 36, 64), 'm2b0': jnp.zeros((64,), jnp.float32),
        'm2w1': lin(ks[5], 64, 128), 'm2b1': jnp.zeros((128,), jnp.float32),
        'cw': lin(ks[6], 128, NUM_CLASSES), 'cb': jnp.zeros((NUM_CLASSES,), jnp.float32),
    }


def reference(pos, normal, batch, m1w0, m1b0, m1w1, m1b1, m2w0, m2b0, m2w1, m2b1, cw, cb):
    src, dst = _knn_edges(pos)
    x = jax.nn.relu(_ppf_conv(None, pos, normal, src, dst, [(m1w0, m1b0), (m1w1, m1b1)]))
    x = jax.nn.relu(_ppf_conv(x, pos, normal, src, dst, [(m2w0, m2b0), (m2w1, m2b1)]))
    g = jax.ops.segment_max(x, batch, num_segments=B, indices_are_sorted=True)
    return g @ cw + cb

if __name__ == "__main__":
    import jax
    _d = setup_inputs()
    print(jax.jit(kernel)(*tuple(_d.values())))

</pallas_src>

<mosaic_0001>
#map = affine_map<(d0, d1) -> (0, 0)>
#map1 = affine_map<(d0, d1) -> (0)>
module attributes {stable_mosaic.version = 14 : i64} {
  func.func @k(%arg0: i32, %arg1: i32, %arg2: memref<32768x16xf32, #tpu.memory_space<hbm>>, %arg3: memref<524288xi32, #tpu.memory_space<hbm>>, %arg4: memref<524288x16xf32, #tpu.memory_space<hbm>>, %arg5: memref<4096xi32, #tpu.memory_space<vmem>>, %arg6: memref<4096x16xf32, #tpu.memory_space<vmem>>, %arg7: memref<!tpu.dma_semaphore, #tpu.memory_space<semaphore_mem>>) attributes {dimension_semantics = [#tpu.dimension_semantics<core_parallel>, #tpu.dimension_semantics<subcore_parallel>], iteration_bounds = array<i64: 2, 16>, scalar_prefetch = 0 : i64, scratch_operands = 3 : i64, tpu.core_type = #tpu.core_type<sc_vector_subcore>, window_params = [{transform_indices = #map}, {transform_indices = #map1}, {transform_indices = #map}]} {
    %mul3A = arith.constant 2 : i32
    %mul3A_0 = arith.muli %arg1, %mul3A : i32
    %add3A = arith.addi %mul3A_0, %arg0 : i32
    %scan3A = arith.constant 0 : i32
    %scan3A_1 = arith.constant 0 : i32
    %scan3A_2 = arith.constant 4 : i32
    %scan3A_3 = arith.addi %scan3A_1, %scan3A_2 : i32
    %scan3A_4 = arith.constant 1 : i32
    scf.for %scan3A_6 = %scan3A_1 to %scan3A_3 step %scan3A_4  : i32 {
      %mul3A_7 = arith.constant 16384 : i32
      %mul3A_8 = arith.muli %add3A, %mul3A_7 : i32
      %mul3A_9 = arith.constant 4096 : i32
      %mul3A_10 = arith.muli %scan3A_6, %mul3A_9 : i32
      %add3A_11 = arith.addi %mul3A_8, %mul3A_10 : i32
      "tpu.region"() ({
        %run_scoped3A = tpu.sem_alloc : memref<!tpu.dma_semaphore, #tpu.memory_space<semaphore_mem>>
        %dma_start3A_16 = tpu.memref_slice %arg3[%add3A_11] : memref<524288xi32, #tpu.memory_space<hbm>> -> memref<4096xi32, #tpu.memory_space<hbm>>
        %dma_start3A_17 = tpu.memref_slice %arg3[%add3A_11] : memref<524288xi32, #tpu.memory_space<hbm>> -> memref<4096xi32, #tpu.memory_space<hbm>>
        tpu.enqueue_dma source(%dma_start3A_17 : memref<4096xi32, #tpu.memory_space<hbm>>) target(%arg5 : memref<4096xi32, #tpu.memory_space<vmem>>) target_semaphore(%run_scoped3A : memref<!tpu.dma_semaphore, #tpu.memory_space<semaphore_mem>>)
        %dma_wait3A_18 = tpu.memref_slice %arg3[%add3A_11] : memref<524288xi32, #tpu.memory_space<hbm>> -> memref<4096xi32, #tpu.memory_space<hbm>>
        %dma_wait3A_19 = tpu.memref_slice %arg3[%add3A_11] : memref<524288xi32, #tpu.memory_space<hbm>> -> memref<4096xi32, #tpu.memory_space<hbm>>
        tpu.wait_dma2 semaphore(%run_scoped3A : memref<!tpu.dma_semaphore, #tpu.memory_space<semaphore_mem>>) src(%dma_wait3A_19 : memref<4096xi32, #tpu.memory_space<hbm>>) dst(%arg5 : memref<4096xi32, #tpu.memory_space<vmem>>)
        tpu.yield
      }) : () -> ()
      %dma_start3A = arith.constant 0 : i32
      %dma_start3A_12 = arith.constant 0 : i32
      %dma_start3A_13 = tpu.memref_slice %arg2[%dma_start3A, %dma_start3A_12] : memref<32768x16xf32, #tpu.memory_space<hbm>> -> memref<32768x16xf32, #tpu.memory_space<hbm>>
      tpu.enqueue_indirect_dma source(%dma_start3A_13 : memref<32768x16xf32, #tpu.memory_space<hbm>>) target(%arg6 : memref<4096x16xf32, #tpu.memory_space<vmem>>) offsets(%arg5 : memref<4096xi32, #tpu.memory_space<vmem>>) semaphore(%arg7 : memref<!tpu.dma_semaphore, #tpu.memory_space<semaphore_mem>>)
      %dma_wait3A = arith.constant 0 : i32
      %dma_wait3A_14 = arith.constant 0 : i32
      %dma_wait3A_15 = tpu.memref_slice %arg2[%dma_wait3A, %dma_wait3A_14] : memref<32768x16xf32, #tpu.memory_space<hbm>> -> memref<32768x16xf32, #tpu.memory_space<hbm>>
      tpu.wait_indirect_dma semaphore(%arg7 : memref<!tpu.dma_semaphore, #tpu.memory_space<semaphore_mem>>) src(%dma_wait3A_15 : memref<32768x16xf32, #tpu.memory_space<hbm>>) dst(%arg6 : memref<4096x16xf32, #tpu.memory_space<vmem>>)
      "tpu.region"() ({
        %run_scoped3A = tpu.sem_alloc : memref<!tpu.dma_semaphore, #tpu.memory_space<semaphore_mem>>
        %dma_start3A_16 = arith.constant 0 : i32
        %dma_start3A_17 = tpu.memref_slice %arg4[%add3A_11, %dma_start3A_16] : memref<524288x16xf32, #tpu.memory_space<hbm>> -> memref<4096x16xf32, #tpu.memory_space<hbm>>
        %dma_start3A_18 = arith.constant 0 : i32
        %dma_start3A_19 = tpu.memref_slice %arg4[%add3A_11, %dma_start3A_18] : memref<524288x16xf32, #tpu.memory_space<hbm>> -> memref<4096x16xf32, #tpu.memory_space<hbm>>
        tpu.enqueue_dma source(%arg6 : memref<4096x16xf32, #tpu.memory_space<vmem>>) target(%dma_start3A_19 : memref<4096x16xf32, #tpu.memory_space<hbm>>) target_semaphore(%run_scoped3A : memref<!tpu.dma_semaphore, #tpu.memory_space<semaphore_mem>>)
        %dma_wait3A_20 = arith.constant 0 : i32
        %dma_wait3A_21 = tpu.memref_slice %arg4[%add3A_11, %dma_wait3A_20] : memref<524288x16xf32, #tpu.memory_space<hbm>> -> memref<4096x16xf32, #tpu.memory_space<hbm>>
        %dma_wait3A_22 = arith.constant 0 : i32
        %dma_wait3A_23 = tpu.memref_slice %arg4[%add3A_11, %dma_wait3A_22] : memref<524288x16xf32, #tpu.memory_space<hbm>> -> memref<4096x16xf32, #tpu.memory_space<hbm>>
        tpu.wait_dma2 semaphore(%run_scoped3A : memref<!tpu.dma_semaphore, #tpu.memory_space<semaphore_mem>>) src(%arg6 : memref<4096x16xf32, #tpu.memory_space<vmem>>) dst(%dma_wait3A_23 : memref<4096x16xf32, #tpu.memory_space<hbm>>)
        tpu.yield
      }) : () -> ()
    }
    %scan3A_5 = arith.constant 4 : i32
    return
  }
}

#map = affine_map<(d0, d1) -> (0, 0)>
#map1 = affine_map<(d0, d1) -> (0)>
module attributes {stable_mosaic.version = 14 : i64} {
  func.func @k(%arg0: i32, %arg1: i32, %arg2: memref<32768x32xf32, #tpu.memory_space<hbm>>, %arg3: memref<524288xi32, #tpu.memory_space<hbm>>, %arg4: memref<524288x32xf32, #tpu.memory_space<hbm>>, %arg5: memref<2048xi32, #tpu.memory_space<vmem>>, %arg6: memref<2048x32xf32, #tpu.memory_space<vmem>>, %arg7: memref<!tpu.dma_semaphore, #tpu.memory_space<semaphore_mem>>) attributes {dimension_semantics = [#tpu.dimension_semantics<core_parallel>, #tpu.dimension_semantics<subcore_parallel>], iteration_bounds = array<i64: 2, 16>, scalar_prefetch = 0 : i64, scratch_operands = 3 : i64, tpu.core_type = #tpu.core_type<sc_vector_subcore>, window_params = [{transform_indices = #map}, {transform_indices = #map1}, {transform_indices = #map}]} {
    %mul3A = arith.constant 2 : i32
    %mul3A_0 = arith.muli %arg1, %mul3A : i32
    %add3A = arith.addi %mul3A_0, %arg0 : i32
    %scan3A = arith.constant 0 : i32
    %scan3A_1 = arith.constant 0 : i32
    %scan3A_2 = arith.constant 8 : i32
    %scan3A_3 = arith.addi %scan3A_1, %scan3A_2 : i32
    %scan3A_4 = arith.constant 1 : i32
    scf.for %scan3A_6 = %scan3A_1 to %scan3A_3 step %scan3A_4  : i32 {
      %mul3A_7 = arith.constant 16384 : i32
      %mul3A_8 = arith.muli %add3A, %mul3A_7 : i32
      %mul3A_9 = arith.constant 2048 : i32
      %mul3A_10 = arith.muli %scan3A_6, %mul3A_9 : i32
      %add3A_11 = arith.addi %mul3A_8, %mul3A_10 : i32
      "tpu.region"() ({
        %run_scoped3A = tpu.sem_alloc : memref<!tpu.dma_semaphore, #tpu.memory_space<semaphore_mem>>
        %dma_start3A_16 = tpu.memref_slice %arg3[%add3A_11] : memref<524288xi32, #tpu.memory_space<hbm>> -> memref<2048xi32, #tpu.memory_space<hbm>>
        %dma_start3A_17 = tpu.memref_slice %arg3[%add3A_11] : memref<524288xi32, #tpu.memory_space<hbm>> -> memref<2048xi32, #tpu.memory_space<hbm>>
        tpu.enqueue_dma source(%dma_start3A_17 : memref<2048xi32, #tpu.memory_space<hbm>>) target(%arg5 : memref<2048xi32, #tpu.memory_space<vmem>>) target_semaphore(%run_scoped3A : memref<!tpu.dma_semaphore, #tpu.memory_space<semaphore_mem>>)
        %dma_wait3A_18 = tpu.memref_slice %arg3[%add3A_11] : memref<524288xi32, #tpu.memory_space<hbm>> -> memref<2048xi32, #tpu.memory_space<hbm>>
        %dma_wait3A_19 = tpu.memref_slice %arg3[%add3A_11] : memref<524288xi32, #tpu.memory_space<hbm>> -> memref<2048xi32, #tpu.memory_space<hbm>>
        tpu.wait_dma2 semaphore(%run_scoped3A : memref<!tpu.dma_semaphore, #tpu.memory_space<semaphore_mem>>) src(%dma_wait3A_19 : memref<2048xi32, #tpu.memory_space<hbm>>) dst(%arg5 : memref<2048xi32, #tpu.memory_space<vmem>>)
        tpu.yield
      }) : () -> ()
      %dma_start3A = arith.constant 0 : i32
      %dma_start3A_12 = arith.constant 0 : i32
      %dma_start3A_13 = tpu.memref_slice %arg2[%dma_start3A, %dma_start3A_12] : memref<32768x32xf32, #tpu.memory_space<hbm>> -> memref<32768x32xf32, #tpu.memory_space<hbm>>
      tpu.enqueue_indirect_dma source(%dma_start3A_13 : memref<32768x32xf32, #tpu.memory_space<hbm>>) target(%arg6 : memref<2048x32xf32, #tpu.memory_space<vmem>>) offsets(%arg5 : memref<2048xi32, #tpu.memory_space<vmem>>) semaphore(%arg7 : memref<!tpu.dma_semaphore, #tpu.memory_space<semaphore_mem>>)
      %dma_wait3A = arith.constant 0 : i32
      %dma_wait3A_14 = arith.constant 0 : i32
      %dma_wait3A_15 = tpu.memref_slice %arg2[%dma_wait3A, %dma_wait3A_14] : memref<32768x32xf32, #tpu.memory_space<hbm>> -> memref<32768x32xf32, #tpu.memory_space<hbm>>
      tpu.wait_indirect_dma semaphore(%arg7 : memref<!tpu.dma_semaphore, #tpu.memory_space<semaphore_mem>>) src(%dma_wait3A_15 : memref<32768x32xf32, #tpu.memory_space<hbm>>) dst(%arg6 : memref<2048x32xf32, #tpu.memory_space<vmem>>)
      "tpu.region"() ({
        %run_scoped3A = tpu.sem_alloc : memref<!tpu.dma_semaphore, #tpu.memory_space<semaphore_mem>>
        %dma_start3A_16 = arith.constant 0 : i32
        %dma_start3A_17 = tpu.memref_slice %arg4[%add3A_11, %dma_start3A_16] : memref<524288x32xf32, #tpu.memory_space<hbm>> -> memref<2048x32xf32, #tpu.memory_space<hbm>>
        %dma_start3A_18 = arith.constant 0 : i32
        %dma_start3A_19 = tpu.memref_slice %arg4[%add3A_11, %dma_start3A_18] : memref<524288x32xf32, #tpu.memory_space<hbm>> -> memref<2048x32xf32, #tpu.memory_space<hbm>>
        tpu.enqueue_dma source(%arg6 : memref<2048x32xf32, #tpu.memory_space<vmem>>) target(%dma_start3A_19 : memref<2048x32xf32, #tpu.memory_space<hbm>>) target_semaphore(%run_scoped3A : memref<!tpu.dma_semaphore, #tpu.memory_space<semaphore_mem>>)
        %dma_wait3A_20 = arith.constant 0 : i32
        %dma_wait3A_21 = tpu.memref_slice %arg4[%add3A_11, %dma_wait3A_20] : memref<524288x32xf32, #tpu.memory_space<hbm>> -> memref<2048x32xf32, #tpu.memory_space<hbm>>
        %dma_wait3A_22 = arith.constant 0 : i32
        %dma_wait3A_23 = tpu.memref_slice %arg4[%add3A_11, %dma_wait3A_22] : memref<524288x32xf32, #tpu.memory_space<hbm>> -> memref<2048x32xf32, #tpu.memory_space<hbm>>
        tpu.wait_dma2 semaphore(%run_scoped3A : memref<!tpu.dma_semaphore, #tpu.memory_space<semaphore_mem>>) src(%arg6 : memref<2048x32xf32, #tpu.memory_space<vmem>>) dst(%dma_wait3A_23 : memref<2048x32xf32, #tpu.memory_space<hbm>>)
        tpu.yield
      }) : () -> ()
    }
    %scan3A_5 = arith.constant 8 : i32
    return
  }
}

module attributes {stable_mosaic.version = 14 : i64} {
  func.func @_knn_body(%arg0: i32, %arg1: i32, %arg2: memref<512x3xf32, #tpu.memory_space<vmem>>, %arg3: memref<1024x3xf32, #tpu.memory_space<vmem>>, %arg4: memref<512x16xi32, #tpu.memory_space<vmem>>, %arg5: memref<512x1024xf32, #tpu.memory_space<vmem>>) attributes {dimension_semantics = [#tpu.dimension_semantics<arbitrary>, #tpu.dimension_semantics<arbitrary>], iteration_bounds = array<i64: 32, 2>, scalar_prefetch = 0 : i64, scratch_operands = 1 : i64, tpu.core_type = #tpu.core_type<tc>, window_params = [{transform_indices = @transform_0, window_bounds = array<i64: 512, 3>}, {transform_indices = @transform_1, window_bounds = array<i64: 1024, 3>}, {transform_indices = @transform_2, window_bounds = array<i64: 512, 16>}]} {
    %get3A = arith.constant 0 : index
    %get3A_0 = arith.constant 0 : index
    %get3A_1 = vector.load %arg2[%get3A, %get3A_0] : memref<512x3xf32, #tpu.memory_space<vmem>>, vector<512x3xf32>
    %get3A_2 = arith.constant 0 : index
    %get3A_3 = arith.constant 0 : index
    %get3A_4 = vector.load %arg3[%get3A_2, %get3A_3] : memref<1024x3xf32, #tpu.memory_space<vmem>>, vector<1024x3xf32>
    %mul3A = arith.mulf %get3A_1, %get3A_1 : vector<512x3xf32>
    %reduce_sum3A = arith.constant dense<0.000000e+00> : vector<512xf32>
    %reduce_sum3A_5 = vector.multi_reduction <add>, %mul3A, %reduce_sum3A [1] : vector<512x3xf32> to vector<512xf32>
    %broadcast_in_dim3A = vector.shape_cast %reduce_sum3A_5 : vector<512xf32> to vector<512x1xf32>
    %mul3A_6 = arith.mulf %get3A_4, %get3A_4 : vector<1024x3xf32>
    %reduce_sum3A_7 = arith.constant dense<0.000000e+00> : vector<1024xf32>
    %reduce_sum3A_8 = vector.multi_reduction <add>, %mul3A_6, %reduce_sum3A_7 [1] : vector<1024x3xf32> to vector<1024xf32>
    %dot_general3A = arith.constant dense<0.000000e+00> : vector<512x1024xf32>
    %dot_general3A_9 = tpu.matmul %get3A_1, %get3A_4, %dot_general3A {dimension_numbers = #tpu.dot_dimension_numbers<[1], [1], [0], [0], [0, 0, 1, 0], [], []>, transpose_lhs_hint = false} : vector<512x3xf32>, vector<1024x3xf32>, vector<512x1024xf32> -> vector<512x1024xf32>
    %broadcast_in_dim3A_10 = vector.shape_cast %reduce_sum3A_8 : vector<1024xf32> to vector<1x1024xf32>
    %add3A = vector.broadcast %broadcast_in_dim3A : vector<512x1xf32> to vector<512x1024xf32>
    %add3A_11 = vector.broadcast %broadcast_in_dim3A_10 : vector<1x1024xf32> to vector<512x1024xf32>
    %add3A_12 = arith.addf %add3A, %add3A_11 : vector<512x1024xf32>
    %mul3A_13 = arith.constant 2.000000e+00 : f32
    %mul3A_14 = vector.broadcast %mul3A_13 : f32 to vector<512x1024xf32>
    %mul3A_15 = arith.mulf %mul3A_14, %dot_general3A_9 : vector<512x1024xf32>
    %sub3A = arith.subf %add3A_12, %mul3A_15 : vector<512x1024xf32>
    %swap3A = arith.constant 0 : index
    %swap3A_16 = arith.constant 0 : index
    %swap3A_17 = vector.load %arg5[%swap3A, %swap3A_16] : memref<512x1024xf32, #tpu.memory_space<vmem>>, vector<512x1024xf32>
    tpu.vector_store %arg5[%swap3A, %swap3A_16], %sub3A {strides = array<i32>} : memref<512x1024xf32, #tpu.memory_space<vmem>>, vector<512x1024xf32>,
    %iota3A = tpu.iota {dimensions = array<i32: 1>} : vector<512x1024xi32>
    %iota3A_18 = tpu.iota {dimensions = array<i32: 1>} : vector<512x16xi32>
    %broadcast_in_dim3A_19 = arith.constant 0 : i32
    %broadcast_in_dim3A_20 = vector.broadcast %broadcast_in_dim3A_19 : i32 to vector<512x16xi32>
    %scan3A = arith.constant 0x7F800000 : f32
    %scan3A_21 = arith.constant 0 : i32
    %scan3A_22 = arith.constant 16 : i32
    %scan3A_23 = arith.addi %scan3A_21, %scan3A_22 : i32
    %scan3A_24 = arith.constant 1 : i32
    %scan3A_25 = scf.for %scan3A_34 = %scan3A_21 to %scan3A_23 step %scan3A_24 iter_args(%scan3A_35 = %broadcast_in_dim3A_20) -> (vector<512x16xi32>)  : i32 {
      %get3A_36 = arith.constant 0 : index
      %get3A_37 = arith.constant 0 : index
      %get3A_38 = vector.load %arg5[%get3A_36, %get3A_37] : memref<512x1024xf32, #tpu.memory_space<vmem>>, vector<512x1024xf32>
      %reduce_min3A = arith.constant dense<0x7F800000> : vector<512xf32>
      %reduce_min3A_39 = vector.multi_reduction <minimumf>, %get3A_38, %reduce_min3A [1] : vector<512x1024xf32> to vector<512xf32>
      %broadcast_in_dim3A_40 = vector.shape_cast %reduce_min3A_39 : vector<512xf32> to vector<512x1xf32>
      %eq3A = vector.broadcast %broadcast_in_dim3A_40 : vector<512x1xf32> to vector<512x1024xf32>
      %eq3A_41 = arith.cmpf oeq, %get3A_38, %eq3A : vector<512x1024xf32>
      %jit3A = arith.constant 1024 : i32
      %broadcast_in_dim3A_42 = vector.broadcast %jit3A : i32 to vector<512x1024xi32>
      %select_n3A = arith.select %eq3A_41, %iota3A, %broadcast_in_dim3A_42 : vector<512x1024xi1>, vector<512x1024xi32>
      %reduce_min3A_43 = arith.constant dense<2147483647> : vector<512xi32>
      %reduce_min3A_44 = vector.multi_reduction <minsi>, %select_n3A, %reduce_min3A_43 [1] : vector<512x1024xi32> to vector<512xi32>
      %broadcast_in_dim3A_45 = vector.shape_cast %reduce_min3A_44 : vector<512xi32> to vector<512x1xi32>
      %eq3A_46 = vector.broadcast %broadcast_in_dim3A_45 : vector<512x1xi32> to vector<512x1024xi32>
      %eq3A_47 = arith.cmpi eq, %iota3A, %eq3A_46 : vector<512x1024xi32>
      %broadcast_in_dim3A_48 = vector.broadcast %scan3A : f32 to vector<512x1024xf32>
      %select_n3A_49 = arith.select %eq3A_47, %broadcast_in_dim3A_48, %get3A_38 : vector<512x1024xi1>, vector<512x1024xf32>
      %swap3A_50 = arith.constant 0 : index
      %swap3A_51 = arith.constant 0 : index
      %swap3A_52 = vector.load %arg5[%swap3A_50, %swap3A_51] : memref<512x1024xf32, #tpu.memory_space<vmem>>, vector<512x1024xf32>
      tpu.vector_store %arg5[%swap3A_50, %swap3A_51], %select_n3A_49 {strides = array<i32>} : memref<512x1024xf32, #tpu.memory_space<vmem>>, vector<512x1024xf32>,
      %eq3A_53 = vector.broadcast %scan3A_34 : i32 to vector<512x16xi32>
      %eq3A_54 = arith.cmpi eq, %iota3A_18, %eq3A_53 : vector<512x16xi32>
      %broadcast_in_dim3A_55 = vector.shape_cast %broadcast_in_dim3A_45 : vector<512x1xi32> to vector<512x1xi32>
      %broadcast_in_dim3A_56 = vector.broadcast %broadcast_in_dim3A_55 : vector<512x1xi32> to vector<512x16xi32>
      %select_n3A_57 = arith.select %eq3A_54, %broadcast_in_dim3A_56, %scan3A_35 : vector<512x16xi1>, vector<512x16xi32>
      scf.yield %select_n3A_57 : vector<512x16xi32>
    }
    %scan3A_26 = arith.constant 16 : i32
    %mul3A_27 = arith.constant 1024 : i32
    %mul3A_28 = arith.muli %arg0, %mul3A_27 : i32
    %add3A_29 = vector.broadcast %mul3A_28 : i32 to vector<512x16xi32>
    %add3A_30 = arith.addi %scan3A_25, %add3A_29 : vector<512x16xi32>
    %swap3A_31 = arith.constant 0 : index
    %swap3A_32 = arith.constant 0 : index
    %swap3A_33 = vector.load %arg4[%swap3A_31, %swap3A_32] : memref<512x16xi32, #tpu.memory_space<vmem>>, vector<512x16xi32>
    tpu.vector_store %arg4[%swap3A_31, %swap3A_32], %add3A_30 {strides = array<i32>} : memref<512x16xi32, #tpu.memory_space<vmem>>, vector<512x16xi32>,
    return
  }
  func.func @transform_0(%arg0: i32, %arg1: i32) -> (i32, i32) {
    %mul3A = arith.constant 2 : i32
    %mul3A_0 = arith.muli %arg0, %mul3A : i32
    %add3A = arith.addi %mul3A_0, %arg1 : i32
    %c0_i32 = arith.constant 0 : i32
    %c0_i32_1 = arith.constant 0 : i32
    return %add3A, %c0_i32 : i32, i32
  }
  func.func @transform_1(%arg0: i32, %arg1: i32) -> (i32, i32) {
    %c0_i32 = arith.constant 0 : i32
    %c0_i32_0 = arith.constant 0 : i32
    return %arg0, %c0_i32 : i32, i32
  }
  func.func @transform_2(%arg0: i32, %arg1: i32) -> (i32, i32) {
    %mul3A = arith.constant 2 : i32
    %mul3A_0 = arith.muli %arg0, %mul3A : i32
    %add3A = arith.addi %mul3A_0, %arg1 : i32
    %c0_i32 = arith.constant 0 : i32
    %c0_i32_1 = arith.constant 0 : i32
    return %add3A, %c0_i32 : i32, i32
  }
}

module attributes {stable_mosaic.version = 14 : i64} {
  func.func @_conv1_body(%arg0: i32, %arg1: i32, %arg2: memref<1x16x1024xf32, #tpu.memory_space<vmem>>, %arg3: memref<1x16x1024xf32, #tpu.memory_space<vmem>>, %arg4: memref<1x16x1024xf32, #tpu.memory_space<vmem>>, %arg5: memref<1x16x1024xf32, #tpu.memory_space<vmem>>, %arg6: memref<16x1024xf32, #tpu.memory_space<vmem>>, %arg7: memref<4x16xf32, #tpu.memory_space<vmem>>, %arg8: memref<1x16xf32, #tpu.memory_space<vmem>>, %arg9: memref<16x32xf32, #tpu.memory_space<vmem>>, %arg10: memref<1x32xf32, #tpu.memory_space<vmem>>, %arg11: memref<1024x32xf32, #tpu.memory_space<vmem>>, %arg12: memref<1x4x4x1024xf32, #tpu.memory_space<vmem>>, %arg13: memref<1024x32xf32, #tpu.memory_space<vmem>>) attributes {dimension_semantics = [#tpu.dimension_semantics<arbitrary>, #tpu.dimension_semantics<arbitrary>], iteration_bounds = array<i64: 32, 4>, scalar_prefetch = 0 : i64, scratch_operands = 1 : i64, tpu.core_type = #tpu.core_type<tc>, window_params = [{transform_indices = @transform_0, window_bounds = array<i64: 1, 16, 1024>}, {transform_indices = @transform_1, window_bounds = array<i64: 1, 16, 1024>}, {transform_indices = @transform_2, window_bounds = array<i64: 1, 16, 1024>}, {transform_indices = @transform_3, window_bounds = array<i64: 1, 16, 1024>}, {transform_indices = @transform_4, window_bounds = array<i64: 16, 1024>}, {pipeline_mode = #tpu.pipeline_mode<synchronous>, transform_indices = @transform_5, window_bounds = array<i64: 4, 16>}, {pipeline_mode = #tpu.pipeline_mode<synchronous>, transform_indices = @transform_6, window_bounds = array<i64: 1, 16>}, {pipeline_mode = #tpu.pipeline_mode<synchronous>, transform_indices = @transform_7, window_bounds = array<i64: 16, 32>}, {pipeline_mode = #tpu.pipeline_mode<synchronous>, transform_indices = @transform_8, window_bounds = array<i64: 1, 32>}, {transform_indices = @transform_9, window_bounds = array<i64: 1024, 32>}, {transform_indices = @transform_10, window_bounds = array<i64: 1, 4, 4, 1024>}]} {
    %get3A = arith.constant 0 : index
    %get3A_0 = arith.constant 0 : index
    %get3A_1 = vector.load %arg6[%get3A, %get3A_0] : memref<16x1024xf32, #tpu.memory_space<vmem>>, vector<16x1024xf32>
    %get3A_2 = arith.constant 0 : index
    %get3A_3 = arith.constant 0 : index
    %get3A_4 = arith.constant 0 : index
    %get3A_5 = vector.load %arg2[%get3A_2, %get3A_3, %get3A_4] : memref<1x16x1024xf32, #tpu.memory_space<vmem>>, vector<1x16x1024xf32>
    %get3A_6 = vector.shape_cast %get3A_5 : vector<1x16x1024xf32> to vector<16x1024xf32>
    %slice3A = vector.extract_strided_slice %get3A_6 {offsets = [0, 0], sizes = [1, 1024], strides = [1, 1]} : vector<16x1024xf32> to vector<1x1024xf32>
    %slice3A_7 = vector.extract_strided_slice %get3A_1 {offsets = [0, 0], sizes = [1, 1024], strides = [1, 1]} : vector<16x1024xf32> to vector<1x1024xf32>
    %sub3A = arith.subf %slice3A, %slice3A_7 : vector<1x1024xf32>
    %slice3A_8 = vector.extract_strided_slice %get3A_6 {offsets = [1, 0], sizes = [1, 1024], strides = [1, 1]} : vector<16x1024xf32> to vector<1x1024xf32>
    %slice3A_9 = vector.extract_strided_slice %get3A_1 {offsets = [1, 0], sizes = [1, 1024], strides = [1, 1]} : vector<16x1024xf32> to vector<1x1024xf32>
    %sub3A_10 = arith.subf %slice3A_8, %slice3A_9 : vector<1x1024xf32>
    %slice3A_11 = vector.extract_strided_slice %get3A_6 {offsets = [2, 0], sizes = [1, 1024], strides = [1, 1]} : vector<16x1024xf32> to vector<1x1024xf32>
    %slice3A_12 = vector.extract_strided_slice %get3A_1 {offsets = [2, 0], sizes = [1, 1024], strides = [1, 1]} : vector<16x1024xf32> to vector<1x1024xf32>
    %sub3A_13 = arith.subf %slice3A_11, %slice3A_12 : vector<1x1024xf32>
    %slice3A_14 = vector.extract_strided_slice %get3A_1 {offsets = [3, 0], sizes = [1, 1024], strides = [1, 1]} : vector<16x1024xf32> to vector<1x1024xf32>
    %slice3A_15 = vector.extract_strided_slice %get3A_1 {offsets = [4, 0], sizes = [1, 1024], strides = [1, 1]} : vector<16x1024xf32> to vector<1x1024xf32>
    %slice3A_16 = vector.extract_strided_slice %get3A_1 {offsets = [5, 0], sizes = [1, 1024], strides = [1, 1]} : vector<16x1024xf32> to vector<1x1024xf32>
    %slice3A_17 = vector.extract_strided_slice %get3A_6 {offsets = [3, 0], sizes = [1, 1024], strides = [1, 1]} : vector<16x1024xf32> to vector<1x1024xf32>
    %slice3A_18 = vector.extract_strided_slice %get3A_6 {offsets = [4, 0], sizes = [1, 1024], strides = [1, 1]} : vector<16x1024xf32> to vector<1x1024xf32>
    %slice3A_19 = vector.extract_strided_slice %get3A_6 {offsets = [5, 0], sizes = [1, 1024], strides = [1, 1]} : vector<16x1024xf32> to vector<1x1024xf32>
    %mul3A = arith.mulf %sub3A, %sub3A : vector<1x1024xf32>
    %mul3A_20 = arith.mulf %sub3A_10, %sub3A_10 : vector<1x1024xf32>
    %add3A = arith.addf %mul3A, %mul3A_20 : vector<1x1024xf32>
    %mul3A_21 = arith.mulf %sub3A_13, %sub3A_13 : vector<1x1024xf32>
    %add3A_22 = arith.addf %add3A, %mul3A_21 : vector<1x1024xf32>
    %eq3A = arith.constant 0.000000e+00 : f32
    %eq3A_23 = vector.broadcast %eq3A : f32 to vector<1x1024xf32>
    %eq3A_24 = arith.cmpf oeq, %add3A_22, %eq3A_23 : vector<1x1024xf32>
    %eq3A_25 = arith.constant 0.000000e+00 : f32
    %eq3A_26 = vector.broadcast %eq3A_25 : f32 to vector<1x1024xf32>
    %eq3A_27 = arith.cmpf oeq, %add3A_22, %eq3A_26 : vector<1x1024xf32>
    %jit3A = arith.constant 1.000000e+00 : f32
    %broadcast_in_dim3A = vector.broadcast %jit3A : f32 to vector<1x1024xf32>
    %select_n3A = arith.select %eq3A_27, %broadcast_in_dim3A, %add3A_22 : vector<1x1024xi1>, vector<1x1024xf32>
    %rsqrt3A = math.rsqrt %select_n3A : vector<1x1024xf32>
    %mul3A_28 = arith.constant 5.000000e-01 : f32
    %mul3A_29 = vector.broadcast %mul3A_28 : f32 to vector<1x1024xf32>
    %mul3A_30 = arith.mulf %mul3A_29, %select_n3A : vector<1x1024xf32>
    %mul3A_31 = arith.mulf %mul3A_30, %rsqrt3A : vector<1x1024xf32>
    %mul3A_32 = arith.mulf %mul3A_31, %rsqrt3A : vector<1x1024xf32>
    %sub3A_33 = arith.constant 1.500000e+00 : f32
    %sub3A_34 = vector.broadcast %sub3A_33 : f32 to vector<1x1024xf32>
    %sub3A_35 = arith.subf %sub3A_34, %mul3A_32 : vector<1x1024xf32>
    %mul3A_36 = arith.mulf %rsqrt3A, %sub3A_35 : vector<1x1024xf32>
    %mul3A_37 = arith.constant 5.000000e-01 : f32
    %mul3A_38 = vector.broadcast %mul3A_37 : f32 to vector<1x1024xf32>
    %mul3A_39 = arith.mulf %mul3A_38, %select_n3A : vector<1x1024xf32>
    %mul3A_40 = arith.mulf %mul3A_39, %mul3A_36 : vector<1x1024xf32>
    %mul3A_41 = arith.mulf %mul3A_40, %mul3A_36 : vector<1x1024xf32>
    %sub3A_42 = arith.constant 1.500000e+00 : f32
    %sub3A_43 = vector.broadcast %sub3A_42 : f32 to vector<1x1024xf32>
    %sub3A_44 = arith.subf %sub3A_43, %mul3A_41 : vector<1x1024xf32>
    %mul3A_45 = arith.mulf %mul3A_36, %sub3A_44 : vector<1x1024xf32>
    %mul3A_46 = arith.mulf %select_n3A, %mul3A_45 : vector<1x1024xf32>
    %jit3A_47 = arith.constant 0.000000e+00 : f32
    %broadcast_in_dim3A_48 = vector.broadcast %jit3A_47 : f32 to vector<1x1024xf32>
    %select_n3A_49 = arith.select %eq3A_24, %broadcast_in_dim3A_48, %mul3A_46 : vector<1x1024xi1>, vector<1x1024xf32>
    %mul3A_50 = arith.mulf %slice3A_15, %sub3A_13 : vector<1x1024xf32>
    %mul3A_51 = arith.mulf %slice3A_16, %sub3A_10 : vector<1x1024xf32>
    %sub3A_52 = arith.subf %mul3A_50, %mul3A_51 : vector<1x1024xf32>
    %mul3A_53 = arith.mulf %slice3A_16, %sub3A : vector<1x1024xf32>
    %mul3A_54 = arith.mulf %slice3A_14, %sub3A_13 : vector<1x1024xf32>
    %sub3A_55 = arith.subf %mul3A_53, %mul3A_54 : vector<1x1024xf32>
    %mul3A_56 = arith.mulf %slice3A_14, %sub3A_10 : vector<1x1024xf32>
    %mul3A_57 = arith.mulf %slice3A_15, %sub3A : vector<1x1024xf32>
    %sub3A_58 = arith.subf %mul3A_56, %mul3A_57 : vector<1x1024xf32>
    %mul3A_59 = arith.mulf %sub3A_52, %sub3A_52 : vector<1x1024xf32>
    %mul3A_60 = arith.mulf %sub3A_55, %sub3A_55 : vector<1x1024xf32>
    %add3A_61 = arith.addf %mul3A_59, %mul3A_60 : vector<1x1024xf32>
    %mul3A_62 = arith.mulf %sub3A_58, %sub3A_58 : vector<1x1024xf32>
    %add3A_63 = arith.addf %add3A_61, %mul3A_62 : vector<1x1024xf32>
    %eq3A_64 = arith.constant 0.000000e+00 : f32
    %eq3A_65 = vector.broadcast %eq3A_64 : f32 to vector<1x1024xf32>
    %eq3A_66 = arith.cmpf oeq, %add3A_63, %eq3A_65 : vector<1x1024xf32>
    %eq3A_67 = arith.constant 0.000000e+00 : f32
    %eq3A_68 = vector.broadcast %eq3A_67 : f32 to vector<1x1024xf32>
    %eq3A_69 = arith.cmpf oeq, %add3A_63, %eq3A_68 : vector<1x1024xf32>
    %jit3A_70 = arith.constant 1.000000e+00 : f32
    %broadcast_in_dim3A_71 = vector.broadcast %jit3A_70 : f32 to vector<1x1024xf32>
    %select_n3A_72 = arith.select %eq3A_69, %broadcast_in_dim3A_71, %add3A_63 : vector<1x1024xi1>, vector<1x1024xf32>
    %rsqrt3A_73 = math.rsqrt %select_n3A_72 : vector<1x1024xf32>
    %mul3A_74 = arith.constant 5.000000e-01 : f32
    %mul3A_75 = vector.broadcast %mul3A_74 : f32 to vector<1x1024xf32>
    %mul3A_76 = arith.mulf %mul3A_75, %select_n3A_72 : vector<1x1024xf32>
    %mul3A_77 = arith.mulf %mul3A_76, %rsqrt3A_73 : vector<1x1024xf32>
    %mul3A_78 = arith.mulf %mul3A_77, %rsqrt3A_73 : vector<1x1024xf32>
    %sub3A_79 = arith.constant 1.500000e+00 : f32
    %sub3A_80 = vector.broadcast %sub3A_79 : f32 to vector<1x1024xf32>
    %sub3A_81 = arith.subf %sub3A_80, %mul3A_78 : vector<1x1024xf32>
    %mul3A_82 = arith.mulf %rsqrt3A_73, %sub3A_81 : vector<1x1024xf32>
    %mul3A_83 = arith.constant 5.000000e-01 : f32
    %mul3A_84 = vector.broadcast %mul3A_83 : f32 to vector<1x1024xf32>
    %mul3A_85 = arith.mulf %mul3A_84, %select_n3A_72 : vector<1x1024xf32>
    %mul3A_86 = arith.mulf %mul3A_85, %mul3A_82 : vector<1x1024xf32>
    %mul3A_87 = arith.mulf %mul3A_86, %mul3A_82 : vector<1x1024xf32>
    %sub3A_88 = arith.constant 1.500000e+00 : f32
    %sub3A_89 = vector.broadcast %sub3A_88 : f32 to vector<1x1024xf32>
    %sub3A_90 = arith.subf %sub3A_89, %mul3A_87 : vector<1x1024xf32>
    %mul3A_91 = arith.mulf %mul3A_82, %sub3A_90 : vector<1x1024xf32>
    %mul3A_92 = arith.mulf %select_n3A_72, %mul3A_91 : vector<1x1024xf32>
    %jit3A_93 = arith.constant 0.000000e+00 : f32
    %broadcast_in_dim3A_94 = vector.broadcast %jit3A_93 : f32 to vector<1x1024xf32>
    %select_n3A_95 = arith.select %eq3A_66, %broadcast_in_dim3A_94, %mul3A_92 : vector<1x1024xi1>, vector<1x1024xf32>
    %mul3A_96 = arith.mulf %slice3A_14, %sub3A : vector<1x1024xf32>
    %mul3A_97 = arith.mulf %slice3A_15, %sub3A_10 : vector<1x1024xf32>
    %add3A_98 = arith.addf %mul3A_96, %mul3A_97 : vector<1x1024xf32>
    %mul3A_99 = arith.mulf %slice3A_16, %sub3A_13 : vector<1x1024xf32>
    %add3A_100 = arith.addf %add3A_98, %mul3A_99 : vector<1x1024xf32>
    %eq3A_101 = arith.constant 0.000000e+00 : f32
    %eq3A_102 = vector.broadcast %eq3A_101 : f32 to vector<1x1024xf32>
    %eq3A_103 = arith.cmpf oeq, %select_n3A_95, %eq3A_102 : vector<1x1024xf32>
    %eq3A_104 = arith.constant 0.000000e+00 : f32
    %eq3A_105 = vector.broadcast %eq3A_104 : f32 to vector<1x1024xf32>
    %eq3A_106 = arith.cmpf oeq, %add3A_100, %eq3A_105 : vector<1x1024xf32>
    %and3A = arith.andi %eq3A_103, %eq3A_106 : vector<1x1024xi1>
    %jit3A_107 = arith.constant 0.000000e+00 : f32
    %broadcast_in_dim3A_108 = vector.broadcast %jit3A_107 : f32 to vector<1x1024xf32>
    %select_n3A_109 = arith.select %and3A, %broadcast_in_dim3A_108, %select_n3A_95 : vector<1x1024xi1>, vector<1x1024xf32>
    %jit3A_110 = arith.constant 1.000000e+00 : f32
    %broadcast_in_dim3A_111 = vector.broadcast %jit3A_110 : f32 to vector<1x1024xf32>
    %select_n3A_112 = arith.select %and3A, %broadcast_in_dim3A_111, %add3A_100 : vector<1x1024xi1>, vector<1x1024xf32>
    %abs3A = math.absf %select_n3A_112 : vector<1x1024xf32>
    %min3A = arith.minimumf %select_n3A_109, %abs3A : vector<1x1024xf32>
    %max3A = arith.maximumf %select_n3A_109, %abs3A : vector<1x1024xf32>
    %integer_pow3A = arith.constant 1.000000e+00 : f32
    %integer_pow3A_113 = vector.broadcast %integer_pow3A : f32 to vector<1x1024xf32>
    %integer_pow3A_114 = arith.divf %integer_pow3A_113, %max3A : vector<1x1024xf32>
    %mul3A_115 = arith.mulf %max3A, %integer_pow3A_114 : vector<1x1024xf32>
    %sub3A_116 = arith.constant 2.000000e+00 : f32
    %sub3A_117 = vector.broadcast %sub3A_116 : f32 to vector<1x1024xf32>
    %sub3A_118 = arith.subf %sub3A_117, %mul3A_115 : vector<1x1024xf32>
    %mul3A_119 = arith.mulf %integer_pow3A_114, %sub3A_118 : vector<1x1024xf32>
    %mul3A_120 = arith.mulf %max3A, %mul3A_119 : vector<1x1024xf32>
    %sub3A_121 = arith.constant 2.000000e+00 : f32
    %sub3A_122 = vector.broadcast %sub3A_121 : f32 to vector<1x1024xf32>
    %sub3A_123 = arith.subf %sub3A_122, %mul3A_120 : vector<1x1024xf32>
    %mul3A_124 = arith.mulf %mul3A_119, %sub3A_123 : vector<1x1024xf32>
    %mul3A_125 = arith.mulf %min3A, %mul3A_124 : vector<1x1024xf32>
    %mul3A_126 = arith.mulf %mul3A_125, %mul3A_125 : vector<1x1024xf32>
    %mul3A_127 = arith.constant 0.00304996455 : f32
    %mul3A_128 = vector.broadcast %mul3A_127 : f32 to vector<1x1024xf32>
    %mul3A_129 = arith.mulf %mul3A_128, %mul3A_126 : vector<1x1024xf32>
    %add3A_130 = arith.constant -0.0168274343 : f32
    %add3A_131 = vector.broadcast %add3A_130 : f32 to vector<1x1024xf32>
    %add3A_132 = arith.addf %mul3A_129, %add3A_131 : vector<1x1024xf32>
    %mul3A_133 = arith.mulf %add3A_132, %mul3A_126 : vector<1x1024xf32>
    %add3A_134 = arith.constant 0.043855574 : f32
    %add3A_135 = vector.broadcast %add3A_134 : f32 to vector<1x1024xf32>
    %add3A_136 = arith.addf %mul3A_133, %add3A_135 : vector<1x1024xf32>
    %mul3A_137 = arith.mulf %add3A_136, %mul3A_126 : vector<1x1024xf32>
    %add3A_138 = arith.constant -0.0759680793 : f32
    %add3A_139 = vector.broadcast %add3A_138 : f32 to vector<1x1024xf32>
    %add3A_140 = arith.addf %mul3A_137, %add3A_139 : vector<1x1024xf32>
    %mul3A_141 = arith.mulf %add3A_140, %mul3A_126 : vector<1x1024xf32>
    %add3A_142 = arith.constant 0.106814198 : f32
    %add3A_143 = vector.broadcast %add3A_142 : f32 to vector<1x1024xf32>
    %add3A_144 = arith.addf %mul3A_141, %add3A_143 : vector<1x1024xf32>
    %mul3A_145 = arith.mulf %add3A_144, %mul3A_126 : vector<1x1024xf32>
    %add3A_146 = arith.constant -0.142131954 : f32
    %add3A_147 = vector.broadcast %add3A_146 : f32 to vector<1x1024xf32>
    %add3A_148 = arith.addf %mul3A_145, %add3A_147 : vector<1x1024xf32>
    %mul3A_149 = arith.mulf %add3A_148, %mul3A_126 : vector<1x1024xf32>
    %add3A_150 = arith.constant 0.199937165 : f32
    %add3A_151 = vector.broadcast %add3A_150 : f32 to vector<1x1024xf32>
    %add3A_152 = arith.addf %mul3A_149, %add3A_151 : vector<1x1024xf32>
    %mul3A_153 = arith.mulf %add3A_152, %mul3A_126 : vector<1x1024xf32>
    %add3A_154 = arith.constant -0.333331198 : f32
    %add3A_155 = vector.broadcast %add3A_154 : f32 to vector<1x1024xf32>
    %add3A_156 = arith.addf %mul3A_153, %add3A_155 : vector<1x1024xf32>
    %mul3A_157 = arith.mulf %add3A_156, %mul3A_126 : vector<1x1024xf32>
    %add3A_158 = arith.constant 1.000000e+00 : f32
    %add3A_159 = vector.broadcast %add3A_158 : f32 to vector<1x1024xf32>
    %add3A_160 = arith.addf %mul3A_157, %add3A_159 : vector<1x1024xf32>
    %mul3A_161 = arith.mulf %add3A_160, %mul3A_125 : vector<1x1024xf32>
    %gt3A = arith.cmpf ogt, %select_n3A_109, %abs3A : vector<1x1024xf32>
    %sub3A_162 = arith.constant 1.57079637 : f32
    %sub3A_163 = vector.broadcast %sub3A_162 : f32 to vector<1x1024xf32>
    %sub3A_164 = arith.subf %sub3A_163, %mul3A_161 : vector<1x1024xf32>
    %select_n3A_165 = arith.select %gt3A, %sub3A_164, %mul3A_161 : vector<1x1024xi1>, vector<1x1024xf32>
    %lt3A = arith.constant 0.000000e+00 : f32
    %lt3A_166 = vector.broadcast %lt3A : f32 to vector<1x1024xf32>
    %lt3A_167 = arith.cmpf olt, %select_n3A_112, %lt3A_166 : vector<1x1024xf32>
    %sub3A_168 = arith.constant 3.14159274 : f32
    %sub3A_169 = vector.broadcast %sub3A_168 : f32 to vector<1x1024xf32>
    %sub3A_170 = arith.subf %sub3A_169, %select_n3A_165 : vector<1x1024xf32>
    %select_n3A_171 = arith.select %lt3A_167, %sub3A_170, %select_n3A_165 : vector<1x1024xi1>, vector<1x1024xf32>
    %mul3A_172 = arith.mulf %slice3A_18, %sub3A_13 : vector<1x1024xf32>
    %mul3A_173 = arith.mulf %slice3A_19, %sub3A_10 : vector<1x1024xf32>
    %sub3A_174 = arith.subf %mul3A_172, %mul3A_173 : vector<1x1024xf32>
    %mul3A_175 = arith.mulf %slice3A_19, %sub3A : vector<1x1024xf32>
    %mul3A_176 = arith.mulf %slice3A_17, %sub3A_13 : vector<1x1024xf32>
    %sub3A_177 = arith.subf %mul3A_175, %mul3A_176 : vector<1x1024xf32>
    %mul3A_178 = arith.mulf %slice3A_17, %sub3A_10 : vector<1x1024xf32>
    %mul3A_179 = arith.mulf %slice3A_18, %sub3A : vector<1x1024xf32>
    %sub3A_180 = arith.subf %mul3A_178, %mul3A_179 : vector<1x1024xf32>
    %mul3A_181 = arith.mulf %sub3A_174, %sub3A_174 : vector<1x1024xf32>
    %mul3A_182 = arith.mulf %sub3A_177, %sub3A_177 : vector<1x1024xf32>
    %add3A_183 = arith.addf %mul3A_181, %mul3A_182 : vector<1x1024xf32>
    %mul3A_184 = arith.mulf %sub3A_180, %sub3A_180 : vector<1x1024xf32>
    %add3A_185 = arith.addf %add3A_183, %mul3A_184 : vector<1x1024xf32>
    %eq3A_186 = arith.constant 0.000000e+00 : f32
    %eq3A_187 = vector.broadcast %eq3A_186 : f32 to vector<1x1024xf32>
    %eq3A_188 = arith.cmpf oeq, %add3A_185, %eq3A_187 : vector<1x1024xf32>
    %eq3A_189 = arith.constant 0.000000e+00 : f32
    %eq3A_190 = vector.broadcast %eq3A_189 : f32 to vector<1x1024xf32>
    %eq3A_191 = arith.cmpf oeq, %add3A_185, %eq3A_190 : vector<1x1024xf32>
    %jit3A_192 = arith.constant 1.000000e+00 : f32
    %broadcast_in_dim3A_193 = vector.broadcast %jit3A_192 : f32 to vector<1x1024xf32>
    %select_n3A_194 = arith.select %eq3A_191, %broadcast_in_dim3A_193, %add3A_185 : vector<1x1024xi1>, vector<1x1024xf32>
    %rsqrt3A_195 = math.rsqrt %select_n3A_194 : vector<1x1024xf32>
    %mul3A_196 = arith.constant 5.000000e-01 : f32
    %mul3A_197 = vector.broadcast %mul3A_196 : f32 to vector<1x1024xf32>
    %mul3A_198 = arith.mulf %mul3A_197, %select_n3A_194 : vector<1x1024xf32>
    %mul3A_199 = arith.mulf %mul3A_198, %rsqrt3A_195 : vector<1x1024xf32>
    %mul3A_200 = arith.mulf %mul3A_199, %rsqrt3A_195 : vector<1x1024xf32>
    %sub3A_201 = arith.constant 1.500000e+00 : f32
    %sub3A_202 = vector.broadcast %sub3A_201 : f32 to vector<1x1024xf32>
    %sub3A_203 = arith.subf %sub3A_202, %mul3A_200 : vector<1x1024xf32>
    %mul3A_204 = arith.mulf %rsqrt3A_195, %sub3A_203 : vector<1x1024xf32>
    %mul3A_205 = arith.constant 5.000000e-01 : f32
    %mul3A_206 = vector.broadcast %mul3A_205 : f32 to vector<1x1024xf32>
    %mul3A_207 = arith.mulf %mul3A_206, %select_n3A_194 : vector<1x1024xf32>
    %mul3A_208 = arith.mulf %mul3A_207, %mul3A_204 : vector<1x1024xf32>
    %mul3A_209 = arith.mulf %mul3A_208, %mul3A_204 : vector<1x1024xf32>
    %sub3A_210 = arith.constant 1.500000e+00 : f32
    %sub3A_211 = vector.broadcast %sub3A_210 : f32 to vector<1x1024xf32>
    %sub3A_212 = arith.subf %sub3A_211, %mul3A_209 : vector<1x1024xf32>
    %mul3A_213 = arith.mulf %mul3A_204, %sub3A_212 : vector<1x1024xf32>
    %mul3A_214 = arith.mulf %select_n3A_194, %mul3A_213 : vector<1x1024xf32>
    %jit3A_215 = arith.constant 0.000000e+00 : f32
    %broadcast_in_dim3A_216 = vector.broadcast %jit3A_215 : f32 to vector<1x1024xf32>
    %select_n3A_217 = arith.select %eq3A_188, %broadcast_in_dim3A_216, %mul3A_214 : vector<1x1024xi1>, vector<1x1024xf32>
    %mul3A_218 = arith.mulf %slice3A_17, %sub3A : vector<1x1024xf32>
    %mul3A_219 = arith.mulf %slice3A_18, %sub3A_10 : vector<1x1024xf32>
    %add3A_220 = arith.addf %mul3A_218, %mul3A_219 : vector<1x1024xf32>
    %mul3A_221 = arith.mulf %slice3A_19, %sub3A_13 : vector<1x1024xf32>
    %add3A_222 = arith.addf %add3A_220, %mul3A_221 : vector<1x1024xf32>
    %eq3A_223 = arith.constant 0.000000e+00 : f32
    %eq3A_224 = vector.broadcast %eq3A_223 : f32 to vector<1x1024xf32>
    %eq3A_225 = arith.cmpf oeq, %select_n3A_217, %eq3A_224 : vector<1x1024xf32>
    %eq3A_226 = arith.constant 0.000000e+00 : f32
    %eq3A_227 = vector.broadcast %eq3A_226 : f32 to vector<1x1024xf32>
    %eq3A_228 = arith.cmpf oeq, %add3A_222, %eq3A_227 : vector<1x1024xf32>
    %and3A_229 = arith.andi %eq3A_225, %eq3A_228 : vector<1x1024xi1>
    %jit3A_230 = arith.constant 0.000000e+00 : f32
    %broadcast_in_dim3A_231 = vector.broadcast %jit3A_230 : f32 to vector<1x1024xf32>
    %select_n3A_232 = arith.select %and3A_229, %broadcast_in_dim3A_231, %select_n3A_217 : vector<1x1024xi1>, vector<1x1024xf32>
    %jit3A_233 = arith.constant 1.000000e+00 : f32
    %broadcast_in_dim3A_234 = vector.broadcast %jit3A_233 : f32 to vector<1x1024xf32>
    %select_n3A_235 = arith.select %and3A_229, %broadcast_in_dim3A_234, %add3A_222 : vector<1x1024xi1>, vector<1x1024xf32>
    %abs3A_236 = math.absf %select_n3A_235 : vector<1x1024xf32>
    %min3A_237 = arith.minimumf %select_n3A_232, %abs3A_236 : vector<1x1024xf32>
    %max3A_238 = arith.maximumf %select_n3A_232, %abs3A_236 : vector<1x1024xf32>
    %integer_pow3A_239 = arith.constant 1.000000e+00 : f32
    %integer_pow3A_240 = vector.broadcast %integer_pow3A_239 : f32 to vector<1x1024xf32>
    %integer_pow3A_241 = arith.divf %integer_pow3A_240, %max3A_238 : vector<1x1024xf32>
    %mul3A_242 = arith.mulf %max3A_238, %integer_pow3A_241 : vector<1x1024xf32>
    %sub3A_243 = arith.constant 2.000000e+00 : f32
    %sub3A_244 = vector.broadcast %sub3A_243 : f32 to vector<1x1024xf32>
    %sub3A_245 = arith.subf %sub3A_244, %mul3A_242 : vector<1x1024xf32>
    %mul3A_246 = arith.mulf %integer_pow3A_241, %sub3A_245 : vector<1x1024xf32>
    %mul3A_247 = arith.mulf %max3A_238, %mul3A_246 : vector<1x1024xf32>
    %sub3A_248 = arith.constant 2.000000e+00 : f32
    %sub3A_249 = vector.broadcast %sub3A_248 : f32 to vector<1x1024xf32>
    %sub3A_250 = arith.subf %sub3A_249, %mul3A_247 : vector<1x1024xf32>
    %mul3A_251 = arith.mulf %mul3A_246, %sub3A_250 : vector<1x1024xf32>
    %mul3A_252 = arith.mulf %min3A_237, %mul3A_251 : vector<1x1024xf32>
    %mul3A_253 = arith.mulf %mul3A_252, %mul3A_252 : vector<1x1024xf32>
    %mul3A_254 = arith.constant 0.00304996455 : f32
    %mul3A_255 = vector.broadcast %mul3A_254 : f32 to vector<1x1024xf32>
    %mul3A_256 = arith.mulf %mul3A_255, %mul3A_253 : vector<1x1024xf32>
    %add3A_257 = arith.constant -0.0168274343 : f32
    %add3A_258 = vector.broadcast %add3A_257 : f32 to vector<1x1024xf32>
    %add3A_259 = arith.addf %mul3A_256, %add3A_258 : vector<1x1024xf32>
    %mul3A_260 = arith.mulf %add3A_259, %mul3A_253 : vector<1x1024xf32>
    %add3A_261 = arith.constant 0.043855574 : f32
    %add3A_262 = vector.broadcast %add3A_261 : f32 to vector<1x1024xf32>
    %add3A_263 = arith.addf %mul3A_260, %add3A_262 : vector<1x1024xf32>
    %mul3A_264 = arith.mulf %add3A_263, %mul3A_253 : vector<1x1024xf32>
    %add3A_265 = arith.constant -0.0759680793 : f32
    %add3A_266 = vector.broadcast %add3A_265 : f32 to vector<1x1024xf32>
    %add3A_267 = arith.addf %mul3A_264, %add3A_266 : vector<1x1024xf32>
    %mul3A_268 = arith.mulf %add3A_267, %mul3A_253 : vector<1x1024xf32>
    %add3A_269 = arith.constant 0.106814198 : f32
    %add3A_270 = vector.broadcast %add3A_269 : f32 to vector<1x1024xf32>
    %add3A_271 = arith.addf %mul3A_268, %add3A_270 : vector<1x1024xf32>
    %mul3A_272 = arith.mulf %add3A_271, %mul3A_253 : vector<1x1024xf32>
    %add3A_273 = arith.constant -0.142131954 : f32
    %add3A_274 = vector.broadcast %add3A_273 : f32 to vector<1x1024xf32>
    %add3A_275 = arith.addf %mul3A_272, %add3A_274 : vector<1x1024xf32>
    %mul3A_276 = arith.mulf %add3A_275, %mul3A_253 : vector<1x1024xf32>
    %add3A_277 = arith.constant 0.199937165 : f32
    %add3A_278 = vector.broadcast %add3A_277 : f32 to vector<1x1024xf32>
    %add3A_279 = arith.addf %mul3A_276, %add3A_278 : vector<1x1024xf32>
    %mul3A_280 = arith.mulf %add3A_279, %mul3A_253 : vector<1x1024xf32>
    %add3A_281 = arith.constant -0.333331198 : f32
    %add3A_282 = vector.broadcast %add3A_281 : f32 to vector<1x1024xf32>
    %add3A_283 = arith.addf %mul3A_280, %add3A_282 : vector<1x1024xf32>
    %mul3A_284 = arith.mulf %add3A_283, %mul3A_253 : vector<1x1024xf32>
    %add3A_285 = arith.constant 1.000000e+00 : f32
    %add3A_286 = vector.broadcast %add3A_285 : f32 to vector<1x1024xf32>
    %add3A_287 = arith.addf %mul3A_284, %add3A_286 : vector<1x1024xf32>
    %mul3A_288 = arith.mulf %add3A_287, %mul3A_252 : vector<1x1024xf32>
    %gt3A_289 = arith.cmpf ogt, %select_n3A_232, %abs3A_236 : vector<1x1024xf32>
    %sub3A_290 = arith.constant 1.57079637 : f32
    %sub3A_291 = vector.broadcast %sub3A_290 : f32 to vector<1x1024xf32>
    %sub3A_292 = arith.subf %sub3A_291, %mul3A_288 : vector<1x1024xf32>
    %select_n3A_293 = arith.select %gt3A_289, %sub3A_292, %mul3A_288 : vector<1x1024xi1>, vector<1x1024xf32>
    %lt3A_294 = arith.constant 0.000000e+00 : f32
    %lt3A_295 = vector.broadcast %lt3A_294 : f32 to vector<1x1024xf32>
    %lt3A_296 = arith.cmpf olt, %select_n3A_235, %lt3A_295 : vector<1x1024xf32>
    %sub3A_297 = arith.constant 3.14159274 : f32
    %sub3A_298 = vector.broadcast %sub3A_297 : f32 to vector<1x1024xf32>
    %sub3A_299 = arith.subf %sub3A_298, %select_n3A_293 : vector<1x1024xf32>
    %select_n3A_300 = arith.select %lt3A_296, %sub3A_299, %select_n3A_293 : vector<1x1024xi1>, vector<1x1024xf32>
    %mul3A_301 = arith.mulf %slice3A_15, %slice3A_19 : vector<1x1024xf32>
    %mul3A_302 = arith.mulf %slice3A_16, %slice3A_18 : vector<1x1024xf32>
    %sub3A_303 = arith.subf %mul3A_301, %mul3A_302 : vector<1x1024xf32>
    %mul3A_304 = arith.mulf %slice3A_16, %slice3A_17 : vector<1x1024xf32>
    %mul3A_305 = arith.mulf %slice3A_14, %slice3A_19 : vector<1x1024xf32>
    %sub3A_306 = arith.subf %mul3A_304, %mul3A_305 : vector<1x1024xf32>
    %mul3A_307 = arith.mulf %slice3A_14, %slice3A_18 : vector<1x1024xf32>
    %mul3A_308 = arith.mulf %slice3A_15, %slice3A_17 : vector<1x1024xf32>
    %sub3A_309 = arith.subf %mul3A_307, %mul3A_308 : vector<1x1024xf32>
    %mul3A_310 = arith.mulf %sub3A_303, %sub3A_303 : vector<1x1024xf32>
    %mul3A_311 = arith.mulf %sub3A_306, %sub3A_306 : vector<1x1024xf32>
    %add3A_312 = arith.addf %mul3A_310, %mul3A_311 : vector<1x1024xf32>
    %mul3A_313 = arith.mulf %sub3A_309, %sub3A_309 : vector<1x1024xf32>
    %add3A_314 = arith.addf %add3A_312, %mul3A_313 : vector<1x1024xf32>
    %eq3A_315 = arith.constant 0.000000e+00 : f32
    %eq3A_316 = vector.broadcast %eq3A_315 : f32 to vector<1x1024xf32>
    %eq3A_317 = arith.cmpf oeq, %add3A_314, %eq3A_316 : vector<1x1024xf32>
    %eq3A_318 = arith.constant 0.000000e+00 : f32
    %eq3A_319 = vector.broadcast %eq3A_318 : f32 to vector<1x1024xf32>
    %eq3A_320 = arith.cmpf oeq, %add3A_314, %eq3A_319 : vector<1x1024xf32>
    %jit3A_321 = arith.constant 1.000000e+00 : f32
    %broadcast_in_dim3A_322 = vector.broadcast %jit3A_321 : f32 to vector<1x1024xf32>
    %select_n3A_323 = arith.select %eq3A_320, %broadcast_in_dim3A_322, %add3A_314 : vector<1x1024xi1>, vector<1x1024xf32>
    %rsqrt3A_324 = math.rsqrt %select_n3A_323 : vector<1x1024xf32>
    %mul3A_325 = arith.constant 5.000000e-01 : f32
    %mul3A_326 = vector.broadcast %mul3A_325 : f32 to vector<1x1024xf32>
    %mul3A_327 = arith.mulf %mul3A_326, %select_n3A_323 : vector<1x1024xf32>
    %mul3A_328 = arith.mulf %mul3A_327, %rsqrt3A_324 : vector<1x1024xf32>
    %mul3A_329 = arith.mulf %mul3A_328, %rsqrt3A_324 : vector<1x1024xf32>
    %sub3A_330 = arith.constant 1.500000e+00 : f32
    %sub3A_331 = vector.broadcast %sub3A_330 : f32 to vector<1x1024xf32>
    %sub3A_332 = arith.subf %sub3A_331, %mul3A_329 : vector<1x1024xf32>
    %mul3A_333 = arith.mulf %rsqrt3A_324, %sub3A_332 : vector<1x1024xf32>
    %mul3A_334 = arith.constant 5.000000e-01 : f32
    %mul3A_335 = vector.broadcast %mul3A_334 : f32 to vector<1x1024xf32>
    %mul3A_336 = arith.mulf %mul3A_335, %select_n3A_323 : vector<1x1024xf32>
    %mul3A_337 = arith.mulf %mul3A_336, %mul3A_333 : vector<1x1024xf32>
    %mul3A_338 = arith.mulf %mul3A_337, %mul3A_333 : vector<1x1024xf32>
    %sub3A_339 = arith.constant 1.500000e+00 : f32
    %sub3A_340 = vector.broadcast %sub3A_339 : f32 to vector<1x1024xf32>
    %sub3A_341 = arith.subf %sub3A_340, %mul3A_338 : vector<1x1024xf32>
    %mul3A_342 = arith.mulf %mul3A_333, %sub3A_341 : vector<1x1024xf32>
    %mul3A_343 = arith.mulf %select_n3A_323, %mul3A_342 : vector<1x1024xf32>
    %jit3A_344 = arith.constant 0.000000e+00 : f32
    %broadcast_in_dim3A_345 = vector.broadcast %jit3A_344 : f32 to vector<1x1024xf32>
    %select_n3A_346 = arith.select %eq3A_317, %broadcast_in_dim3A_345, %mul3A_343 : vector<1x1024xi1>, vector<1x1024xf32>
    %mul3A_347 = arith.mulf %slice3A_14, %slice3A_17 : vector<1x1024xf32>
    %mul3A_348 = arith.mulf %slice3A_15, %slice3A_18 : vector<1x1024xf32>
    %add3A_349 = arith.addf %mul3A_347, %mul3A_348 : vector<1x1024xf32>
    %mul3A_350 = arith.mulf %slice3A_16, %slice3A_19 : vector<1x1024xf32>
    %add3A_351 = arith.addf %add3A_349, %mul3A_350 : vector<1x1024xf32>
    %eq3A_352 = arith.constant 0.000000e+00 : f32
    %eq3A_353 = vector.broadcast %eq3A_352 : f32 to vector<1x1024xf32>
    %eq3A_354 = arith.cmpf oeq, %select_n3A_346, %eq3A_353 : vector<1x1024xf32>
    %eq3A_355 = arith.constant 0.000000e+00 : f32
    %eq3A_356 = vector.broadcast %eq3A_355 : f32 to vector<1x1024xf32>
    %eq3A_357 = arith.cmpf oeq, %add3A_351, %eq3A_356 : vector<1x1024xf32>
    %and3A_358 = arith.andi %eq3A_354, %eq3A_357 : vector<1x1024xi1>
    %jit3A_359 = arith.constant 0.000000e+00 : f32
    %broadcast_in_dim3A_360 = vector.broadcast %jit3A_359 : f32 to vector<1x1024xf32>
    %select_n3A_361 = arith.select %and3A_358, %broadcast_in_dim3A_360, %select_n3A_346 : vector<1x1024xi1>, vector<1x1024xf32>
    %jit3A_362 = arith.constant 1.000000e+00 : f32
    %broadcast_in_dim3A_363 = vector.broadcast %jit3A_362 : f32 to vector<1x1024xf32>
    %select_n3A_364 = arith.select %and3A_358, %broadcast_in_dim3A_363, %add3A_351 : vector<1x1024xi1>, vector<1x1024xf32>
    %abs3A_365 = math.absf %select_n3A_364 : vector<1x1024xf32>
    %min3A_366 = arith.minimumf %select_n3A_361, %abs3A_365 : vector<1x1024xf32>
    %max3A_367 = arith.maximumf %select_n3A_361, %abs3A_365 : vector<1x1024xf32>
    %integer_pow3A_368 = arith.constant 1.000000e+00 : f32
    %integer_pow3A_369 = vector.broadcast %integer_pow3A_368 : f32 to vector<1x1024xf32>
    %integer_pow3A_370 = arith.divf %integer_pow3A_369, %max3A_367 : vector<1x1024xf32>
    %mul3A_371 = arith.mulf %max3A_367, %integer_pow3A_370 : vector<1x1024xf32>
    %sub3A_372 = arith.constant 2.000000e+00 : f32
    %sub3A_373 = vector.broadcast %sub3A_372 : f32 to vector<1x1024xf32>
    %sub3A_374 = arith.subf %sub3A_373, %mul3A_371 : vector<1x1024xf32>
    %mul3A_375 = arith.mulf %integer_pow3A_370, %sub3A_374 : vector<1x1024xf32>
    %mul3A_376 = arith.mulf %max3A_367, %mul3A_375 : vector<1x1024xf32>
    %sub3A_377 = arith.constant 2.000000e+00 : f32
    %sub3A_378 = vector.broadcast %sub3A_377 : f32 to vector<1x1024xf32>
    %sub3A_379 = arith.subf %sub3A_378, %mul3A_376 : vector<1x1024xf32>
    %mul3A_380 = arith.mulf %mul3A_375, %sub3A_379 : vector<1x1024xf32>
    %mul3A_381 = arith.mulf %min3A_366, %mul3A_380 : vector<1x1024xf32>
    %mul3A_382 = arith.mulf %mul3A_381, %mul3A_381 : vector<1x1024xf32>
    %mul3A_383 = arith.constant 0.00304996455 : f32
    %mul3A_384 = vector.broadcast %mul3A_383 : f32 to vector<1x1024xf32>
    %mul3A_385 = arith.mulf %mul3A_384, %mul3A_382 : vector<1x1024xf32>
    %add3A_386 = arith.constant -0.0168274343 : f32
    %add3A_387 = vector.broadcast %add3A_386 : f32 to vector<1x1024xf32>
    %add3A_388 = arith.addf %mul3A_385, %add3A_387 : vector<1x1024xf32>
    %mul3A_389 = arith.mulf %add3A_388, %mul3A_382 : vector<1x1024xf32>
    %add3A_390 = arith.constant 0.043855574 : f32
    %add3A_391 = vector.broadcast %add3A_390 : f32 to vector<1x1024xf32>
    %add3A_392 = arith.addf %mul3A_389, %add3A_391 : vector<1x1024xf32>
    %mul3A_393 = arith.mulf %add3A_392, %mul3A_382 : vector<1x1024xf32>
    %add3A_394 = arith.constant -0.0759680793 : f32
    %add3A_395 = vector.broadcast %add3A_394 : f32 to vector<1x1024xf32>
    %add3A_396 = arith.addf %mul3A_393, %add3A_395 : vector<1x1024xf32>
    %mul3A_397 = arith.mulf %add3A_396, %mul3A_382 : vector<1x1024xf32>
    %add3A_398 = arith.constant 0.106814198 : f32
    %add3A_399 = vector.broadcast %add3A_398 : f32 to vector<1x1024xf32>
    %add3A_400 = arith.addf %mul3A_397, %add3A_399 : vector<1x1024xf32>
    %mul3A_401 = arith.mulf %add3A_400, %mul3A_382 : vector<1x1024xf32>
    %add3A_402 = arith.constant -0.142131954 : f32
    %add3A_403 = vector.broadcast %add3A_402 : f32 to vector<1x1024xf32>
    %add3A_404 = arith.addf %mul3A_401, %add3A_403 : vector<1x1024xf32>
    %mul3A_405 = arith.mulf %add3A_404, %mul3A_382 : vector<1x1024xf32>
    %add3A_406 = arith.constant 0.199937165 : f32
    %add3A_407 = vector.broadcast %add3A_406 : f32 to vector<1x1024xf32>
    %add3A_408 = arith.addf %mul3A_405, %add3A_407 : vector<1x1024xf32>
    %mul3A_409 = arith.mulf %add3A_408, %mul3A_382 : vector<1x1024xf32>
    %add3A_410 = arith.constant -0.333331198 : f32
    %add3A_411 = vector.broadcast %add3A_410 : f32 to vector<1x1024xf32>
    %add3A_412 = arith.addf %mul3A_409, %add3A_411 : vector<1x1024xf32>
    %mul3A_413 = arith.mulf %add3A_412, %mul3A_382 : vector<1x1024xf32>
    %add3A_414 = arith.constant 1.000000e+00 : f32
    %add3A_415 = vector.broadcast %add3A_414 : f32 to vector<1x1024xf32>
    %add3A_416 = arith.addf %mul3A_413, %add3A_415 : vector<1x1024xf32>
    %mul3A_417 = arith.mulf %add3A_416, %mul3A_381 : vector<1x1024xf32>
    %gt3A_418 = arith.cmpf ogt, %select_n3A_361, %abs3A_365 : vector<1x1024xf32>
    %sub3A_419 = arith.constant 1.57079637 : f32
    %sub3A_420 = vector.broadcast %sub3A_419 : f32 to vector<1x1024xf32>
    %sub3A_421 = arith.subf %sub3A_420, %mul3A_417 : vector<1x1024xf32>
    %select_n3A_422 = arith.select %gt3A_418, %sub3A_421, %mul3A_417 : vector<1x1024xi1>, vector<1x1024xf32>
    %lt3A_423 = arith.constant 0.000000e+00 : f32
    %lt3A_424 = vector.broadcast %lt3A_423 : f32 to vector<1x1024xf32>
    %lt3A_425 = arith.cmpf olt, %select_n3A_364, %lt3A_424 : vector<1x1024xf32>
    %sub3A_426 = arith.constant 3.14159274 : f32
    %sub3A_427 = vector.broadcast %sub3A_426 : f32 to vector<1x1024xf32>
    %sub3A_428 = arith.subf %sub3A_427, %select_n3A_422 : vector<1x1024xf32>
    %select_n3A_429 = arith.select %lt3A_425, %sub3A_428, %select_n3A_422 : vector<1x1024xi1>, vector<1x1024xf32>
    %concatenate3A = tpu.concatenate %select_n3A_49, %select_n3A_171, %select_n3A_300, %select_n3A_429 in 0 : vector<1x1024xf32>, vector<1x1024xf32>, vector<1x1024xf32>, vector<1x1024xf32> -> vector<4x1024xf32>
    %swap3A = arith.constant 0 : index
    %swap3A_430 = arith.constant 0 : index
    %swap3A_431 = arith.constant 0 : index
    %swap3A_432 = arith.constant 0 : index
    %swap3A_433 = vector.load %arg12[%swap3A, %swap3A_430, %swap3A_431, %swap3A_432] : memref<1x4x4x1024xf32, #tpu.memory_space<vmem>>, vector<1x1x4x1024xf32>
    %swap3A_434 = vector.shape_cast %swap3A_433 : vector<1x1x4x1024xf32> to vector<4x1024xf32>
    %swap3A_435 = vector.shape_cast %concatenate3A : vector<4x1024xf32> to vector<1x1x4x1024xf32>
    tpu.vector_store %arg12[%swap3A, %swap3A_430, %swap3A_431, %swap3A_432], %swap3A_435 {strides = array<i32>} : memref<1x4x4x1024xf32, #tpu.memory_space<vmem>>, vector<1x1x4x1024xf32>,
    %get3A_436 = arith.constant 0 : index
    %get3A_437 = arith.constant 0 : index
    %get3A_438 = arith.constant 0 : index
    %get3A_439 = vector.load %arg3[%get3A_436, %get3A_437, %get3A_438] : memref<1x16x1024xf32, #tpu.memory_space<vmem>>, vector<1x16x1024xf32>
    %get3A_440 = vector.shape_cast %get3A_439 : vector<1x16x1024xf32> to vector<16x1024xf32>
    %slice3A_441 = vector.extract_strided_slice %get3A_440 {offsets = [0, 0], sizes = [1, 1024], strides = [1, 1]} : vector<16x1024xf32> to vector<1x1024xf32>
    %slice3A_442 = vector.extract_strided_slice %get3A_1 {offsets = [0, 0], sizes = [1, 1024], strides = [1, 1]} : vector<16x1024xf32> to vector<1x1024xf32>
    %sub3A_443 = arith.subf %slice3A_441, %slice3A_442 : vector<1x1024xf32>
    %slice3A_444 = vector.extract_strided_slice %get3A_440 {offsets = [1, 0], sizes = [1, 1024], strides = [1, 1]} : vector<16x1024xf32> to vector<1x1024xf32>
    %slice3A_445 = vector.extract_strided_slice %get3A_1 {offsets = [1, 0], sizes = [1, 1024], strides = [1, 1]} : vector<16x1024xf32> to vector<1x1024xf32>
    %sub3A_446 = arith.subf %slice3A_444, %slice3A_445 : vector<1x1024xf32>
    %slice3A_447 = vector.extract_strided_slice %get3A_440 {offsets = [2, 0], sizes = [1, 1024], strides = [1, 1]} : vector<16x1024xf32> to vector<1x1024xf32>
    %slice3A_448 = vector.extract_strided_slice %get3A_1 {offsets = [2, 0], sizes = [1, 1024], strides = [1, 1]} : vector<16x1024xf32> to vector<1x1024xf32>
    %sub3A_449 = arith.subf %slice3A_447, %slice3A_448 : vector<1x1024xf32>
    %slice3A_450 = vector.extract_strided_slice %get3A_1 {offsets = [3, 0], sizes = [1, 1024], strides = [1, 1]} : vector<16x1024xf32> to vector<1x1024xf32>
    %slice3A_451 = vector.extract_strided_slice %get3A_1 {offsets = [4, 0], sizes = [1, 1024], strides = [1, 1]} : vector<16x1024xf32> to vector<1x1024xf32>
    %slice3A_452 = vector.extract_strided_slice %get3A_1 {offsets = [5, 0], sizes = [1, 1024], strides = [1, 1]} : vector<16x1024xf32> to vector<1x1024xf32>
    %slice3A_453 = vector.extract_strided_slice %get3A_440 {offsets = [3, 0], sizes = [1, 1024], strides = [1, 1]} : vector<16x1024xf32> to vector<1x1024xf32>
    %slice3A_454 = vector.extract_strided_slice %get3A_440 {offsets = [4, 0], sizes = [1, 1024], strides = [1, 1]} : vector<16x1024xf32> to vector<1x1024xf32>
    %slice3A_455 = vector.extract_strided_slice %get3A_440 {offsets = [5, 0], sizes = [1, 1024], strides = [1, 1]} : vector<16x1024xf32> to vector<1x1024xf32>
    %mul3A_456 = arith.mulf %sub3A_443, %sub3A_443 : vector<1x1024xf32>
    %mul3A_457 = arith.mulf %sub3A_446, %sub3A_446 : vector<1x1024xf32>
    %add3A_458 = arith.addf %mul3A_456, %mul3A_457 : vector<1x1024xf32>
    %mul3A_459 = arith.mulf %sub3A_449, %sub3A_449 : vector<1x1024xf32>
    %add3A_460 = arith.addf %add3A_458, %mul3A_459 : vector<1x1024xf32>
    %eq3A_461 = arith.constant 0.000000e+00 : f32
    %eq3A_462 = vector.broadcast %eq3A_461 : f32 to vector<1x1024xf32>
    %eq3A_463 = arith.cmpf oeq, %add3A_460, %eq3A_462 : vector<1x1024xf32>
    %eq3A_464 = arith.constant 0.000000e+00 : f32
    %eq3A_465 = vector.broadcast %eq3A_464 : f32 to vector<1x1024xf32>
    %eq3A_466 = arith.cmpf oeq, %add3A_460, %eq3A_465 : vector<1x1024xf32>
    %jit3A_467 = arith.constant 1.000000e+00 : f32
    %broadcast_in_dim3A_468 = vector.broadcast %jit3A_467 : f32 to vector<1x1024xf32>
    %select_n3A_469 = arith.select %eq3A_466, %broadcast_in_dim3A_468, %add3A_460 : vector<1x1024xi1>, vector<1x1024xf32>
    %rsqrt3A_470 = math.rsqrt %select_n3A_469 : vector<1x1024xf32>
    %mul3A_471 = arith.constant 5.000000e-01 : f32
    %mul3A_472 = vector.broadcast %mul3A_471 : f32 to vector<1x1024xf32>
    %mul3A_473 = arith.mulf %mul3A_472, %select_n3A_469 : vector<1x1024xf32>
    %mul3A_474 = arith.mulf %mul3A_473, %rsqrt3A_470 : vector<1x1024xf32>
    %mul3A_475 = arith.mulf %mul3A_474, %rsqrt3A_470 : vector<1x1024xf32>
    %sub3A_476 = arith.constant 1.500000e+00 : f32
    %sub3A_477 = vector.broadcast %sub3A_476 : f32 to vector<1x1024xf32>
    %sub3A_478 = arith.subf %sub3A_477, %mul3A_475 : vector<1x1024xf32>
    %mul3A_479 = arith.mulf %rsqrt3A_470, %sub3A_478 : vector<1x1024xf32>
    %mul3A_480 = arith.constant 5.000000e-01 : f32
    %mul3A_481 = vector.broadcast %mul3A_480 : f32 to vector<1x1024xf32>
    %mul3A_482 = arith.mulf %mul3A_481, %select_n3A_469 : vector<1x1024xf32>
    %mul3A_483 = arith.mulf %mul3A_482, %mul3A_479 : vector<1x1024xf32>
    %mul3A_484 = arith.mulf %mul3A_483, %mul3A_479 : vector<1x1024xf32>
    %sub3A_485 = arith.constant 1.500000e+00 : f32
    %sub3A_486 = vector.broadcast %sub3A_485 : f32 to vector<1x1024xf32>
    %sub3A_487 = arith.subf %sub3A_486, %mul3A_484 : vector<1x1024xf32>
    %mul3A_488 = arith.mulf %mul3A_479, %sub3A_487 : vector<1x1024xf32>
    %mul3A_489 = arith.mulf %select_n3A_469, %mul3A_488 : vector<1x1024xf32>
    %jit3A_490 = arith.constant 0.000000e+00 : f32
    %broadcast_in_dim3A_491 = vector.broadcast %jit3A_490 : f32 to vector<1x1024xf32>
    %select_n3A_492 = arith.select %eq3A_463, %broadcast_in_dim3A_491, %mul3A_489 : vector<1x1024xi1>, vector<1x1024xf32>
    %mul3A_493 = arith.mulf %slice3A_451, %sub3A_449 : vector<1x1024xf32>
    %mul3A_494 = arith.mulf %slice3A_452, %sub3A_446 : vector<1x1024xf32>
    %sub3A_495 = arith.subf %mul3A_493, %mul3A_494 : vector<1x1024xf32>
    %mul3A_496 = arith.mulf %slice3A_452, %sub3A_443 : vector<1x1024xf32>
    %mul3A_497 = arith.mulf %slice3A_450, %sub3A_449 : vector<1x1024xf32>
    %sub3A_498 = arith.subf %mul3A_496, %mul3A_497 : vector<1x1024xf32>
    %mul3A_499 = arith.mulf %slice3A_450, %sub3A_446 : vector<1x1024xf32>
    %mul3A_500 = arith.mulf %slice3A_451, %sub3A_443 : vector<1x1024xf32>
    %sub3A_501 = arith.subf %mul3A_499, %mul3A_500 : vector<1x1024xf32>
    %mul3A_502 = arith.mulf %sub3A_495, %sub3A_495 : vector<1x1024xf32>
    %mul3A_503 = arith.mulf %sub3A_498, %sub3A_498 : vector<1x1024xf32>
    %add3A_504 = arith.addf %mul3A_502, %mul3A_503 : vector<1x1024xf32>
    %mul3A_505 = arith.mulf %sub3A_501, %sub3A_501 : vector<1x1024xf32>
    %add3A_506 = arith.addf %add3A_504, %mul3A_505 : vector<1x1024xf32>
    %eq3A_507 = arith.constant 0.000000e+00 : f32
    %eq3A_508 = vector.broadcast %eq3A_507 : f32 to vector<1x1024xf32>
    %eq3A_509 = arith.cmpf oeq, %add3A_506, %eq3A_508 : vector<1x1024xf32>
    %eq3A_510 = arith.constant 0.000000e+00 : f32
    %eq3A_511 = vector.broadcast %eq3A_510 : f32 to vector<1x1024xf32>
    %eq3A_512 = arith.cmpf oeq, %add3A_506, %eq3A_511 : vector<1x1024xf32>
    %jit3A_513 = arith.constant 1.000000e+00 : f32
    %broadcast_in_dim3A_514 = vector.broadcast %jit3A_513 : f32 to vector<1x1024xf32>
    %select_n3A_515 = arith.select %eq3A_512, %broadcast_in_dim3A_514, %add3A_506 : vector<1x1024xi1>, vector<1x1024xf32>
    %rsqrt3A_516 = math.rsqrt %select_n3A_515 : vector<1x1024xf32>
    %mul3A_517 = arith.constant 5.000000e-01 : f32
    %mul3A_518 = vector.broadcast %mul3A_517 : f32 to vector<1x1024xf32>
    %mul3A_519 = arith.mulf %mul3A_518, %select_n3A_515 : vector<1x1024xf32>
    %mul3A_520 = arith.mulf %mul3A_519, %rsqrt3A_516 : vector<1x1024xf32>
    %mul3A_521 = arith.mulf %mul3A_520, %rsqrt3A_516 : vector<1x1024xf32>
    %sub3A_522 = arith.constant 1.500000e+00 : f32
    %sub3A_523 = vector.broadcast %sub3A_522 : f32 to vector<1x1024xf32>
    %sub3A_524 = arith.subf %sub3A_523, %mul3A_521 : vector<1x1024xf32>
    %mul3A_525 = arith.mulf %rsqrt3A_516, %sub3A_524 : vector<1x1024xf32>
    %mul3A_526 = arith.constant 5.000000e-01 : f32
    %mul3A_527 = vector.broadcast %mul3A_526 : f32 to vector<1x1024xf32>
    %mul3A_528 = arith.mulf %mul3A_527, %select_n3A_515 : vector<1x1024xf32>
    %mul3A_529 = arith.mulf %mul3A_528, %mul3A_525 : vector<1x1024xf32>
    %mul3A_530 = arith.mulf %mul3A_529, %mul3A_525 : vector<1x1024xf32>
    %sub3A_531 = arith.constant 1.500000e+00 : f32
    %sub3A_532 = vector.broadcast %sub3A_531 : f32 to vector<1x1024xf32>
    %sub3A_533 = arith.subf %sub3A_532, %mul3A_530 : vector<1x1024xf32>
    %mul3A_534 = arith.mulf %mul3A_525, %sub3A_533 : vector<1x1024xf32>
    %mul3A_535 = arith.mulf %select_n3A_515, %mul3A_534 : vector<1x1024xf32>
    %jit3A_536 = arith.constant 0.000000e+00 : f32
    %broadcast_in_dim3A_537 = vector.broadcast %jit3A_536 : f32 to vector<1x1024xf32>
    %select_n3A_538 = arith.select %eq3A_509, %broadcast_in_dim3A_537, %mul3A_535 : vector<1x1024xi1>, vector<1x1024xf32>
    %mul3A_539 = arith.mulf %slice3A_450, %sub3A_443 : vector<1x1024xf32>
    %mul3A_540 = arith.mulf %slice3A_451, %sub3A_446 : vector<1x1024xf32>
    %add3A_541 = arith.addf %mul3A_539, %mul3A_540 : vector<1x1024xf32>
    %mul3A_542 = arith.mulf %slice3A_452, %sub3A_449 : vector<1x1024xf32>
    %add3A_543 = arith.addf %add3A_541, %mul3A_542 : vector<1x1024xf32>
    %eq3A_544 = arith.constant 0.000000e+00 : f32
    %eq3A_545 = vector.broadcast %eq3A_544 : f32 to vector<1x1024xf32>
    %eq3A_546 = arith.cmpf oeq, %select_n3A_538, %eq3A_545 : vector<1x1024xf32>
    %eq3A_547 = arith.constant 0.000000e+00 : f32
    %eq3A_548 = vector.broadcast %eq3A_547 : f32 to vector<1x1024xf32>
    %eq3A_549 = arith.cmpf oeq, %add3A_543, %eq3A_548 : vector<1x1024xf32>
    %and3A_550 = arith.andi %eq3A_546, %eq3A_549 : vector<1x1024xi1>
    %jit3A_551 = arith.constant 0.000000e+00 : f32
    %broadcast_in_dim3A_552 = vector.broadcast %jit3A_551 : f32 to vector<1x1024xf32>
    %select_n3A_553 = arith.select %and3A_550, %broadcast_in_dim3A_552, %select_n3A_538 : vector<1x1024xi1>, vector<1x1024xf32>
    %jit3A_554 = arith.constant 1.000000e+00 : f32
    %broadcast_in_dim3A_555 = vector.broadcast %jit3A_554 : f32 to vector<1x1024xf32>
    %select_n3A_556 = arith.select %and3A_550, %broadcast_in_dim3A_555, %add3A_543 : vector<1x1024xi1>, vector<1x1024xf32>
    %abs3A_557 = math.absf %select_n3A_556 : vector<1x1024xf32>
    %min3A_558 = arith.minimumf %select_n3A_553, %abs3A_557 : vector<1x1024xf32>
    %max3A_559 = arith.maximumf %select_n3A_553, %abs3A_557 : vector<1x1024xf32>
    %integer_pow3A_560 = arith.constant 1.000000e+00 : f32
    %integer_pow3A_561 = vector.broadcast %integer_pow3A_560 : f32 to vector<1x1024xf32>
    %integer_pow3A_562 = arith.divf %integer_pow3A_561, %max3A_559 : vector<1x1024xf32>
    %mul3A_563 = arith.mulf %max3A_559, %integer_pow3A_562 : vector<1x1024xf32>
    %sub3A_564 = arith.constant 2.000000e+00 : f32
    %sub3A_565 = vector.broadcast %sub3A_564 : f32 to vector<1x1024xf32>
    %sub3A_566 = arith.subf %sub3A_565, %mul3A_563 : vector<1x1024xf32>
    %mul3A_567 = arith.mulf %integer_pow3A_562, %sub3A_566 : vector<1x1024xf32>
    %mul3A_568 = arith.mulf %max3A_559, %mul3A_567 : vector<1x1024xf32>
    %sub3A_569 = arith.constant 2.000000e+00 : f32
    %sub3A_570 = vector.broadcast %sub3A_569 : f32 to vector<1x1024xf32>
    %sub3A_571 = arith.subf %sub3A_570, %mul3A_568 : vector<1x1024xf32>
    %mul3A_572 = arith.mulf %mul3A_567, %sub3A_571 : vector<1x1024xf32>
    %mul3A_573 = arith.mulf %min3A_558, %mul3A_572 : vector<1x1024xf32>
    %mul3A_574 = arith.mulf %mul3A_573, %mul3A_573 : vector<1x1024xf32>
    %mul3A_575 = arith.constant 0.00304996455 : f32
    %mul3A_576 = vector.broadcast %mul3A_575 : f32 to vector<1x1024xf32>
    %mul3A_577 = arith.mulf %mul3A_576, %mul3A_574 : vector<1x1024xf32>
    %add3A_578 = arith.constant -0.0168274343 : f32
    %add3A_579 = vector.broadcast %add3A_578 : f32 to vector<1x1024xf32>
    %add3A_580 = arith.addf %mul3A_577, %add3A_579 : vector<1x1024xf32>
    %mul3A_581 = arith.mulf %add3A_580, %mul3A_574 : vector<1x1024xf32>
    %add3A_582 = arith.constant 0.043855574 : f32
    %add3A_583 = vector.broadcast %add3A_582 : f32 to vector<1x1024xf32>
    %add3A_584 = arith.addf %mul3A_581, %add3A_583 : vector<1x1024xf32>
    %mul3A_585 = arith.mulf %add3A_584, %mul3A_574 : vector<1x1024xf32>
    %add3A_586 = arith.constant -0.0759680793 : f32
    %add3A_587 = vector.broadcast %add3A_586 : f32 to vector<1x1024xf32>
    %add3A_588 = arith.addf %mul3A_585, %add3A_587 : vector<1x1024xf32>
    %mul3A_589 = arith.mulf %add3A_588, %mul3A_574 : vector<1x1024xf32>
    %add3A_590 = arith.constant 0.106814198 : f32
    %add3A_591 = vector.broadcast %add3A_590 : f32 to vector<1x1024xf32>
    %add3A_592 = arith.addf %mul3A_589, %add3A_591 : vector<1x1024xf32>
    %mul3A_593 = arith.mulf %add3A_592, %mul3A_574 : vector<1x1024xf32>
    %add3A_594 = arith.constant -0.142131954 : f32
    %add3A_595 = vector.broadcast %add3A_594 : f32 to vector<1x1024xf32>
    %add3A_596 = arith.addf %mul3A_593, %add3A_595 : vector<1x1024xf32>
    %mul3A_597 = arith.mulf %add3A_596, %mul3A_574 : vector<1x1024xf32>
    %add3A_598 = arith.constant 0.199937165 : f32
    %add3A_599 = vector.broadcast %add3A_598 : f32 to vector<1x1024xf32>
    %add3A_600 = arith.addf %mul3A_597, %add3A_599 : vector<1x1024xf32>
    %mul3A_601 = arith.mulf %add3A_600, %mul3A_574 : vector<1x1024xf32>
    %add3A_602 = arith.constant -0.333331198 : f32
    %add3A_603 = vector.broadcast %add3A_602 : f32 to vector<1x1024xf32>
    %add3A_604 = arith.addf %mul3A_601, %add3A_603 : vector<1x1024xf32>
    %mul3A_605 = arith.mulf %add3A_604, %mul3A_574 : vector<1x1024xf32>
    %add3A_606 = arith.constant 1.000000e+00 : f32
    %add3A_607 = vector.broadcast %add3A_606 : f32 to vector<1x1024xf32>
    %add3A_608 = arith.addf %mul3A_605, %add3A_607 : vector<1x1024xf32>
    %mul3A_609 = arith.mulf %add3A_608, %mul3A_573 : vector<1x1024xf32>
    %gt3A_610 = arith.cmpf ogt, %select_n3A_553, %abs3A_557 : vector<1x1024xf32>
    %sub3A_611 = arith.constant 1.57079637 : f32
    %sub3A_612 = vector.broadcast %sub3A_611 : f32 to vector<1x1024xf32>
    %sub3A_613 = arith.subf %sub3A_612, %mul3A_609 : vector<1x1024xf32>
    %select_n3A_614 = arith.select %gt3A_610, %sub3A_613, %mul3A_609 : vector<1x1024xi1>, vector<1x1024xf32>
    %lt3A_615 = arith.constant 0.000000e+00 : f32
    %lt3A_616 = vector.broadcast %lt3A_615 : f32 to vector<1x1024xf32>
    %lt3A_617 = arith.cmpf olt, %select_n3A_556, %lt3A_616 : vector<1x1024xf32>
    %sub3A_618 = arith.constant 3.14159274 : f32
    %sub3A_619 = vector.broadcast %sub3A_618 : f32 to vector<1x1024xf32>
    %sub3A_620 = arith.subf %sub3A_619, %select_n3A_614 : vector<1x1024xf32>
    %select_n3A_621 = arith.select %lt3A_617, %sub3A_620, %select_n3A_614 : vector<1x1024xi1>, vector<1x1024xf32>
    %mul3A_622 = arith.mulf %slice3A_454, %sub3A_449 : vector<1x1024xf32>
    %mul3A_623 = arith.mulf %slice3A_455, %sub3A_446 : vector<1x1024xf32>
    %sub3A_624 = arith.subf %mul3A_622, %mul3A_623 : vector<1x1024xf32>
    %mul3A_625 = arith.mulf %slice3A_455, %sub3A_443 : vector<1x1024xf32>
    %mul3A_626 = arith.mulf %slice3A_453, %sub3A_449 : vector<1x1024xf32>
    %sub3A_627 = arith.subf %mul3A_625, %mul3A_626 : vector<1x1024xf32>
    %mul3A_628 = arith.mulf %slice3A_453, %sub3A_446 : vector<1x1024xf32>
    %mul3A_629 = arith.mulf %slice3A_454, %sub3A_443 : vector<1x1024xf32>
    %sub3A_630 = arith.subf %mul3A_628, %mul3A_629 : vector<1x1024xf32>
    %mul3A_631 = arith.mulf %sub3A_624, %sub3A_624 : vector<1x1024xf32>
    %mul3A_632 = arith.mulf %sub3A_627, %sub3A_627 : vector<1x1024xf32>
    %add3A_633 = arith.addf %mul3A_631, %mul3A_632 : vector<1x1024xf32>
    %mul3A_634 = arith.mulf %sub3A_630, %sub3A_630 : vector<1x1024xf32>
    %add3A_635 = arith.addf %add3A_633, %mul3A_634 : vector<1x1024xf32>
    %eq3A_636 = arith.constant 0.000000e+00 : f32
    %eq3A_637 = vector.broadcast %eq3A_636 : f32 to vector<1x1024xf32>
    %eq3A_638 = arith.cmpf oeq, %add3A_635, %eq3A_637 : vector<1x1024xf32>
    %eq3A_639 = arith.constant 0.000000e+00 : f32
    %eq3A_640 = vector.broadcast %eq3A_639 : f32 to vector<1x1024xf32>
    %eq3A_641 = arith.cmpf oeq, %add3A_635, %eq3A_640 : vector<1x1024xf32>
    %jit3A_642 = arith.constant 1.000000e+00 : f32
    %broadcast_in_dim3A_643 = vector.broadcast %jit3A_642 : f32 to vector<1x1024xf32>
    %select_n3A_644 = arith.select %eq3A_641, %broadcast_in_dim3A_643, %add3A_635 : vector<1x1024xi1>, vector<1x1024xf32>
    %rsqrt3A_645 = math.rsqrt %select_n3A_644 : vector<1x1024xf32>
    %mul3A_646 = arith.constant 5.000000e-01 : f32
    %mul3A_647 = vector.broadcast %mul3A_646 : f32 to vector<1x1024xf32>
    %mul3A_648 = arith.mulf %mul3A_647, %select_n3A_644 : vector<1x1024xf32>
    %mul3A_649 = arith.mulf %mul3A_648, %rsqrt3A_645 : vector<1x1024xf32>
    %mul3A_650 = arith.mulf %mul3A_649, %rsqrt3A_645 : vector<1x1024xf32>
    %sub3A_651 = arith.constant 1.500000e+00 : f32
    %sub3A_652 = vector.broadcast %sub3A_651 : f32 to vector<1x1024xf32>
    %sub3A_653 = arith.subf %sub3A_652, %mul3A_650 : vector<1x1024xf32>
    %mul3A_654 = arith.mulf %rsqrt3A_645, %sub3A_653 : vector<1x1024xf32>
    %mul3A_655 = arith.constant 5.000000e-01 : f32
    %mul3A_656 = vector.broadcast %mul3A_655 : f32 to vector<1x1024xf32>
    %mul3A_657 = arith.mulf %mul3A_656, %select_n3A_644 : vector<1x1024xf32>
    %mul3A_658 = arith.mulf %mul3A_657, %mul3A_654 : vector<1x1024xf32>
    %mul3A_659 = arith.mulf %mul3A_658, %mul3A_654 : vector<1x1024xf32>
    %sub3A_660 = arith.constant 1.500000e+00 : f32
    %sub3A_661 = vector.broadcast %sub3A_660 : f32 to vector<1x1024xf32>
    %sub3A_662 = arith.subf %sub3A_661, %mul3A_659 : vector<1x1024xf32>
    %mul3A_663 = arith.mulf %mul3A_654, %sub3A_662 : vector<1x1024xf32>
    %mul3A_664 = arith.mulf %select_n3A_644, %mul3A_663 : vector<1x1024xf32>
    %jit3A_665 = arith.constant 0.000000e+00 : f32
    %broadcast_in_dim3A_666 = vector.broadcast %jit3A_665 : f32 to vector<1x1024xf32>
    %select_n3A_667 = arith.select %eq3A_638, %broadcast_in_dim3A_666, %mul3A_664 : vector<1x1024xi1>, vector<1x1024xf32>
    %mul3A_668 = arith.mulf %slice3A_453, %sub3A_443 : vector<1x1024xf32>
    %mul3A_669 = arith.mulf %slice3A_454, %sub3A_446 : vector<1x1024xf32>
    %add3A_670 = arith.addf %mul3A_668, %mul3A_669 : vector<1x1024xf32>
    %mul3A_671 = arith.mulf %slice3A_455, %sub3A_449 : vector<1x1024xf32>
    %add3A_672 = arith.addf %add3A_670, %mul3A_671 : vector<1x1024xf32>
    %eq3A_673 = arith.constant 0.000000e+00 : f32
    %eq3A_674 = vector.broadcast %eq3A_673 : f32 to vector<1x1024xf32>
    %eq3A_675 = arith.cmpf oeq, %select_n3A_667, %eq3A_674 : vector<1x1024xf32>
    %eq3A_676 = arith.constant 0.000000e+00 : f32
    %eq3A_677 = vector.broadcast %eq3A_676 : f32 to vector<1x1024xf32>
    %eq3A_678 = arith.cmpf oeq, %add3A_672, %eq3A_677 : vector<1x1024xf32>
    %and3A_679 = arith.andi %eq3A_675, %eq3A_678 : vector<1x1024xi1>
    %jit3A_680 = arith.constant 0.000000e+00 : f32
    %broadcast_in_dim3A_681 = vector.broadcast %jit3A_680 : f32 to vector<1x1024xf32>
    %select_n3A_682 = arith.select %and3A_679, %broadcast_in_dim3A_681, %select_n3A_667 : vector<1x1024xi1>, vector<1x1024xf32>
    %jit3A_683 = arith.constant 1.000000e+00 : f32
    %broadcast_in_dim3A_684 = vector.broadcast %jit3A_683 : f32 to vector<1x1024xf32>
    %select_n3A_685 = arith.select %and3A_679, %broadcast_in_dim3A_684, %add3A_672 : vector<1x1024xi1>, vector<1x1024xf32>
    %abs3A_686 = math.absf %select_n3A_685 : vector<1x1024xf32>
    %min3A_687 = arith.minimumf %select_n3A_682, %abs3A_686 : vector<1x1024xf32>
    %max3A_688 = arith.maximumf %select_n3A_682, %abs3A_686 : vector<1x1024xf32>
    %integer_pow3A_689 = arith.constant 1.000000e+00 : f32
    %integer_pow3A_690 = vector.broadcast %integer_pow3A_689 : f32 to vector<1x1024xf32>
    %integer_pow3A_691 = arith.divf %integer_pow3A_690, %max3A_688 : vector<1x1024xf32>
    %mul3A_692 = arith.mulf %max3A_688, %integer_pow3A_691 : vector<1x1024xf32>
    %sub3A_693 = arith.constant 2.000000e+00 : f32
    %sub3A_694 = vector.broadcast %sub3A_693 : f32 to vector<1x1024xf32>
    %sub3A_695 = arith.subf %sub3A_694, %mul3A_692 : vector<1x1024xf32>
    %mul3A_696 = arith.mulf %integer_pow3A_691, %sub3A_695 : vector<1x1024xf32>
    %mul3A_697 = arith.mulf %max3A_688, %mul3A_696 : vector<1x1024xf32>
    %sub3A_698 = arith.constant 2.000000e+00 : f32
    %sub3A_699 = vector.broadcast %sub3A_698 : f32 to vector<1x1024xf32>
    %sub3A_700 = arith.subf %sub3A_699, %mul3A_697 : vector<1x1024xf32>
    %mul3A_701 = arith.mulf %mul3A_696, %sub3A_700 : vector<1x1024xf32>
    %mul3A_702 = arith.mulf %min3A_687, %mul3A_701 : vector<1x1024xf32>
    %mul3A_703 = arith.mulf %mul3A_702, %mul3A_702 : vector<1x1024xf32>
    %mul3A_704 = arith.constant 0.00304996455 : f32
    %mul3A_705 = vector.broadcast %mul3A_704 : f32 to vector<1x1024xf32>
    %mul3A_706 = arith.mulf %mul3A_705, %mul3A_703 : vector<1x1024xf32>
    %add3A_707 = arith.constant -0.0168274343 : f32
    %add3A_708 = vector.broadcast %add3A_707 : f32 to vector<1x1024xf32>
    %add3A_709 = arith.addf %mul3A_706, %add3A_708 : vector<1x1024xf32>
    %mul3A_710 = arith.mulf %add3A_709, %mul3A_703 : vector<1x1024xf32>
    %add3A_711 = arith.constant 0.043855574 : f32
    %add3A_712 = vector.broadcast %add3A_711 : f32 to vector<1x1024xf32>
    %add3A_713 = arith.addf %mul3A_710, %add3A_712 : vector<1x1024xf32>
    %mul3A_714 = arith.mulf %add3A_713, %mul3A_703 : vector<1x1024xf32>
    %add3A_715 = arith.constant -0.0759680793 : f32
    %add3A_716 = vector.broadcast %add3A_715 : f32 to vector<1x1024xf32>
    %add3A_717 = arith.addf %mul3A_714, %add3A_716 : vector<1x1024xf32>
    %mul3A_718 = arith.mulf %add3A_717, %mul3A_703 : vector<1x1024xf32>
    %add3A_719 = arith.constant 0.106814198 : f32
    %add3A_720 = vector.broadcast %add3A_719 : f32 to vector<1x1024xf32>
    %add3A_721 = arith.addf %mul3A_718, %add3A_720 : vector<1x1024xf32>
    %mul3A_722 = arith.mulf %add3A_721, %mul3A_703 : vector<1x1024xf32>
    %add3A_723 = arith.constant -0.142131954 : f32
    %add3A_724 = vector.broadcast %add3A_723 : f32 to vector<1x1024xf32>
    %add3A_725 = arith.addf %mul3A_722, %add3A_724 : vector<1x1024xf32>
    %mul3A_726 = arith.mulf %add3A_725, %mul3A_703 : vector<1x1024xf32>
    %add3A_727 = arith.constant 0.199937165 : f32
    %add3A_728 = vector.broadcast %add3A_727 : f32 to vector<1x1024xf32>
    %add3A_729 = arith.addf %mul3A_726, %add3A_728 : vector<1x1024xf32>
    %mul3A_730 = arith.mulf %add3A_729, %mul3A_703 : vector<1x1024xf32>
    %add3A_731 = arith.constant -0.333331198 : f32
    %add3A_732 = vector.broadcast %add3A_731 : f32 to vector<1x1024xf32>
    %add3A_733 = arith.addf %mul3A_730, %add3A_732 : vector<1x1024xf32>
    %mul3A_734 = arith.mulf %add3A_733, %mul3A_703 : vector<1x1024xf32>
    %add3A_735 = arith.constant 1.000000e+00 : f32
    %add3A_736 = vector.broadcast %add3A_735 : f32 to vector<1x1024xf32>
    %add3A_737 = arith.addf %mul3A_734, %add3A_736 : vector<1x1024xf32>
    %mul3A_738 = arith.mulf %add3A_737, %mul3A_702 : vector<1x1024xf32>
    %gt3A_739 = arith.cmpf ogt, %select_n3A_682, %abs3A_686 : vector<1x1024xf32>
    %sub3A_740 = arith.constant 1.57079637 : f32
    %sub3A_741 = vector.broadcast %sub3A_740 : f32 to vector<1x1024xf32>
    %sub3A_742 = arith.subf %sub3A_741, %mul3A_738 : vector<1x1024xf32>
    %select_n3A_743 = arith.select %gt3A_739, %sub3A_742, %mul3A_738 : vector<1x1024xi1>, vector<1x1024xf32>
    %lt3A_744 = arith.constant 0.000000e+00 : f32
    %lt3A_745 = vector.broadcast %lt3A_744 : f32 to vector<1x1024xf32>
    %lt3A_746 = arith.cmpf olt, %select_n3A_685, %lt3A_745 : vector<1x1024xf32>
    %sub3A_747 = arith.constant 3.14159274 : f32
    %sub3A_748 = vector.broadcast %sub3A_747 : f32 to vector<1x1024xf32>
    %sub3A_749 = arith.subf %sub3A_748, %select_n3A_743 : vector<1x1024xf32>
    %select_n3A_750 = arith.select %lt3A_746, %sub3A_749, %select_n3A_743 : vector<1x1024xi1>, vector<1x1024xf32>
    %mul3A_751 = arith.mulf %slice3A_451, %slice3A_455 : vector<1x1024xf32>
    %mul3A_752 = arith.mulf %slice3A_452, %slice3A_454 : vector<1x1024xf32>
    %sub3A_753 = arith.subf %mul3A_751, %mul3A_752 : vector<1x1024xf32>
    %mul3A_754 = arith.mulf %slice3A_452, %slice3A_453 : vector<1x1024xf32>
    %mul3A_755 = arith.mulf %slice3A_450, %slice3A_455 : vector<1x1024xf32>
    %sub3A_756 = arith.subf %mul3A_754, %mul3A_755 : vector<1x1024xf32>
    %mul3A_757 = arith.mulf %slice3A_450, %slice3A_454 : vector<1x1024xf32>
    %mul3A_758 = arith.mulf %slice3A_451, %slice3A_453 : vector<1x1024xf32>
    %sub3A_759 = arith.subf %mul3A_757, %mul3A_758 : vector<1x1024xf32>
    %mul3A_760 = arith.mulf %sub3A_753, %sub3A_753 : vector<1x1024xf32>
    %mul3A_761 = arith.mulf %sub3A_756, %sub3A_756 : vector<1x1024xf32>
    %add3A_762 = arith.addf %mul3A_760, %mul3A_761 : vector<1x1024xf32>
    %mul3A_763 = arith.mulf %sub3A_759, %sub3A_759 : vector<1x1024xf32>
    %add3A_764 = arith.addf %add3A_762, %mul3A_763 : vector<1x1024xf32>
    %eq3A_765 = arith.constant 0.000000e+00 : f32
    %eq3A_766 = vector.broadcast %eq3A_765 : f32 to vector<1x1024xf32>
    %eq3A_767 = arith.cmpf oeq, %add3A_764, %eq3A_766 : vector<1x1024xf32>
    %eq3A_768 = arith.constant 0.000000e+00 : f32
    %eq3A_769 = vector.broadcast %eq3A_768 : f32 to vector<1x1024xf32>
    %eq3A_770 = arith.cmpf oeq, %add3A_764, %eq3A_769 : vector<1x1024xf32>
    %jit3A_771 = arith.constant 1.000000e+00 : f32
    %broadcast_in_dim3A_772 = vector.broadcast %jit3A_771 : f32 to vector<1x1024xf32>
    %select_n3A_773 = arith.select %eq3A_770, %broadcast_in_dim3A_772, %add3A_764 : vector<1x1024xi1>, vector<1x1024xf32>
    %rsqrt3A_774 = math.rsqrt %select_n3A_773 : vector<1x1024xf32>
    %mul3A_775 = arith.constant 5.000000e-01 : f32
    %mul3A_776 = vector.broadcast %mul3A_775 : f32 to vector<1x1024xf32>
    %mul3A_777 = arith.mulf %mul3A_776, %select_n3A_773 : vector<1x1024xf32>
    %mul3A_778 = arith.mulf %mul3A_777, %rsqrt3A_774 : vector<1x1024xf32>
    %mul3A_779 = arith.mulf %mul3A_778, %rsqrt3A_774 : vector<1x1024xf32>
    %sub3A_780 = arith.constant 1.500000e+00 : f32
    %sub3A_781 = vector.broadcast %sub3A_780 : f32 to vector<1x1024xf32>
    %sub3A_782 = arith.subf %sub3A_781, %mul3A_779 : vector<1x1024xf32>
    %mul3A_783 = arith.mulf %rsqrt3A_774, %sub3A_782 : vector<1x1024xf32>
    %mul3A_784 = arith.constant 5.000000e-01 : f32
    %mul3A_785 = vector.broadcast %mul3A_784 : f32 to vector<1x1024xf32>
    %mul3A_786 = arith.mulf %mul3A_785, %select_n3A_773 : vector<1x1024xf32>
    %mul3A_787 = arith.mulf %mul3A_786, %mul3A_783 : vector<1x1024xf32>
    %mul3A_788 = arith.mulf %mul3A_787, %mul3A_783 : vector<1x1024xf32>
    %sub3A_789 = arith.constant 1.500000e+00 : f32
    %sub3A_790 = vector.broadcast %sub3A_789 : f32 to vector<1x1024xf32>
    %sub3A_791 = arith.subf %sub3A_790, %mul3A_788 : vector<1x1024xf32>
    %mul3A_792 = arith.mulf %mul3A_783, %sub3A_791 : vector<1x1024xf32>
    %mul3A_793 = arith.mulf %select_n3A_773, %mul3A_792 : vector<1x1024xf32>
    %jit3A_794 = arith.constant 0.000000e+00 : f32
    %broadcast_in_dim3A_795 = vector.broadcast %jit3A_794 : f32 to vector<1x1024xf32>
    %select_n3A_796 = arith.select %eq3A_767, %broadcast_in_dim3A_795, %mul3A_793 : vector<1x1024xi1>, vector<1x1024xf32>
    %mul3A_797 = arith.mulf %slice3A_450, %slice3A_453 : vector<1x1024xf32>
    %mul3A_798 = arith.mulf %slice3A_451, %slice3A_454 : vector<1x1024xf32>
    %add3A_799 = arith.addf %mul3A_797, %mul3A_798 : vector<1x1024xf32>
    %mul3A_800 = arith.mulf %slice3A_452, %slice3A_455 : vector<1x1024xf32>
    %add3A_801 = arith.addf %add3A_799, %mul3A_800 : vector<1x1024xf32>
    %eq3A_802 = arith.constant 0.000000e+00 : f32
    %eq3A_803 = vector.broadcast %eq3A_802 : f32 to vector<1x1024xf32>
    %eq3A_804 = arith.cmpf oeq, %select_n3A_796, %eq3A_803 : vector<1x1024xf32>
    %eq3A_805 = arith.constant 0.000000e+00 : f32
    %eq3A_806 = vector.broadcast %eq3A_805 : f32 to vector<1x1024xf32>
    %eq3A_807 = arith.cmpf oeq, %add3A_801, %eq3A_806 : vector<1x1024xf32>
    %and3A_808 = arith.andi %eq3A_804, %eq3A_807 : vector<1x1024xi1>
    %jit3A_809 = arith.constant 0.000000e+00 : f32
    %broadcast_in_dim3A_810 = vector.broadcast %jit3A_809 : f32 to vector<1x1024xf32>
    %select_n3A_811 = arith.select %and3A_808, %broadcast_in_dim3A_810, %select_n3A_796 : vector<1x1024xi1>, vector<1x1024xf32>
    %jit3A_812 = arith.constant 1.000000e+00 : f32
    %broadcast_in_dim3A_813 = vector.broadcast %jit3A_812 : f32 to vector<1x1024xf32>
    %select_n3A_814 = arith.select %and3A_808, %broadcast_in_dim3A_813, %add3A_801 : vector<1x1024xi1>, vector<1x1024xf32>
    %abs3A_815 = math.absf %select_n3A_814 : vector<1x1024xf32>
    %min3A_816 = arith.minimumf %select_n3A_811, %abs3A_815 : vector<1x1024xf32>
    %max3A_817 = arith.maximumf %select_n3A_811, %abs3A_815 : vector<1x1024xf32>
    %integer_pow3A_818 = arith.constant 1.000000e+00 : f32
    %integer_pow3A_819 = vector.broadcast %integer_pow3A_818 : f32 to vector<1x1024xf32>
    %integer_pow3A_820 = arith.divf %integer_pow3A_819, %max3A_817 : vector<1x1024xf32>
    %mul3A_821 = arith.mulf %max3A_817, %integer_pow3A_820 : vector<1x1024xf32>
    %sub3A_822 = arith.constant 2.000000e+00 : f32
    %sub3A_823 = vector.broadcast %sub3A_822 : f32 to vector<1x1024xf32>
    %sub3A_824 = arith.subf %sub3A_823, %mul3A_821 : vector<1x1024xf32>
    %mul3A_825 = arith.mulf %integer_pow3A_820, %sub3A_824 : vector<1x1024xf32>
    %mul3A_826 = arith.mulf %max3A_817, %mul3A_825 : vector<1x1024xf32>
    %sub3A_827 = arith.constant 2.000000e+00 : f32
    %sub3A_828 = vector.broadcast %sub3A_827 : f32 to vector<1x1024xf32>
    %sub3A_829 = arith.subf %sub3A_828, %mul3A_826 : vector<1x1024xf32>
    %mul3A_830 = arith.mulf %mul3A_825, %sub3A_829 : vector<1x1024xf32>
    %mul3A_831 = arith.mulf %min3A_816, %mul3A_830 : vector<1x1024xf32>
    %mul3A_832 = arith.mulf %mul3A_831, %mul3A_831 : vector<1x1024xf32>
    %mul3A_833 = arith.constant 0.00304996455 : f32
    %mul3A_834 = vector.broadcast %mul3A_833 : f32 to vector<1x1024xf32>
    %mul3A_835 = arith.mulf %mul3A_834, %mul3A_832 : vector<1x1024xf32>
    %add3A_836 = arith.constant -0.0168274343 : f32
    %add3A_837 = vector.broadcast %add3A_836 : f32 to vector<1x1024xf32>
    %add3A_838 = arith.addf %mul3A_835, %add3A_837 : vector<1x1024xf32>
    %mul3A_839 = arith.mulf %add3A_838, %mul3A_832 : vector<1x1024xf32>
    %add3A_840 = arith.constant 0.043855574 : f32
    %add3A_841 = vector.broadcast %add3A_840 : f32 to vector<1x1024xf32>
    %add3A_842 = arith.addf %mul3A_839, %add3A_841 : vector<1x1024xf32>
    %mul3A_843 = arith.mulf %add3A_842, %mul3A_832 : vector<1x1024xf32>
    %add3A_844 = arith.constant -0.0759680793 : f32
    %add3A_845 = vector.broadcast %add3A_844 : f32 to vector<1x1024xf32>
    %add3A_846 = arith.addf %mul3A_843, %add3A_845 : vector<1x1024xf32>
    %mul3A_847 = arith.mulf %add3A_846, %mul3A_832 : vector<1x1024xf32>
    %add3A_848 = arith.constant 0.106814198 : f32
    %add3A_849 = vector.broadcast %add3A_848 : f32 to vector<1x1024xf32>
    %add3A_850 = arith.addf %mul3A_847, %add3A_849 : vector<1x1024xf32>
    %mul3A_851 = arith.mulf %add3A_850, %mul3A_832 : vector<1x1024xf32>
    %add3A_852 = arith.constant -0.142131954 : f32
    %add3A_853 = vector.broadcast %add3A_852 : f32 to vector<1x1024xf32>
    %add3A_854 = arith.addf %mul3A_851, %add3A_853 : vector<1x1024xf32>
    %mul3A_855 = arith.mulf %add3A_854, %mul3A_832 : vector<1x1024xf32>
    %add3A_856 = arith.constant 0.199937165 : f32
    %add3A_857 = vector.broadcast %add3A_856 : f32 to vector<1x1024xf32>
    %add3A_858 = arith.addf %mul3A_855, %add3A_857 : vector<1x1024xf32>
    %mul3A_859 = arith.mulf %add3A_858, %mul3A_832 : vector<1x1024xf32>
    %add3A_860 = arith.constant -0.333331198 : f32
    %add3A_861 = vector.broadcast %add3A_860 : f32 to vector<1x1024xf32>
    %add3A_862 = arith.addf %mul3A_859, %add3A_861 : vector<1x1024xf32>
    %mul3A_863 = arith.mulf %add3A_862, %mul3A_832 : vector<1x1024xf32>
    %add3A_864 = arith.constant 1.000000e+00 : f32
    %add3A_865 = vector.broadcast %add3A_864 : f32 to vector<1x1024xf32>
    %add3A_866 = arith.addf %mul3A_863, %add3A_865 : vector<1x1024xf32>
    %mul3A_867 = arith.mulf %add3A_866, %mul3A_831 : vector<1x1024xf32>
    %gt3A_868 = arith.cmpf ogt, %select_n3A_811, %abs3A_815 : vector<1x1024xf32>
    %sub3A_869 = arith.constant 1.57079637 : f32
    %sub3A_870 = vector.broadcast %sub3A_869 : f32 to vector<1x1024xf32>
    %sub3A_871 = arith.subf %sub3A_870, %mul3A_867 : vector<1x1024xf32>
    %select_n3A_872 = arith.select %gt3A_868, %sub3A_871, %mul3A_867 : vector<1x1024xi1>, vector<1x1024xf32>
    %lt3A_873 = arith.constant 0.000000e+00 : f32
    %lt3A_874 = vector.broadcast %lt3A_873 : f32 to vector<1x1024xf32>
    %lt3A_875 = arith.cmpf olt, %select_n3A_814, %lt3A_874 : vector<1x1024xf32>
    %sub3A_876 = arith.constant 3.14159274 : f32
    %sub3A_877 = vector.broadcast %sub3A_876 : f32 to vector<1x1024xf32>
    %sub3A_878 = arith.subf %sub3A_877, %select_n3A_872 : vector<1x1024xf32>
    %select_n3A_879 = arith.select %lt3A_875, %sub3A_878, %select_n3A_872 : vector<1x1024xi1>, vector<1x1024xf32>
    %concatenate3A_880 = tpu.concatenate %select_n3A_492, %select_n3A_621, %select_n3A_750, %select_n3A_879 in 0 : vector<1x1024xf32>, vector<1x1024xf32>, vector<1x1024xf32>, vector<1x1024xf32> -> vector<4x1024xf32>
    %swap3A_881 = arith.constant 0 : index
    %swap3A_882 = arith.constant 1 : index
    %swap3A_883 = arith.constant 0 : index
    %swap3A_884 = arith.constant 0 : index
    %swap3A_885 = vector.load %arg12[%swap3A_881, %swap3A_882, %swap3A_883, %swap3A_884] : memref<1x4x4x1024xf32, #tpu.memory_space<vmem>>, vector<1x1x4x1024xf32>
    %swap3A_886 = vector.shape_cast %swap3A_885 : vector<1x1x4x1024xf32> to vector<4x1024xf32>
    %swap3A_887 = vector.shape_cast %concatenate3A_880 : vector<4x1024xf32> to vector<1x1x4x1024xf32>
    tpu.vector_store %arg12[%swap3A_881, %swap3A_882, %swap3A_883, %swap3A_884], %swap3A_887 {strides = array<i32>} : memref<1x4x4x1024xf32, #tpu.memory_space<vmem>>, vector<1x1x4x1024xf32>,
    %get3A_888 = arith.constant 0 : index
    %get3A_889 = arith.constant 0 : index
    %get3A_890 = arith.constant 0 : index
    %get3A_891 = vector.load %arg4[%get3A_888, %get3A_889, %get3A_890] : memref<1x16x1024xf32, #tpu.memory_space<vmem>>, vector<1x16x1024xf32>
    %get3A_892 = vector.shape_cast %get3A_891 : vector<1x16x1024xf32> to vector<16x1024xf32>
    %slice3A_893 = vector.extract_strided_slice %get3A_892 {offsets = [0, 0], sizes = [1, 1024], strides = [1, 1]} : vector<16x1024xf32> to vector<1x1024xf32>
    %slice3A_894 = vector.extract_strided_slice %get3A_1 {offsets = [0, 0], sizes = [1, 1024], strides = [1, 1]} : vector<16x1024xf32> to vector<1x1024xf32>
    %sub3A_895 = arith.subf %slice3A_893, %slice3A_894 : vector<1x1024xf32>
    %slice3A_896 = vector.extract_strided_slice %get3A_892 {offsets = [1, 0], sizes = [1, 1024], strides = [1, 1]} : vector<16x1024xf32> to vector<1x1024xf32>
    %slice3A_897 = vector.extract_strided_slice %get3A_1 {offsets = [1, 0], sizes = [1, 1024], strides = [1, 1]} : vector<16x1024xf32> to vector<1x1024xf32>
    %sub3A_898 = arith.subf %slice3A_896, %slice3A_897 : vector<1x1024xf32>
    %slice3A_899 = vector.extract_strided_slice %get3A_892 {offsets = [2, 0], sizes = [1, 1024], strides = [1, 1]} : vector<16x1024xf32> to vector<1x1024xf32>
    %slice3A_900 = vector.extract_strided_slice %get3A_1 {offsets = [2, 0], sizes = [1, 1024], strides = [1, 1]} : vector<16x1024xf32> to vector<1x1024xf32>
    %sub3A_901 = arith.subf %slice3A_899, %slice3A_900 : vector<1x1024xf32>
    %slice3A_902 = vector.extract_strided_slice %get3A_1 {offsets = [3, 0], sizes = [1, 1024], strides = [1, 1]} : vector<16x1024xf32> to vector<1x1024xf32>
    %slice3A_903 = vector.extract_strided_slice %get3A_1 {offsets = [4, 0], sizes = [1, 1024], strides = [1, 1]} : vector<16x1024xf32> to vector<1x1024xf32>
    %slice3A_904 = vector.extract_strided_slice %get3A_1 {offsets = [5, 0], sizes = [1, 1024], strides = [1, 1]} : vector<16x1024xf32> to vector<1x1024xf32>
    %slice3A_905 = vector.extract_strided_slice %get3A_892 {offsets = [3, 0], sizes = [1, 1024], strides = [1, 1]} : vector<16x1024xf32> to vector<1x1024xf32>
    %slice3A_906 = vector.extract_strided_slice %get3A_892 {offsets = [4, 0], sizes = [1, 1024], strides = [1, 1]} : vector<16x1024xf32> to vector<1x1024xf32>
    %slice3A_907 = vector.extract_strided_slice %get3A_892 {offsets = [5, 0], sizes = [1, 1024], strides = [1, 1]} : vector<16x1024xf32> to vector<1x1024xf32>
    %mul3A_908 = arith.mulf %sub3A_895, %sub3A_895 : vector<1x1024xf32>
    %mul3A_909 = arith.mulf %sub3A_898, %sub3A_898 : vector<1x1024xf32>
    %add3A_910 = arith.addf %mul3A_908, %mul3A_909 : vector<1x1024xf32>
    %mul3A_911 = arith.mulf %sub3A_901, %sub3A_901 : vector<1x1024xf32>
    %add3A_912 = arith.addf %add3A_910, %mul3A_911 : vector<1x1024xf32>
    %eq3A_913 = arith.constant 0.000000e+00 : f32
    %eq3A_914 = vector.broadcast %eq3A_913 : f32 to vector<1x1024xf32>
    %eq3A_915 = arith.cmpf oeq, %add3A_912, %eq3A_914 : vector<1x1024xf32>
    %eq3A_916 = arith.constant 0.000000e+00 : f32
    %eq3A_917 = vector.broadcast %eq3A_916 : f32 to vector<1x1024xf32>
    %eq3A_918 = arith.cmpf oeq, %add3A_912, %eq3A_917 : vector<1x1024xf32>
    %jit3A_919 = arith.constant 1.000000e+00 : f32
    %broadcast_in_dim3A_920 = vector.broadcast %jit3A_919 : f32 to vector<1x1024xf32>
    %select_n3A_921 = arith.select %eq3A_918, %broadcast_in_dim3A_920, %add3A_912 : vector<1x1024xi1>, vector<1x1024xf32>
    %rsqrt3A_922 = math.rsqrt %select_n3A_921 : vector<1x1024xf32>
    %mul3A_923 = arith.constant 5.000000e-01 : f32
    %mul3A_924 = vector.broadcast %mul3A_923 : f32 to vector<1x1024xf32>
    %mul3A_925 = arith.mulf %mul3A_924, %select_n3A_921 : vector<1x1024xf32>
    %mul3A_926 = arith.mulf %mul3A_925, %rsqrt3A_922 : vector<1x1024xf32>
    %mul3A_927 = arith.mulf %mul3A_926, %rsqrt3A_922 : vector<1x1024xf32>
    %sub3A_928 = arith.constant 1.500000e+00 : f32
    %sub3A_929 = vector.broadcast %sub3A_928 : f32 to vector<1x1024xf32>
    %sub3A_930 = arith.subf %sub3A_929, %mul3A_927 : vector<1x1024xf32>
    %mul3A_931 = arith.mulf %rsqrt3A_922, %sub3A_930 : vector<1x1024xf32>
    %mul3A_932 = arith.constant 5.000000e-01 : f32
    %mul3A_933 = vector.broadcast %mul3A_932 : f32 to vector<1x1024xf32>
    %mul3A_934 = arith.mulf %mul3A_933, %select_n3A_921 : vector<1x1024xf32>
    %mul3A_935 = arith.mulf %mul3A_934, %mul3A_931 : vector<1x1024xf32>
    %mul3A_936 = arith.mulf %mul3A_935, %mul3A_931 : vector<1x1024xf32>
    %sub3A_937 = arith.constant 1.500000e+00 : f32
    %sub3A_938 = vector.broadcast %sub3A_937 : f32 to vector<1x1024xf32>
    %sub3A_939 = arith.subf %sub3A_938, %mul3A_936 : vector<1x1024xf32>
    %mul3A_940 = arith.mulf %mul3A_931, %sub3A_939 : vector<1x1024xf32>
    %mul3A_941 = arith.mulf %select_n3A_921, %mul3A_940 : vector<1x1024xf32>
    %jit3A_942 = arith.constant 0.000000e+00 : f32
    %broadcast_in_dim3A_943 = vector.broadcast %jit3A_942 : f32 to vector<1x1024xf32>
    %select_n3A_944 = arith.select %eq3A_915, %broadcast_in_dim3A_943, %mul3A_941 : vector<1x1024xi1>, vector<1x1024xf32>
    %mul3A_945 = arith.mulf %slice3A_903, %sub3A_901 : vector<1x1024xf32>
    %mul3A_946 = arith.mulf %slice3A_904, %sub3A_898 : vector<1x1024xf32>
    %sub3A_947 = arith.subf %mul3A_945, %mul3A_946 : vector<1x1024xf32>
    %mul3A_948 = arith.mulf %slice3A_904, %sub3A_895 : vector<1x1024xf32>
    %mul3A_949 = arith.mulf %slice3A_902, %sub3A_901 : vector<1x1024xf32>
    %sub3A_950 = arith.subf %mul3A_948, %mul3A_949 : vector<1x1024xf32>
    %mul3A_951 = arith.mulf %slice3A_902, %sub3A_898 : vector<1x1024xf32>
    %mul3A_952 = arith.mulf %slice3A_903, %sub3A_895 : vector<1x1024xf32>
    %sub3A_953 = arith.subf %mul3A_951, %mul3A_952 : vector<1x1024xf32>
    %mul3A_954 = arith.mulf %sub3A_947, %sub3A_947 : vector<1x1024xf32>
    %mul3A_955 = arith.mulf %sub3A_950, %sub3A_950 : vector<1x1024xf32>
    %add3A_956 = arith.addf %mul3A_954, %mul3A_955 : vector<1x1024xf32>
    %mul3A_957 = arith.mulf %sub3A_953, %sub3A_953 : vector<1x1024xf32>
    %add3A_958 = arith.addf %add3A_956, %mul3A_957 : vector<1x1024xf32>
    %eq3A_959 = arith.constant 0.000000e+00 : f32
    %eq3A_960 = vector.broadcast %eq3A_959 : f32 to vector<1x1024xf32>
    %eq3A_961 = arith.cmpf oeq, %add3A_958, %eq3A_960 : vector<1x1024xf32>
    %eq3A_962 = arith.constant 0.000000e+00 : f32
    %eq3A_963 = vector.broadcast %eq3A_962 : f32 to vector<1x1024xf32>
    %eq3A_964 = arith.cmpf oeq, %add3A_958, %eq3A_963 : vector<1x1024xf32>
    %jit3A_965 = arith.constant 1.000000e+00 : f32
    %broadcast_in_dim3A_966 = vector.broadcast %jit3A_965 : f32 to vector<1x1024xf32>
    %select_n3A_967 = arith.select %eq3A_964, %broadcast_in_dim3A_966, %add3A_958 : vector<1x1024xi1>, vector<1x1024xf32>
    %rsqrt3A_968 = math.rsqrt %select_n3A_967 : vector<1x1024xf32>
    %mul3A_969 = arith.constant 5.000000e-01 : f32
    %mul3A_970 = vector.broadcast %mul3A_969 : f32 to vector<1x1024xf32>
    %mul3A_971 = arith.mulf %mul3A_970, %select_n3A_967 : vector<1x1024xf32>
    %mul3A_972 = arith.mulf %mul3A_971, %rsqrt3A_968 : vector<1x1024xf32>
    %mul3A_973 = arith.mulf %mul3A_972, %rsqrt3A_968 : vector<1x1024xf32>
    %sub3A_974 = arith.constant 1.500000e+00 : f32
    %sub3A_975 = vector.broadcast %sub3A_974 : f32 to vector<1x1024xf32>
    %sub3A_976 = arith.subf %sub3A_975, %mul3A_973 : vector<1x1024xf32>
    %mul3A_977 = arith.mulf %rsqrt3A_968, %sub3A_976 : vector<1x1024xf32>
    %mul3A_978 = arith.constant 5.000000e-01 : f32
    %mul3A_979 = vector.broadcast %mul3A_978 : f32 to vector<1x1024xf32>
    %mul3A_980 = arith.mulf %mul3A_979, %select_n3A_967 : vector<1x1024xf32>
    %mul3A_981 = arith.mulf %mul3A_980, %mul3A_977 : vector<1x1024xf32>
    %mul3A_982 = arith.mulf %mul3A_981, %mul3A_977 : vector<1x1024xf32>
    %sub3A_983 = arith.constant 1.500000e+00 : f32
    %sub3A_984 = vector.broadcast %sub3A_983 : f32 to vector<1x1024xf32>
    %sub3A_985 = arith.subf %sub3A_984, %mul3A_982 : vector<1x1024xf32>
    %mul3A_986 = arith.mulf %mul3A_977, %sub3A_985 : vector<1x1024xf32>
    %mul3A_987 = arith.mulf %select_n3A_967, %mul3A_986 : vector<1x1024xf32>
    %jit3A_988 = arith.constant 0.000000e+00 : f32
    %broadcast_in_dim3A_989 = vector.broadcast %jit3A_988 : f32 to vector<1x1024xf32>
    %select_n3A_990 = arith.select %eq3A_961, %broadcast_in_dim3A_989, %mul3A_987 : vector<1x1024xi1>, vector<1x1024xf32>
    %mul3A_991 = arith.mulf %slice3A_902, %sub3A_895 : vector<1x1024xf32>
    %mul3A_992 = arith.mulf %slice3A_903, %sub3A_898 : vector<1x1024xf32>
    %add3A_993 = arith.addf %mul3A_991, %mul3A_992 : vector<1x1024xf32>
    %mul3A_994 = arith.mulf %slice3A_904, %sub3A_901 : vector<1x1024xf32>
    %add3A_995 = arith.addf %add3A_993, %mul3A_994 : vector<1x1024xf32>
    %eq3A_996 = arith.constant 0.000000e+00 : f32
    %eq3A_997 = vector.broadcast %eq3A_996 : f32 to vector<1x1024xf32>
    %eq3A_998 = arith.cmpf oeq, %select_n3A_990, %eq3A_997 : vector<1x1024xf32>
    %eq3A_999 = arith.constant 0.000000e+00 : f32
    %eq3A_1000 = vector.broadcast %eq3A_999 : f32 to vector<1x1024xf32>
    %eq3A_1001 = arith.cmpf oeq, %add3A_995, %eq3A_1000 : vector<1x1024xf32>
    %and3A_1002 = arith.andi %eq3A_998, %eq3A_1001 : vector<1x1024xi1>
    %jit3A_1003 = arith.constant 0.000000e+00 : f32
    %broadcast_in_dim3A_1004 = vector.broadcast %jit3A_1003 : f32 to vector<1x1024xf32>
    %select_n3A_1005 = arith.select %and3A_1002, %broadcast_in_dim3A_1004, %select_n3A_990 : vector<1x1024xi1>, vector<1x1024xf32>
    %jit3A_1006 = arith.constant 1.000000e+00 : f32
    %broadcast_in_dim3A_1007 = vector.broadcast %jit3A_1006 : f32 to vector<1x1024xf32>
    %select_n3A_1008 = arith.select %and3A_1002, %broadcast_in_dim3A_1007, %add3A_995 : vector<1x1024xi1>, vector<1x1024xf32>
    %abs3A_1009 = math.absf %select_n3A_1008 : vector<1x1024xf32>
    %min3A_1010 = arith.minimumf %select_n3A_1005, %abs3A_1009 : vector<1x1024xf32>
    %max3A_1011 = arith.maximumf %select_n3A_1005, %abs3A_1009 : vector<1x1024xf32>
    %integer_pow3A_1012 = arith.constant 1.000000e+00 : f32
    %integer_pow3A_1013 = vector.broadcast %integer_pow3A_1012 : f32 to vector<1x1024xf32>
    %integer_pow3A_1014 = arith.divf %integer_pow3A_1013, %max3A_1011 : vector<1x1024xf32>
    %mul3A_1015 = arith.mulf %max3A_1011, %integer_pow3A_1014 : vector<1x1024xf32>
    %sub3A_1016 = arith.constant 2.000000e+00 : f32
    %sub3A_1017 = vector.broadcast %sub3A_1016 : f32 to vector<1x1024xf32>
    %sub3A_1018 = arith.subf %sub3A_1017, %mul3A_1015 : vector<1x1024xf32>
    %mul3A_1019 = arith.mulf %integer_pow3A_1014, %sub3A_1018 : vector<1x1024xf32>
    %mul3A_1020 = arith.mulf %max3A_1011, %mul3A_1019 : vector<1x1024xf32>
    %sub3A_1021 = arith.constant 2.000000e+00 : f32
    %sub3A_1022 = vector.broadcast %sub3A_1021 : f32 to vector<1x1024xf32>
    %sub3A_1023 = arith.subf %sub3A_1022, %mul3A_1020 : vector<1x1024xf32>
    %mul3A_1024 = arith.mulf %mul3A_1019, %sub3A_1023 : vector<1x1024xf32>
    %mul3A_1025 = arith.mulf %min3A_1010, %mul3A_1024 : vector<1x1024xf32>
    %mul3A_1026 = arith.mulf %mul3A_1025, %mul3A_1025 : vector<1x1024xf32>
    %mul3A_1027 = arith.constant 0.00304996455 : f32
    %mul3A_1028 = vector.broadcast %mul3A_1027 : f32 to vector<1x1024xf32>
    %mul3A_1029 = arith.mulf %mul3A_1028, %mul3A_1026 : vector<1x1024xf32>
    %add3A_1030 = arith.constant -0.0168274343 : f32
    %add3A_1031 = vector.broadcast %add3A_1030 : f32 to vector<1x1024xf32>
    %add3A_1032 = arith.addf %mul3A_1029, %add3A_1031 : vector<1x1024xf32>
    %mul3A_1033 = arith.mulf %add3A_1032, %mul3A_1026 : vector<1x1024xf32>
    %add3A_1034 = arith.constant 0.043855574 : f32
    %add3A_1035 = vector.broadcast %add3A_1034 : f32 to vector<1x1024xf32>
    %add3A_1036 = arith.addf %mul3A_1033, %add3A_1035 : vector<1x1024xf32>
    %mul3A_1037 = arith.mulf %add3A_1036, %mul3A_1026 : vector<1x1024xf32>
    %add3A_1038 = arith.constant -0.0759680793 : f32
    %add3A_1039 = vector.broadcast %add3A_1038 : f32 to vector<1x1024xf32>
    %add3A_1040 = arith.addf %mul3A_1037, %add3A_1039 : vector<1x1024xf32>
    %mul3A_1041 = arith.mulf %add3A_1040, %mul3A_1026 : vector<1x1024xf32>
    %add3A_1042 = arith.constant 0.106814198 : f32
    %add3A_1043 = vector.broadcast %add3A_1042 : f32 to vector<1x1024xf32>
    %add3A_1044 = arith.addf %mul3A_1041, %add3A_1043 : vector<1x1024xf32>
    %mul3A_1045 = arith.mulf %add3A_1044, %mul3A_1026 : vector<1x1024xf32>
    %add3A_1046 = arith.constant -0.142131954 : f32
    %add3A_1047 = vector.broadcast %add3A_1046 : f32 to vector<1x1024xf32>
    %add3A_1048 = arith.addf %mul3A_1045, %add3A_1047 : vector<1x1024xf32>
    %mul3A_1049 = arith.mulf %add3A_1048, %mul3A_1026 : vector<1x1024xf32>
    %add3A_1050 = arith.constant 0.199937165 : f32
    %add3A_1051 = vector.broadcast %add3A_1050 : f32 to vector<1x1024xf32>
    %add3A_1052 = arith.addf %mul3A_1049, %add3A_1051 : vector<1x1024xf32>
    %mul3A_1053 = arith.mulf %add3A_1052, %mul3A_1026 : vector<1x1024xf32>
    %add3A_1054 = arith.constant -0.333331198 : f32
    %add3A_1055 = vector.broadcast %add3A_1054 : f32 to vector<1x1024xf32>
    %add3A_1056 = arith.addf %mul3A_1053, %add3A_1055 : vector<1x1024xf32>
    %mul3A_1057 = arith.mulf %add3A_1056, %mul3A_1026 : vector<1x1024xf32>
    %add3A_1058 = arith.constant 1.000000e+00 : f32
    %add3A_1059 = vector.broadcast %add3A_1058 : f32 to vector<1x1024xf32>
    %add3A_1060 = arith.addf %mul3A_1057, %add3A_1059 : vector<1x1024xf32>
    %mul3A_1061 = arith.mulf %add3A_1060, %mul3A_1025 : vector<1x1024xf32>
    %gt3A_1062 = arith.cmpf ogt, %select_n3A_1005, %abs3A_1009 : vector<1x1024xf32>
    %sub3A_1063 = arith.constant 1.57079637 : f32
    %sub3A_1064 = vector.broadcast %sub3A_1063 : f32 to vector<1x1024xf32>
    %sub3A_1065 = arith.subf %sub3A_1064, %mul3A_1061 : vector<1x1024xf32>
    %select_n3A_1066 = arith.select %gt3A_1062, %sub3A_1065, %mul3A_1061 : vector<1x1024xi1>, vector<1x1024xf32>
    %lt3A_1067 = arith.constant 0.000000e+00 : f32
    %lt3A_1068 = vector.broadcast %lt3A_1067 : f32 to vector<1x1024xf32>
    %lt3A_1069 = arith.cmpf olt, %select_n3A_1008, %lt3A_1068 : vector<1x1024xf32>
    %sub3A_1070 = arith.constant 3.14159274 : f32
    %sub3A_1071 = vector.broadcast %sub3A_1070 : f32 to vector<1x1024xf32>
    %sub3A_1072 = arith.subf %sub3A_1071, %select_n3A_1066 : vector<1x1024xf32>
    %select_n3A_1073 = arith.select %lt3A_1069, %sub3A_1072, %select_n3A_1066 : vector<1x1024xi1>, vector<1x1024xf32>
    %mul3A_1074 = arith.mulf %slice3A_906, %sub3A_901 : vector<1x1024xf32>
    %mul3A_1075 = arith.mulf %slice3A_907, %sub3A_898 : vector<1x1024xf32>
    %sub3A_1076 = arith.subf %mul3A_1074, %mul3A_1075 : vector<1x1024xf32>
    %mul3A_1077 = arith.mulf %slice3A_907, %sub3A_895 : vector<1x1024xf32>
    %mul3A_1078 = arith.mulf %slice3A_905, %sub3A_901 : vector<1x1024xf32>
    %sub3A_1079 = arith.subf %mul3A_1077, %mul3A_1078 : vector<1x1024xf32>
    %mul3A_1080 = arith.mulf %slice3A_905, %sub3A_898 : vector<1x1024xf32>
    %mul3A_1081 = arith.mulf %slice3A_906, %sub3A_895 : vector<1x1024xf32>
    %sub3A_1082 = arith.subf %mul3A_1080, %mul3A_1081 : vector<1x1024xf32>
    %mul3A_1083 = arith.mulf %sub3A_1076, %sub3A_1076 : vector<1x1024xf32>
    %mul3A_1084 = arith.mulf %sub3A_1079, %sub3A_1079 : vector<1x1024xf32>
    %add3A_1085 = arith.addf %mul3A_1083, %mul3A_1084 : vector<1x1024xf32>
    %mul3A_1086 = arith.mulf %sub3A_1082, %sub3A_1082 : vector<1x1024xf32>
    %add3A_1087 = arith.addf %add3A_1085, %mul3A_1086 : vector<1x1024xf32>
    %eq3A_1088 = arith.constant 0.000000e+00 : f32
    %eq3A_1089 = vector.broadcast %eq3A_1088 : f32 to vector<1x1024xf32>
    %eq3A_1090 = arith.cmpf oeq, %add3A_1087, %eq3A_1089 : vector<1x1024xf32>
    %eq3A_1091 = arith.constant 0.000000e+00 : f32
    %eq3A_1092 = vector.broadcast %eq3A_1091 : f32 to vector<1x1024xf32>
    %eq3A_1093 = arith.cmpf oeq, %add3A_1087, %eq3A_1092 : vector<1x1024xf32>
    %jit3A_1094 = arith.constant 1.000000e+00 : f32
    %broadcast_in_dim3A_1095 = vector.broadcast %jit3A_1094 : f32 to vector<1x1024xf32>
    %select_n3A_1096 = arith.select %eq3A_1093, %broadcast_in_dim3A_1095, %add3A_1087 : vector<1x1024xi1>, vector<1x1024xf32>
    %rsqrt3A_1097 = math.rsqrt %select_n3A_1096 : vector<1x1024xf32>
    %mul3A_1098 = arith.constant 5.000000e-01 : f32
    %mul3A_1099 = vector.broadcast %mul3A_1098 : f32 to vector<1x1024xf32>
    %mul3A_1100 = arith.mulf %mul3A_1099, %select_n3A_1096 : vector<1x1024xf32>
    %mul3A_1101 = arith.mulf %mul3A_1100, %rsqrt3A_1097 : vector<1x1024xf32>
    %mul3A_1102 = arith.mulf %mul3A_1101, %rsqrt3A_1097 : vector<1x1024xf32>
    %sub3A_1103 = arith.constant 1.500000e+00 : f32
    %sub3A_1104 = vector.broadcast %sub3A_1103 : f32 to vector<1x1024xf32>
    %sub3A_1105 = arith.subf %sub3A_1104, %mul3A_1102 : vector<1x1024xf32>
    %mul3A_1106 = arith.mulf %rsqrt3A_1097, %sub3A_1105 : vector<1x1024xf32>
    %mul3A_1107 = arith.constant 5.000000e-01 : f32
    %mul3A_1108 = vector.broadcast %mul3A_1107 : f32 to vector<1x1024xf32>
    %mul3A_1109 = arith.mulf %mul3A_1108, %select_n3A_1096 : vector<1x1024xf32>
    %mul3A_1110 = arith.mulf %mul3A_1109, %mul3A_1106 : vector<1x1024xf32>
    %mul3A_1111 = arith.mulf %mul3A_1110, %mul3A_1106 : vector<1x1024xf32>
    %sub3A_1112 = arith.constant 1.500000e+00 : f32
    %sub3A_1113 = vector.broadcast %sub3A_1112 : f32 to vector<1x1024xf32>
    %sub3A_1114 = arith.subf %sub3A_1113, %mul3A_1111 : vector<1x1024xf32>
    %mul3A_1115 = arith.mulf %mul3A_1106, %sub3A_1114 : vector<1x1024xf32>
    %mul3A_1116 = arith.mulf %select_n3A_1096, %mul3A_1115 : vector<1x1024xf32>
    %jit3A_1117 = arith.constant 0.000000e+00 : f32
    %broadcast_in_dim3A_1118 = vector.broadcast %jit3A_1117 : f32 to vector<1x1024xf32>
    %select_n3A_1119 = arith.select %eq3A_1090, %broadcast_in_dim3A_1118, %mul3A_1116 : vector<1x1024xi1>, vector<1x1024xf32>
    %mul3A_1120 = arith.mulf %slice3A_905, %sub3A_895 : vector<1x1024xf32>
    %mul3A_1121 = arith.mulf %slice3A_906, %sub3A_898 : vector<1x1024xf32>
    %add3A_1122 = arith.addf %mul3A_1120, %mul3A_1121 : vector<1x1024xf32>
    %mul3A_1123 = arith.mulf %slice3A_907, %sub3A_901 : vector<1x1024xf32>
    %add3A_1124 = arith.addf %add3A_1122, %mul3A_1123 : vector<1x1024xf32>
    %eq3A_1125 = arith.constant 0.000000e+00 : f32
    %eq3A_1126 = vector.broadcast %eq3A_1125 : f32 to vector<1x1024xf32>
    %eq3A_1127 = arith.cmpf oeq, %select_n3A_1119, %eq3A_1126 : vector<1x1024xf32>
    %eq3A_1128 = arith.constant 0.000000e+00 : f32
    %eq3A_1129 = vector.broadcast %eq3A_1128 : f32 to vector<1x1024xf32>
    %eq3A_1130 = arith.cmpf oeq, %add3A_1124, %eq3A_1129 : vector<1x1024xf32>
    %and3A_1131 = arith.andi %eq3A_1127, %eq3A_1130 : vector<1x1024xi1>
    %jit3A_1132 = arith.constant 0.000000e+00 : f32
    %broadcast_in_dim3A_1133 = vector.broadcast %jit3A_1132 : f32 to vector<1x1024xf32>
    %select_n3A_1134 = arith.select %and3A_1131, %broadcast_in_dim3A_1133, %select_n3A_1119 : vector<1x1024xi1>, vector<1x1024xf32>
    %jit3A_1135 = arith.constant 1.000000e+00 : f32
    %broadcast_in_dim3A_1136 = vector.broadcast %jit3A_1135 : f32 to vector<1x1024xf32>
    %select_n3A_1137 = arith.select %and3A_1131, %broadcast_in_dim3A_1136, %add3A_1124 : vector<1x1024xi1>, vector<1x1024xf32>
    %abs3A_1138 = math.absf %select_n3A_1137 : vector<1x1024xf32>
    %min3A_1139 = arith.minimumf %select_n3A_1134, %abs3A_1138 : vector<1x1024xf32>
    %max3A_1140 = arith.maximumf %select_n3A_1134, %abs3A_1138 : vector<1x1024xf32>
    %integer_pow3A_1141 = arith.constant 1.000000e+00 : f32
    %integer_pow3A_1142 = vector.broadcast %integer_pow3A_1141 : f32 to vector<1x1024xf32>
    %integer_pow3A_1143 = arith.divf %integer_pow3A_1142, %max3A_1140 : vector<1x1024xf32>
    %mul3A_1144 = arith.mulf %max3A_1140, %integer_pow3A_1143 : vector<1x1024xf32>
    %sub3A_1145 = arith.constant 2.000000e+00 : f32
    %sub3A_1146 = vector.broadcast %sub3A_1145 : f32 to vector<1x1024xf32>
    %sub3A_1147 = arith.subf %sub3A_1146, %mul3A_1144 : vector<1x1024xf32>
    %mul3A_1148 = arith.mulf %integer_pow3A_1143, %sub3A_1147 : vector<1x1024xf32>
    %mul3A_1149 = arith.mulf %max3A_1140, %mul3A_1148 : vector<1x1024xf32>
    %sub3A_1150 = arith.constant 2.000000e+00 : f32
    %sub3A_1151 = vector.broadcast %sub3A_1150 : f32 to vector<1x1024xf32>
    %sub3A_1152 = arith.subf %sub3A_1151, %mul3A_1149 : vector<1x1024xf32>
    %mul3A_1153 = arith.mulf %mul3A_1148, %sub3A_1152 : vector<1x1024xf32>
    %mul3A_1154 = arith.mulf %min3A_1139, %mul3A_1153 : vector<1x1024xf32>
    %mul3A_1155 = arith.mulf %mul3A_1154, %mul3A_1154 : vector<1x1024xf32>
    %mul3A_1156 = arith.constant 0.00304996455 : f32
    %mul3A_1157 = vector.broadcast %mul3A_1156 : f32 to vector<1x1024xf32>
    %mul3A_1158 = arith.mulf %mul3A_1157, %mul3A_1155 : vector<1x1024xf32>
    %add3A_1159 = arith.constant -0.0168274343 : f32
    %add3A_1160 = vector.broadcast %add3A_1159 : f32 to vector<1x1024xf32>
    %add3A_1161 = arith.addf %mul3A_1158, %add3A_1160 : vector<1x1024xf32>
    %mul3A_1162 = arith.mulf %add3A_1161, %mul3A_1155 : vector<1x1024xf32>
    %add3A_1163 = arith.constant 0.043855574 : f32
    %add3A_1164 = vector.broadcast %add3A_1163 : f32 to vector<1x1024xf32>
    %add3A_1165 = arith.addf %mul3A_1162, %add3A_1164 : vector<1x1024xf32>
    %mul3A_1166 = arith.mulf %add3A_1165, %mul3A_1155 : vector<1x1024xf32>
    %add3A_1167 = arith.constant -0.0759680793 : f32
    %add3A_1168 = vector.broadcast %add3A_1167 : f32 to vector<1x1024xf32>
    %add3A_1169 = arith.addf %mul3A_1166, %add3A_1168 : vector<1x1024xf32>
    %mul3A_1170 = arith.mulf %add3A_1169, %mul3A_1155 : vector<1x1024xf32>
    %add3A_1171 = arith.constant 0.106814198 : f32
    %add3A_1172 = vector.broadcast %add3A_1171 : f32 to vector<1x1024xf32>
    %add3A_1173 = arith.addf %mul3A_1170, %add3A_1172 : vector<1x1024xf32>
    %mul3A_1174 = arith.mulf %add3A_1173, %mul3A_1155 : vector<1x1024xf32>
    %add3A_1175 = arith.constant -0.142131954 : f32
    %add3A_1176 = vector.broadcast %add3A_1175 : f32 to vector<1x1024xf32>
    %add3A_1177 = arith.addf %mul3A_1174, %add3A_1176 : vector<1x1024xf32>
    %mul3A_1178 = arith.mulf %add3A_1177, %mul3A_1155 : vector<1x1024xf32>
    %add3A_1179 = arith.constant 0.199937165 : f32
    %add3A_1180 = vector.broadcast %add3A_1179 : f32 to vector<1x1024xf32>
    %add3A_1181 = arith.addf %mul3A_1178, %add3A_1180 : vector<1x1024xf32>
    %mul3A_1182 = arith.mulf %add3A_1181, %mul3A_1155 : vector<1x1024xf32>
    %add3A_1183 = arith.constant -0.333331198 : f32
    %add3A_1184 = vector.broadcast %add3A_1183 : f32 to vector<1x1024xf32>
    %add3A_1185 = arith.addf %mul3A_1182, %add3A_1184 : vector<1x1024xf32>
    %mul3A_1186 = arith.mulf %add3A_1185, %mul3A_1155 : vector<1x1024xf32>
    %add3A_1187 = arith.constant 1.000000e+00 : f32
    %add3A_1188 = vector.broadcast %add3A_1187 : f32 to vector<1x1024xf32>
    %add3A_1189 = arith.addf %mul3A_1186, %add3A_1188 : vector<1x1024xf32>
    %mul3A_1190 = arith.mulf %add3A_1189, %mul3A_1154 : vector<1x1024xf32>
    %gt3A_1191 = arith.cmpf ogt, %select_n3A_1134, %abs3A_1138 : vector<1x1024xf32>
    %sub3A_1192 = arith.constant 1.57079637 : f32
    %sub3A_1193 = vector.broadcast %sub3A_1192 : f32 to vector<1x1024xf32>
    %sub3A_1194 = arith.subf %sub3A_1193, %mul3A_1190 : vector<1x1024xf32>
    %select_n3A_1195 = arith.select %gt3A_1191, %sub3A_1194, %mul3A_1190 : vector<1x1024xi1>, vector<1x1024xf32>
    %lt3A_1196 = arith.constant 0.000000e+00 : f32
    %lt3A_1197 = vector.broadcast %lt3A_1196 : f32 to vector<1x1024xf32>
    %lt3A_1198 = arith.cmpf olt, %select_n3A_1137, %lt3A_1197 : vector<1x1024xf32>
    %sub3A_1199 = arith.constant 3.14159274 : f32
    %sub3A_1200 = vector.broadcast %sub3A_1199 : f32 to vector<1x1024xf32>
    %sub3A_1201 = arith.subf %sub3A_1200, %select_n3A_1195 : vector<1x1024xf32>
    %select_n3A_1202 = arith.select %lt3A_1198, %sub3A_1201, %select_n3A_1195 : vector<1x1024xi1>, vector<1x1024xf32>
    %mul3A_1203 = arith.mulf %slice3A_903, %slice3A_907 : vector<1x1024xf32>
    %mul3A_1204 = arith.mulf %slice3A_904, %slice3A_906 : vector<1x1024xf32>
    %sub3A_1205 = arith.subf %mul3A_1203, %mul3A_1204 : vector<1x1024xf32>
    %mul3A_1206 = arith.mulf %slice3A_904, %slice3A_905 : vector<1x1024xf32>
    %mul3A_1207 = arith.mulf %slice3A_902, %slice3A_907 : vector<1x1024xf32>
    %sub3A_1208 = arith.subf %mul3A_1206, %mul3A_1207 : vector<1x1024xf32>
    %mul3A_1209 = arith.mulf %slice3A_902, %slice3A_906 : vector<1x1024xf32>
    %mul3A_1210 = arith.mulf %slice3A_903, %slice3A_905 : vector<1x1024xf32>
    %sub3A_1211 = arith.subf %mul3A_1209, %mul3A_1210 : vector<1x1024xf32>
    %mul3A_1212 = arith.mulf %sub3A_1205, %sub3A_1205 : vector<1x1024xf32>
    %mul3A_1213 = arith.mulf %sub3A_1208, %sub3A_1208 : vector<1x1024xf32>
    %add3A_1214 = arith.addf %mul3A_1212, %mul3A_1213 : vector<1x1024xf32>
    %mul3A_1215 = arith.mulf %sub3A_1211, %sub3A_1211 : vector<1x1024xf32>
    %add3A_1216 = arith.addf %add3A_1214, %mul3A_1215 : vector<1x1024xf32>
    %eq3A_1217 = arith.constant 0.000000e+00 : f32
    %eq3A_1218 = vector.broadcast %eq3A_1217 : f32 to vector<1x1024xf32>
    %eq3A_1219 = arith.cmpf oeq, %add3A_1216, %eq3A_1218 : vector<1x1024xf32>
    %eq3A_1220 = arith.constant 0.000000e+00 : f32
    %eq3A_1221 = vector.broadcast %eq3A_1220 : f32 to vector<1x1024xf32>
    %eq3A_1222 = arith.cmpf oeq, %add3A_1216, %eq3A_1221 : vector<1x1024xf32>
    %jit3A_1223 = arith.constant 1.000000e+00 : f32
    %broadcast_in_dim3A_1224 = vector.broadcast %jit3A_1223 : f32 to vector<1x1024xf32>
    %select_n3A_1225 = arith.select %eq3A_1222, %broadcast_in_dim3A_1224, %add3A_1216 : vector<1x1024xi1>, vector<1x1024xf32>
    %rsqrt3A_1226 = math.rsqrt %select_n3A_1225 : vector<1x1024xf32>
    %mul3A_1227 = arith.constant 5.000000e-01 : f32
    %mul3A_1228 = vector.broadcast %mul3A_1227 : f32 to vector<1x1024xf32>
    %mul3A_1229 = arith.mulf %mul3A_1228, %select_n3A_1225 : vector<1x1024xf32>
    %mul3A_1230 = arith.mulf %mul3A_1229, %rsqrt3A_1226 : vector<1x1024xf32>
    %mul3A_1231 = arith.mulf %mul3A_1230, %rsqrt3A_1226 : vector<1x1024xf32>
    %sub3A_1232 = arith.constant 1.500000e+00 : f32
    %sub3A_1233 = vector.broadcast %sub3A_1232 : f32 to vector<1x1024xf32>
    %sub3A_1234 = arith.subf %sub3A_1233, %mul3A_1231 : vector<1x1024xf32>
    %mul3A_1235 = arith.mulf %rsqrt3A_1226, %sub3A_1234 : vector<1x1024xf32>
    %mul3A_1236 = arith.constant 5.000000e-01 : f32
    %mul3A_1237 = vector.broadcast %mul3A_1236 : f32 to vector<1x1024xf32>
    %mul3A_1238 = arith.mulf %mul3A_1237, %select_n3A_1225 : vector<1x1024xf32>
    %mul3A_1239 = arith.mulf %mul3A_1238, %mul3A_1235 : vector<1x1024xf32>
    %mul3A_1240 = arith.mulf %mul3A_1239, %mul3A_1235 : vector<1x1024xf32>
    %sub3A_1241 = arith.constant 1.500000e+00 : f32
    %sub3A_1242 = vector.broadcast %sub3A_1241 : f32 to vector<1x1024xf32>
    %sub3A_1243 = arith.subf %sub3A_1242, %mul3A_1240 : vector<1x1024xf32>
    %mul3A_1244 = arith.mulf %mul3A_1235, %sub3A_1243 : vector<1x1024xf32>
    %mul3A_1245 = arith.mulf %select_n3A_1225, %mul3A_1244 : vector<1x1024xf32>
    %jit3A_1246 = arith.constant 0.000000e+00 : f32
    %broadcast_in_dim3A_1247 = vector.broadcast %jit3A_1246 : f32 to vector<1x1024xf32>
    %select_n3A_1248 = arith.select %eq3A_1219, %broadcast_in_dim3A_1247, %mul3A_1245 : vector<1x1024xi1>, vector<1x1024xf32>
    %mul3A_1249 = arith.mulf %slice3A_902, %slice3A_905 : vector<1x1024xf32>
    %mul3A_1250 = arith.mulf %slice3A_903, %slice3A_906 : vector<1x1024xf32>
    %add3A_1251 = arith.addf %mul3A_1249, %mul3A_1250 : vector<1x1024xf32>
    %mul3A_1252 = arith.mulf %slice3A_904, %slice3A_907 : vector<1x1024xf32>
    %add3A_1253 = arith.addf %add3A_1251, %mul3A_1252 : vector<1x1024xf32>
    %eq3A_1254 = arith.constant 0.000000e+00 : f32
    %eq3A_1255 = vector.broadcast %eq3A_1254 : f32 to vector<1x1024xf32>
    %eq3A_1256 = arith.cmpf oeq, %select_n3A_1248, %eq3A_1255 : vector<1x1024xf32>
    %eq3A_1257 = arith.constant 0.000000e+00 : f32
    %eq3A_1258 = vector.broadcast %eq3A_1257 : f32 to vector<1x1024xf32>
    %eq3A_1259 = arith.cmpf oeq, %add3A_1253, %eq3A_1258 : vector<1x1024xf32>
    %and3A_1260 = arith.andi %eq3A_1256, %eq3A_1259 : vector<1x1024xi1>
    %jit3A_1261 = arith.constant 0.000000e+00 : f32
    %broadcast_in_dim3A_1262 = vector.broadcast %jit3A_1261 : f32 to vector<1x1024xf32>
    %select_n3A_1263 = arith.select %and3A_1260, %broadcast_in_dim3A_1262, %select_n3A_1248 : vector<1x1024xi1>, vector<1x1024xf32>
    %jit3A_1264 = arith.constant 1.000000e+00 : f32
    %broadcast_in_dim3A_1265 = vector.broadcast %jit3A_1264 : f32 to vector<1x1024xf32>
    %select_n3A_1266 = arith.select %and3A_1260, %broadcast_in_dim3A_1265, %add3A_1253 : vector<1x1024xi1>, vector<1x1024xf32>
    %abs3A_1267 = math.absf %select_n3A_1266 : vector<1x1024xf32>
    %min3A_1268 = arith.minimumf %select_n3A_1263, %abs3A_1267 : vector<1x1024xf32>
    %max3A_1269 = arith.maximumf %select_n3A_1263, %abs3A_1267 : vector<1x1024xf32>
    %integer_pow3A_1270 = arith.constant 1.000000e+00 : f32
    %integer_pow3A_1271 = vector.broadcast %integer_pow3A_1270 : f32 to vector<1x1024xf32>
    %integer_pow3A_1272 = arith.divf %integer_pow3A_1271, %max3A_1269 : vector<1x1024xf32>
    %mul3A_1273 = arith.mulf %max3A_1269, %integer_pow3A_1272 : vector<1x1024xf32>
    %sub3A_1274 = arith.constant 2.000000e+00 : f32
    %sub3A_1275 = vector.broadcast %sub3A_1274 : f32 to vector<1x1024xf32>
    %sub3A_1276 = arith.subf %sub3A_1275, %mul3A_1273 : vector<1x1024xf32>
    %mul3A_1277 = arith.mulf %integer_pow3A_1272, %sub3A_1276 : vector<1x1024xf32>
    %mul3A_1278 = arith.mulf %max3A_1269, %mul3A_1277 : vector<1x1024xf32>
    %sub3A_1279 = arith.constant 2.000000e+00 : f32
    %sub3A_1280 = vector.broadcast %sub3A_1279 : f32 to vector<1x1024xf32>
    %sub3A_1281 = arith.subf %sub3A_1280, %mul3A_1278 : vector<1x1024xf32>
    %mul3A_1282 = arith.mulf %mul3A_1277, %sub3A_1281 : vector<1x1024xf32>
    %mul3A_1283 = arith.mulf %min3A_1268, %mul3A_1282 : vector<1x1024xf32>
    %mul3A_1284 = arith.mulf %mul3A_1283, %mul3A_1283 : vector<1x1024xf32>
    %mul3A_1285 = arith.constant 0.00304996455 : f32
    %mul3A_1286 = vector.broadcast %mul3A_1285 : f32 to vector<1x1024xf32>
    %mul3A_1287 = arith.mulf %mul3A_1286, %mul3A_1284 : vector<1x1024xf32>
    %add3A_1288 = arith.constant -0.0168274343 : f32
    %add3A_1289 = vector.broadcast %add3A_1288 : f32 to vector<1x1024xf32>
    %add3A_1290 = arith.addf %mul3A_1287, %add3A_1289 : vector<1x1024xf32>
    %mul3A_1291 = arith.mulf %add3A_1290, %mul3A_1284 : vector<1x1024xf32>
    %add3A_1292 = arith.constant 0.043855574 : f32
    %add3A_1293 = vector.broadcast %add3A_1292 : f32 to vector<1x1024xf32>
    %add3A_1294 = arith.addf %mul3A_1291, %add3A_1293 : vector<1x1024xf32>
    %mul3A_1295 = arith.mulf %add3A_1294, %mul3A_1284 : vector<1x1024xf32>
    %add3A_1296 = arith.constant -0.0759680793 : f32
    %add3A_1297 = vector.broadcast %add3A_1296 : f32 to vector<1x1024xf32>
    %add3A_1298 = arith.addf %mul3A_1295, %add3A_1297 : vector<1x1024xf32>
    %mul3A_1299 = arith.mulf %add3A_1298, %mul3A_1284 : vector<1x1024xf32>
    %add3A_1300 = arith.constant 0.106814198 : f32
    %add3A_1301 = vector.broadcast %add3A_1300 : f32 to vector<1x1024xf32>
    %add3A_1302 = arith.addf %mul3A_1299, %add3A_1301 : vector<1x1024xf32>
    %mul3A_1303 = arith.mulf %add3A_1302, %mul3A_1284 : vector<1x1024xf32>
    %add3A_1304 = arith.constant -0.142131954 : f32
    %add3A_1305 = vector.broadcast %add3A_1304 : f32 to vector<1x1024xf32>
    %add3A_1306 = arith.addf %mul3A_1303, %add3A_1305 : vector<1x1024xf32>
    %mul3A_1307 = arith.mulf %add3A_1306, %mul3A_1284 : vector<1x1024xf32>
    %add3A_1308 = arith.constant 0.199937165 : f32
    %add3A_1309 = vector.broadcast %add3A_1308 : f32 to vector<1x1024xf32>
    %add3A_1310 = arith.addf %mul3A_1307, %add3A_1309 : vector<1x1024xf32>
    %mul3A_1311 = arith.mulf %add3A_1310, %mul3A_1284 : vector<1x1024xf32>
    %add3A_1312 = arith.constant -0.333331198 : f32
    %add3A_1313 = vector.broadcast %add3A_1312 : f32 to vector<1x1024xf32>
    %add3A_1314 = arith.addf %mul3A_1311, %add3A_1313 : vector<1x1024xf32>
    %mul3A_1315 = arith.mulf %add3A_1314, %mul3A_1284 : vector<1x1024xf32>
    %add3A_1316 = arith.constant 1.000000e+00 : f32
    %add3A_1317 = vector.broadcast %add3A_1316 : f32 to vector<1x1024xf32>
    %add3A_1318 = arith.addf %mul3A_1315, %add3A_1317 : vector<1x1024xf32>
    %mul3A_1319 = arith.mulf %add3A_1318, %mul3A_1283 : vector<1x1024xf32>
    %gt3A_1320 = arith.cmpf ogt, %select_n3A_1263, %abs3A_1267 : vector<1x1024xf32>
    %sub3A_1321 = arith.constant 1.57079637 : f32
    %sub3A_1322 = vector.broadcast %sub3A_1321 : f32 to vector<1x1024xf32>
    %sub3A_1323 = arith.subf %sub3A_1322, %mul3A_1319 : vector<1x1024xf32>
    %select_n3A_1324 = arith.select %gt3A_1320, %sub3A_1323, %mul3A_1319 : vector<1x1024xi1>, vector<1x1024xf32>
    %lt3A_1325 = arith.constant 0.000000e+00 : f32
    %lt3A_1326 = vector.broadcast %lt3A_1325 : f32 to vector<1x1024xf32>
    %lt3A_1327 = arith.cmpf olt, %select_n3A_1266, %lt3A_1326 : vector<1x1024xf32>
    %sub3A_1328 = arith.constant 3.14159274 : f32
    %sub3A_1329 = vector.broadcast %sub3A_1328 : f32 to vector<1x1024xf32>
    %sub3A_1330 = arith.subf %sub3A_1329, %select_n3A_1324 : vector<1x1024xf32>
    %select_n3A_1331 = arith.select %lt3A_1327, %sub3A_1330, %select_n3A_1324 : vector<1x1024xi1>, vector<1x1024xf32>
    %concatenate3A_1332 = tpu.concatenate %select_n3A_944, %select_n3A_1073, %select_n3A_1202, %select_n3A_1331 in 0 : vector<1x1024xf32>, vector<1x1024xf32>, vector<1x1024xf32>, vector<1x1024xf32> -> vector<4x1024xf32>
    %swap3A_1333 = arith.constant 0 : index
    %swap3A_1334 = arith.constant 2 : index
    %swap3A_1335 = arith.constant 0 : index
    %swap3A_1336 = arith.constant 0 : index
    %swap3A_1337 = vector.load %arg12[%swap3A_1333, %swap3A_1334, %swap3A_1335, %swap3A_1336] : memref<1x4x4x1024xf32, #tpu.memory_space<vmem>>, vector<1x1x4x1024xf32>
    %swap3A_1338 = vector.shape_cast %swap3A_1337 : vector<1x1x4x1024xf32> to vector<4x1024xf32>
    %swap3A_1339 = vector.shape_cast %concatenate3A_1332 : vector<4x1024xf32> to vector<1x1x4x1024xf32>
    tpu.vector_store %arg12[%swap3A_1333, %swap3A_1334, %swap3A_1335, %swap3A_1336], %swap3A_1339 {strides = array<i32>} : memref<1x4x4x1024xf32, #tpu.memory_space<vmem>>, vector<1x1x4x1024xf32>,
    %get3A_1340 = arith.constant 0 : index
    %get3A_1341 = arith.constant 0 : index
    %get3A_1342 = arith.constant 0 : index
    %get3A_1343 = vector.load %arg5[%get3A_1340, %get3A_1341, %get3A_1342] : memref<1x16x1024xf32, #tpu.memory_space<vmem>>, vector<1x16x1024xf32>
    %get3A_1344 = vector.shape_cast %get3A_1343 : vector<1x16x1024xf32> to vector<16x1024xf32>
    %slice3A_1345 = vector.extract_strided_slice %get3A_1344 {offsets = [0, 0], sizes = [1, 1024], strides = [1, 1]} : vector<16x1024xf32> to vector<1x1024xf32>
    %slice3A_1346 = vector.extract_strided_slice %get3A_1 {offsets = [0, 0], sizes = [1, 1024], strides = [1, 1]} : vector<16x1024xf32> to vector<1x1024xf32>
    %sub3A_1347 = arith.subf %slice3A_1345, %slice3A_1346 : vector<1x1024xf32>
    %slice3A_1348 = vector.extract_strided_slice %get3A_1344 {offsets = [1, 0], sizes = [1, 1024], strides = [1, 1]} : vector<16x1024xf32> to vector<1x1024xf32>
    %slice3A_1349 = vector.extract_strided_slice %get3A_1 {offsets = [1, 0], sizes = [1, 1024], strides = [1, 1]} : vector<16x1024xf32> to vector<1x1024xf32>
    %sub3A_1350 = arith.subf %slice3A_1348, %slice3A_1349 : vector<1x1024xf32>
    %slice3A_1351 = vector.extract_strided_slice %get3A_1344 {offsets = [2, 0], sizes = [1, 1024], strides = [1, 1]} : vector<16x1024xf32> to vector<1x1024xf32>
    %slice3A_1352 = vector.extract_strided_slice %get3A_1 {offsets = [2, 0], sizes = [1, 1024], strides = [1, 1]} : vector<16x1024xf32> to vector<1x1024xf32>
    %sub3A_1353 = arith.subf %slice3A_1351, %slice3A_1352 : vector<1x1024xf32>
    %slice3A_1354 = vector.extract_strided_slice %get3A_1 {offsets = [3, 0], sizes = [1, 1024], strides = [1, 1]} : vector<16x1024xf32> to vector<1x1024xf32>
    %slice3A_1355 = vector.extract_strided_slice %get3A_1 {offsets = [4, 0], sizes = [1, 1024], strides = [1, 1]} : vector<16x1024xf32> to vector<1x1024xf32>
    %slice3A_1356 = vector.extract_strided_slice %get3A_1 {offsets = [5, 0], sizes = [1, 1024], strides = [1, 1]} : vector<16x1024xf32> to vector<1x1024xf32>
    %slice3A_1357 = vector.extract_strided_slice %get3A_1344 {offsets = [3, 0], sizes = [1, 1024], strides = [1, 1]} : vector<16x1024xf32> to vector<1x1024xf32>
    %slice3A_1358 = vector.extract_strided_slice %get3A_1344 {offsets = [4, 0], sizes = [1, 1024], strides = [1, 1]} : vector<16x1024xf32> to vector<1x1024xf32>
    %slice3A_1359 = vector.extract_strided_slice %get3A_1344 {offsets = [5, 0], sizes = [1, 1024], strides = [1, 1]} : vector<16x1024xf32> to vector<1x1024xf32>
    %mul3A_1360 = arith.mulf %sub3A_1347, %sub3A_1347 : vector<1x1024xf32>
    %mul3A_1361 = arith.mulf %sub3A_1350, %sub3A_1350 : vector<1x1024xf32>
    %add3A_1362 = arith.addf %mul3A_1360, %mul3A_1361 : vector<1x1024xf32>
    %mul3A_1363 = arith.mulf %sub3A_1353, %sub3A_1353 : vector<1x1024xf32>
    %add3A_1364 = arith.addf %add3A_1362, %mul3A_1363 : vector<1x1024xf32>
    %eq3A_1365 = arith.constant 0.000000e+00 : f32
    %eq3A_1366 = vector.broadcast %eq3A_1365 : f32 to vector<1x1024xf32>
    %eq3A_1367 = arith.cmpf oeq, %add3A_1364, %eq3A_1366 : vector<1x1024xf32>
    %eq3A_1368 = arith.constant 0.000000e+00 : f32
    %eq3A_1369 = vector.broadcast %eq3A_1368 : f32 to vector<1x1024xf32>
    %eq3A_1370 = arith.cmpf oeq, %add3A_1364, %eq3A_1369 : vector<1x1024xf32>
    %jit3A_1371 = arith.constant 1.000000e+00 : f32
    %broadcast_in_dim3A_1372 = vector.broadcast %jit3A_1371 : f32 to vector<1x1024xf32>
    %select_n3A_1373 = arith.select %eq3A_1370, %broadcast_in_dim3A_1372, %add3A_1364 : vector<1x1024xi1>, vector<1x1024xf32>
    %rsqrt3A_1374 = math.rsqrt %select_n3A_1373 : vector<1x1024xf32>
    %mul3A_1375 = arith.constant 5.000000e-01 : f32
    %mul3A_1376 = vector.broadcast %mul3A_1375 : f32 to vector<1x1024xf32>
    %mul3A_1377 = arith.mulf %mul3A_1376, %select_n3A_1373 : vector<1x1024xf32>
    %mul3A_1378 = arith.mulf %mul3A_1377, %rsqrt3A_1374 : vector<1x1024xf32>
    %mul3A_1379 = arith.mulf %mul3A_1378, %rsqrt3A_1374 : vector<1x1024xf32>
    %sub3A_1380 = arith.constant 1.500000e+00 : f32
    %sub3A_1381 = vector.broadcast %sub3A_1380 : f32 to vector<1x1024xf32>
    %sub3A_1382 = arith.subf %sub3A_1381, %mul3A_1379 : vector<1x1024xf32>
    %mul3A_1383 = arith.mulf %rsqrt3A_1374, %sub3A_1382 : vector<1x1024xf32>
    %mul3A_1384 = arith.constant 5.000000e-01 : f32
    %mul3A_1385 = vector.broadcast %mul3A_1384 : f32 to vector<1x1024xf32>
    %mul3A_1386 = arith.mulf %mul3A_1385, %select_n3A_1373 : vector<1x1024xf32>
    %mul3A_1387 = arith.mulf %mul3A_1386, %mul3A_1383 : vector<1x1024xf32>
    %mul3A_1388 = arith.mulf %mul3A_1387, %mul3A_1383 : vector<1x1024xf32>
    %sub3A_1389 = arith.constant 1.500000e+00 : f32
    %sub3A_1390 = vector.broadcast %sub3A_1389 : f32 to vector<1x1024xf32>
    %sub3A_1391 = arith.subf %sub3A_1390, %mul3A_1388 : vector<1x1024xf32>
    %mul3A_1392 = arith.mulf %mul3A_1383, %sub3A_1391 : vector<1x1024xf32>
    %mul3A_1393 = arith.mulf %select_n3A_1373, %mul3A_1392 : vector<1x1024xf32>
    %jit3A_1394 = arith.constant 0.000000e+00 : f32
    %broadcast_in_dim3A_1395 = vector.broadcast %jit3A_1394 : f32 to vector<1x1024xf32>
    %select_n3A_1396 = arith.select %eq3A_1367, %broadcast_in_dim3A_1395, %mul3A_1393 : vector<1x1024xi1>, vector<1x1024xf32>
    %mul3A_1397 = arith.mulf %slice3A_1355, %sub3A_1353 : vector<1x1024xf32>
    %mul3A_1398 = arith.mulf %slice3A_1356, %sub3A_1350 : vector<1x1024xf32>
    %sub3A_1399 = arith.subf %mul3A_1397, %mul3A_1398 : vector<1x1024xf32>
    %mul3A_1400 = arith.mulf %slice3A_1356, %sub3A_1347 : vector<1x1024xf32>
    %mul3A_1401 = arith.mulf %slice3A_1354, %sub3A_1353 : vector<1x1024xf32>
    %sub3A_1402 = arith.subf %mul3A_1400, %mul3A_1401 : vector<1x1024xf32>
    %mul3A_1403 = arith.mulf %slice3A_1354, %sub3A_1350 : vector<1x1024xf32>
    %mul3A_1404 = arith.mulf %slice3A_1355, %sub3A_1347 : vector<1x1024xf32>
    %sub3A_1405 = arith.subf %mul3A_1403, %mul3A_1404 : vector<1x1024xf32>
    %mul3A_1406 = arith.mulf %sub3A_1399, %sub3A_1399 : vector<1x1024xf32>
    %mul3A_1407 = arith.mulf %sub3A_1402, %sub3A_1402 : vector<1x1024xf32>
    %add3A_1408 = arith.addf %mul3A_1406, %mul3A_1407 : vector<1x1024xf32>
    %mul3A_1409 = arith.mulf %sub3A_1405, %sub3A_1405 : vector<1x1024xf32>
    %add3A_1410 = arith.addf %add3A_1408, %mul3A_1409 : vector<1x1024xf32>
    %eq3A_1411 = arith.constant 0.000000e+00 : f32
    %eq3A_1412 = vector.broadcast %eq3A_1411 : f32 to vector<1x1024xf32>
    %eq3A_1413 = arith.cmpf oeq, %add3A_1410, %eq3A_1412 : vector<1x1024xf32>
    %eq3A_1414 = arith.constant 0.000000e+00 : f32
    %eq3A_1415 = vector.broadcast %eq3A_1414 : f32 to vector<1x1024xf32>
    %eq3A_1416 = arith.cmpf oeq, %add3A_1410, %eq3A_1415 : vector<1x1024xf32>
    %jit3A_1417 = arith.constant 1.000000e+00 : f32
    %broadcast_in_dim3A_1418 = vector.broadcast %jit3A_1417 : f32 to vector<1x1024xf32>
    %select_n3A_1419 = arith.select %eq3A_1416, %broadcast_in_dim3A_1418, %add3A_1410 : vector<1x1024xi1>, vector<1x1024xf32>
    %rsqrt3A_1420 = math.rsqrt %select_n3A_1419 : vector<1x1024xf32>
    %mul3A_1421 = arith.constant 5.000000e-01 : f32
    %mul3A_1422 = vector.broadcast %mul3A_1421 : f32 to vector<1x1024xf32>
    %mul3A_1423 = arith.mulf %mul3A_1422, %select_n3A_1419 : vector<1x1024xf32>
    %mul3A_1424 = arith.mulf %mul3A_1423, %rsqrt3A_1420 : vector<1x1024xf32>
    %mul3A_1425 = arith.mulf %mul3A_1424, %rsqrt3A_1420 : vector<1x1024xf32>
    %sub3A_1426 = arith.constant 1.500000e+00 : f32
    %sub3A_1427 = vector.broadcast %sub3A_1426 : f32 to vector<1x1024xf32>
    %sub3A_1428 = arith.subf %sub3A_1427, %mul3A_1425 : vector<1x1024xf32>
    %mul3A_1429 = arith.mulf %rsqrt3A_1420, %sub3A_1428 : vector<1x1024xf32>
    %mul3A_1430 = arith.constant 5.000000e-01 : f32
    %mul3A_1431 = vector.broadcast %mul3A_1430 : f32 to vector<1x1024xf32>
    %mul3A_1432 = arith.mulf %mul3A_1431, %select_n3A_1419 : vector<1x1024xf32>
    %mul3A_1433 = arith.mulf %mul3A_1432, %mul3A_1429 : vector<1x1024xf32>
    %mul3A_1434 = arith.mulf %mul3A_1433, %mul3A_1429 : vector<1x1024xf32>
    %sub3A_1435 = arith.constant 1.500000e+00 : f32
    %sub3A_1436 = vector.broadcast %sub3A_1435 : f32 to vector<1x1024xf32>
    %sub3A_1437 = arith.subf %sub3A_1436, %mul3A_1434 : vector<1x1024xf32>
    %mul3A_1438 = arith.mulf %mul3A_1429, %sub3A_1437 : vector<1x1024xf32>
    %mul3A_1439 = arith.mulf %select_n3A_1419, %mul3A_1438 : vector<1x1024xf32>
    %jit3A_1440 = arith.constant 0.000000e+00 : f32
    %broadcast_in_dim3A_1441 = vector.broadcast %jit3A_1440 : f32 to vector<1x1024xf32>
    %select_n3A_1442 = arith.select %eq3A_1413, %broadcast_in_dim3A_1441, %mul3A_1439 : vector<1x1024xi1>, vector<1x1024xf32>
    %mul3A_1443 = arith.mulf %slice3A_1354, %sub3A_1347 : vector<1x1024xf32>
    %mul3A_1444 = arith.mulf %slice3A_1355, %sub3A_1350 : vector<1x1024xf32>
    %add3A_1445 = arith.addf %mul3A_1443, %mul3A_1444 : vector<1x1024xf32>
    %mul3A_1446 = arith.mulf %slice3A_1356, %sub3A_1353 : vector<1x1024xf32>
    %add3A_1447 = arith.addf %add3A_1445, %mul3A_1446 : vector<1x1024xf32>
    %eq3A_1448 = arith.constant 0.000000e+00 : f32
    %eq3A_1449 = vector.broadcast %eq3A_1448 : f32 to vector<1x1024xf32>
    %eq3A_1450 = arith.cmpf oeq, %select_n3A_1442, %eq3A_1449 : vector<1x1024xf32>
    %eq3A_1451 = arith.constant 0.000000e+00 : f32
    %eq3A_1452 = vector.broadcast %eq3A_1451 : f32 to vector<1x1024xf32>
    %eq3A_1453 = arith.cmpf oeq, %add3A_1447, %eq3A_1452 : vector<1x1024xf32>
    %and3A_1454 = arith.andi %eq3A_1450, %eq3A_1453 : vector<1x1024xi1>
    %jit3A_1455 = arith.constant 0.000000e+00 : f32
    %broadcast_in_dim3A_1456 = vector.broadcast %jit3A_1455 : f32 to vector<1x1024xf32>
    %select_n3A_1457 = arith.select %and3A_1454, %broadcast_in_dim3A_1456, %select_n3A_1442 : vector<1x1024xi1>, vector<1x1024xf32>
    %jit3A_1458 = arith.constant 1.000000e+00 : f32
    %broadcast_in_dim3A_1459 = vector.broadcast %jit3A_1458 : f32 to vector<1x1024xf32>
    %select_n3A_1460 = arith.select %and3A_1454, %broadcast_in_dim3A_1459, %add3A_1447 : vector<1x1024xi1>, vector<1x1024xf32>
    %abs3A_1461 = math.absf %select_n3A_1460 : vector<1x1024xf32>
    %min3A_1462 = arith.minimumf %select_n3A_1457, %abs3A_1461 : vector<1x1024xf32>
    %max3A_1463 = arith.maximumf %select_n3A_1457, %abs3A_1461 : vector<1x1024xf32>
    %integer_pow3A_1464 = arith.constant 1.000000e+00 : f32
    %integer_pow3A_1465 = vector.broadcast %integer_pow3A_1464 : f32 to vector<1x1024xf32>
    %integer_pow3A_1466 = arith.divf %integer_pow3A_1465, %max3A_1463 : vector<1x1024xf32>
    %mul3A_1467 = arith.mulf %max3A_1463, %integer_pow3A_1466 : vector<1x1024xf32>
    %sub3A_1468 = arith.constant 2.000000e+00 : f32
    %sub3A_1469 = vector.broadcast %sub3A_1468 : f32 to vector<1x1024xf32>
    %sub3A_1470 = arith.subf %sub3A_1469, %mul3A_1467 : vector<1x1024xf32>
    %mul3A_1471 = arith.mulf %integer_pow3A_1466, %sub3A_1470 : vector<1x1024xf32>
    %mul3A_1472 = arith.mulf %max3A_1463, %mul3A_1471 : vector<1x1024xf32>
    %sub3A_1473 = arith.constant 2.000000e+00 : f32
    %sub3A_1474 = vector.broadcast %sub3A_1473 : f32 to vector<1x1024xf32>
    %sub3A_1475 = arith.subf %sub3A_1474, %mul3A_1472 : vector<1x1024xf32>
    %mul3A_1476 = arith.mulf %mul3A_1471, %sub3A_1475 : vector<1x1024xf32>
    %mul3A_1477 = arith.mulf %min3A_1462, %mul3A_1476 : vector<1x1024xf32>
    %mul3A_1478 = arith.mulf %mul3A_1477, %mul3A_1477 : vector<1x1024xf32>
    %mul3A_1479 = arith.constant 0.00304996455 : f32
    %mul3A_1480 = vector.broadcast %mul3A_1479 : f32 to vector<1x1024xf32>
    %mul3A_1481 = arith.mulf %mul3A_1480, %mul3A_1478 : vector<1x1024xf32>
    %add3A_1482 = arith.constant -0.0168274343 : f32
    %add3A_1483 = vector.broadcast %add3A_1482 : f32 to vector<1x1024xf32>
    %add3A_1484 = arith.addf %mul3A_1481, %add3A_1483 : vector<1x1024xf32>
    %mul3A_1485 = arith.mulf %add3A_1484, %mul3A_1478 : vector<1x1024xf32>
    %add3A_1486 = arith.constant 0.043855574 : f32
    %add3A_1487 = vector.broadcast %add3A_1486 : f32 to vector<1x1024xf32>
    %add3A_1488 = arith.addf %mul3A_1485, %add3A_1487 : vector<1x1024xf32>
    %mul3A_1489 = arith.mulf %add3A_1488, %mul3A_1478 : vector<1x1024xf32>
    %add3A_1490 = arith.constant -0.0759680793 : f32
    %add3A_1491 = vector.broadcast %add3A_1490 : f32 to vector<1x1024xf32>
    %add3A_1492 = arith.addf %mul3A_1489, %add3A_1491 : vector<1x1024xf32>
    %mul3A_1493 = arith.mulf %add3A_1492, %mul3A_1478 : vector<1x1024xf32>
    %add3A_1494 = arith.constant 0.106814198 : f32
    %add3A_1495 = vector.broadcast %add3A_1494 : f32 to vector<1x1024xf32>
    %add3A_1496 = arith.addf %mul3A_1493, %add3A_1495 : vector<1x1024xf32>
    %mul3A_1497 = arith.mulf %add3A_1496, %mul3A_1478 : vector<1x1024xf32>
    %add3A_1498 = arith.constant -0.142131954 : f32
    %add3A_1499 = vector.broadcast %add3A_1498 : f32 to vector<1x1024xf32>
    %add3A_1500 = arith.addf %mul3A_1497, %add3A_1499 : vector<1x1024xf32>
    %mul3A_1501 = arith.mulf %add3A_1500, %mul3A_1478 : vector<1x1024xf32>
    %add3A_1502 = arith.constant 0.199937165 : f32
    %add3A_1503 = vector.broadcast %add3A_1502 : f32 to vector<1x1024xf32>
    %add3A_1504 = arith.addf %mul3A_1501, %add3A_1503 : vector<1x1024xf32>
    %mul3A_1505 = arith.mulf %add3A_1504, %mul3A_1478 : vector<1x1024xf32>
    %add3A_1506 = arith.constant -0.333331198 : f32
    %add3A_1507 = vector.broadcast %add3A_1506 : f32 to vector<1x1024xf32>
    %add3A_1508 = arith.addf %mul3A_1505, %add3A_1507 : vector<1x1024xf32>
    %mul3A_1509 = arith.mulf %add3A_1508, %mul3A_1478 : vector<1x1024xf32>
    %add3A_1510 = arith.constant 1.000000e+00 : f32
    %add3A_1511 = vector.broadcast %add3A_1510 : f32 to vector<1x1024xf32>
    %add3A_1512 = arith.addf %mul3A_1509, %add3A_1511 : vector<1x1024xf32>
    %mul3A_1513 = arith.mulf %add3A_1512, %mul3A_1477 : vector<1x1024xf32>
    %gt3A_1514 = arith.cmpf ogt, %select_n3A_1457, %abs3A_1461 : vector<1x1024xf32>
    %sub3A_1515 = arith.constant 1.57079637 : f32
    %sub3A_1516 = vector.broadcast %sub3A_1515 : f32 to vector<1x1024xf32>
    %sub3A_1517 = arith.subf %sub3A_1516, %mul3A_1513 : vector<1x1024xf32>
    %select_n3A_1518 = arith.select %gt3A_1514, %sub3A_1517, %mul3A_1513 : vector<1x1024xi1>, vector<1x1024xf32>
    %lt3A_1519 = arith.constant 0.000000e+00 : f32
    %lt3A_1520 = vector.broadcast %lt3A_1519 : f32 to vector<1x1024xf32>
    %lt3A_1521 = arith.cmpf olt, %select_n3A_1460, %lt3A_1520 : vector<1x1024xf32>
    %sub3A_1522 = arith.constant 3.14159274 : f32
    %sub3A_1523 = vector.broadcast %sub3A_1522 : f32 to vector<1x1024xf32>
    %sub3A_1524 = arith.subf %sub3A_1523, %select_n3A_1518 : vector<1x1024xf32>
    %select_n3A_1525 = arith.select %lt3A_1521, %sub3A_1524, %select_n3A_1518 : vector<1x1024xi1>, vector<1x1024xf32>
    %mul3A_1526 = arith.mulf %slice3A_1358, %sub3A_1353 : vector<1x1024xf32>
    %mul3A_1527 = arith.mulf %slice3A_1359, %sub3A_1350 : vector<1x1024xf32>
    %sub3A_1528 = arith.subf %mul3A_1526, %mul3A_1527 : vector<1x1024xf32>
    %mul3A_1529 = arith.mulf %slice3A_1359, %sub3A_1347 : vector<1x1024xf32>
    %mul3A_1530 = arith.mulf %slice3A_1357, %sub3A_1353 : vector<1x1024xf32>
    %sub3A_1531 = arith.subf %mul3A_1529, %mul3A_1530 : vector<1x1024xf32>
    %mul3A_1532 = arith.mulf %slice3A_1357, %sub3A_1350 : vector<1x1024xf32>
    %mul3A_1533 = arith.mulf %slice3A_1358, %sub3A_1347 : vector<1x1024xf32>
    %sub3A_1534 = arith.subf %mul3A_1532, %mul3A_1533 : vector<1x1024xf32>
    %mul3A_1535 = arith.mulf %sub3A_1528, %sub3A_1528 : vector<1x1024xf32>
    %mul3A_1536 = arith.mulf %sub3A_1531, %sub3A_1531 : vector<1x1024xf32>
    %add3A_1537 = arith.addf %mul3A_1535, %mul3A_1536 : vector<1x1024xf32>
    %mul3A_1538 = arith.mulf %sub3A_1534, %sub3A_1534 : vector<1x1024xf32>
    %add3A_1539 = arith.addf %add3A_1537, %mul3A_1538 : vector<1x1024xf32>
    %eq3A_1540 = arith.constant 0.000000e+00 : f32
    %eq3A_1541 = vector.broadcast %eq3A_1540 : f32 to vector<1x1024xf32>
    %eq3A_1542 = arith.cmpf oeq, %add3A_1539, %eq3A_1541 : vector<1x1024xf32>
    %eq3A_1543 = arith.constant 0.000000e+00 : f32
    %eq3A_1544 = vector.broadcast %eq3A_1543 : f32 to vector<1x1024xf32>
    %eq3A_1545 = arith.cmpf oeq, %add3A_1539, %eq3A_1544 : vector<1x1024xf32>
    %jit3A_1546 = arith.constant 1.000000e+00 : f32
    %broadcast_in_dim3A_1547 = vector.broadcast %jit3A_1546 : f32 to vector<1x1024xf32>
    %select_n3A_1548 = arith.select %eq3A_1545, %broadcast_in_dim3A_1547, %add3A_1539 : vector<1x1024xi1>, vector<1x1024xf32>
    %rsqrt3A_1549 = math.rsqrt %select_n3A_1548 : vector<1x1024xf32>
    %mul3A_1550 = arith.constant 5.000000e-01 : f32
    %mul3A_1551 = vector.broadcast %mul3A_1550 : f32 to vector<1x1024xf32>
    %mul3A_1552 = arith.mulf %mul3A_1551, %select_n3A_1548 : vector<1x1024xf32>
    %mul3A_1553 = arith.mulf %mul3A_1552, %rsqrt3A_1549 : vector<1x1024xf32>
    %mul3A_1554 = arith.mulf %mul3A_1553, %rsqrt3A_1549 : vector<1x1024xf32>
    %sub3A_1555 = arith.constant 1.500000e+00 : f32
    %sub3A_1556 = vector.broadcast %sub3A_1555 : f32 to vector<1x1024xf32>
    %sub3A_1557 = arith.subf %sub3A_1556, %mul3A_1554 : vector<1x1024xf32>
    %mul3A_1558 = arith.mulf %rsqrt3A_1549, %sub3A_1557 : vector<1x1024xf32>
    %mul3A_1559 = arith.constant 5.000000e-01 : f32
    %mul3A_1560 = vector.broadcast %mul3A_1559 : f32 to vector<1x1024xf32>
    %mul3A_1561 = arith.mulf %mul3A_1560, %select_n3A_1548 : vector<1x1024xf32>
    %mul3A_1562 = arith.mulf %mul3A_1561, %mul3A_1558 : vector<1x1024xf32>
    %mul3A_1563 = arith.mulf %mul3A_1562, %mul3A_1558 : vector<1x1024xf32>
    %sub3A_1564 = arith.constant 1.500000e+00 : f32
    %sub3A_1565 = vector.broadcast %sub3A_1564 : f32 to vector<1x1024xf32>
    %sub3A_1566 = arith.subf %sub3A_1565, %mul3A_1563 : vector<1x1024xf32>
    %mul3A_1567 = arith.mulf %mul3A_1558, %sub3A_1566 : vector<1x1024xf32>
    %mul3A_1568 = arith.mulf %select_n3A_1548, %mul3A_1567 : vector<1x1024xf32>
    %jit3A_1569 = arith.constant 0.000000e+00 : f32
    %broadcast_in_dim3A_1570 = vector.broadcast %jit3A_1569 : f32 to vector<1x1024xf32>
    %select_n3A_1571 = arith.select %eq3A_1542, %broadcast_in_dim3A_1570, %mul3A_1568 : vector<1x1024xi1>, vector<1x1024xf32>
    %mul3A_1572 = arith.mulf %slice3A_1357, %sub3A_1347 : vector<1x1024xf32>
    %mul3A_1573 = arith.mulf %slice3A_1358, %sub3A_1350 : vector<1x1024xf32>
    %add3A_1574 = arith.addf %mul3A_1572, %mul3A_1573 : vector<1x1024xf32>
    %mul3A_1575 = arith.mulf %slice3A_1359, %sub3A_1353 : vector<1x1024xf32>
    %add3A_1576 = arith.addf %add3A_1574, %mul3A_1575 : vector<1x1024xf32>
    %eq3A_1577 = arith.constant 0.000000e+00 : f32
    %eq3A_1578 = vector.broadcast %eq3A_1577 : f32 to vector<1x1024xf32>
    %eq3A_1579 = arith.cmpf oeq, %select_n3A_1571, %eq3A_1578 : vector<1x1024xf32>
    %eq3A_1580 = arith.constant 0.000000e+00 : f32
    %eq3A_1581 = vector.broadcast %eq3A_1580 : f32 to vector<1x1024xf32>
    %eq3A_1582 = arith.cmpf oeq, %add3A_1576, %eq3A_1581 : vector<1x1024xf32>
    %and3A_1583 = arith.andi %eq3A_1579, %eq3A_1582 : vector<1x1024xi1>
    %jit3A_1584 = arith.constant 0.000000e+00 : f32
    %broadcast_in_dim3A_1585 = vector.broadcast %jit3A_1584 : f32 to vector<1x1024xf32>
    %select_n3A_1586 = arith.select %and3A_1583, %broadcast_in_dim3A_1585, %select_n3A_1571 : vector<1x1024xi1>, vector<1x1024xf32>
    %jit3A_1587 = arith.constant 1.000000e+00 : f32
    %broadcast_in_dim3A_1588 = vector.broadcast %jit3A_1587 : f32 to vector<1x1024xf32>
    %select_n3A_1589 = arith.select %and3A_1583, %broadcast_in_dim3A_1588, %add3A_1576 : vector<1x1024xi1>, vector<1x1024xf32>
    %abs3A_1590 = math.absf %select_n3A_1589 : vector<1x1024xf32>
    %min3A_1591 = arith.minimumf %select_n3A_1586, %abs3A_1590 : vector<1x1024xf32>
    %max3A_1592 = arith.maximumf %select_n3A_1586, %abs3A_1590 : vector<1x1024xf32>
    %integer_pow3A_1593 = arith.constant 1.000000e+00 : f32
    %integer_pow3A_1594 = vector.broadcast %integer_pow3A_1593 : f32 to vector<1x1024xf32>
    %integer_pow3A_1595 = arith.divf %integer_pow3A_1594, %max3A_1592 : vector<1x1024xf32>
    %mul3A_1596 = arith.mulf %max3A_1592, %integer_pow3A_1595 : vector<1x1024xf32>
    %sub3A_1597 = arith.constant 2.000000e+00 : f32
    %sub3A_1598 = vector.broadcast %sub3A_1597 : f32 to vector<1x1024xf32>
    %sub3A_1599 = arith.subf %sub3A_1598, %mul3A_1596 : vector<1x1024xf32>
    %mul3A_1600 = arith.mulf %integer_pow3A_1595, %sub3A_1599 : vector<1x1024xf32>
    %mul3A_1601 = arith.mulf %max3A_1592, %mul3A_1600 : vector<1x1024xf32>
    %sub3A_1602 = arith.constant 2.000000e+00 : f32
    %sub3A_1603 = vector.broadcast %sub3A_1602 : f32 to vector<1x1024xf32>
    %sub3A_1604 = arith.subf %sub3A_1603, %mul3A_1601 : vector<1x1024xf32>
    %mul3A_1605 = arith.mulf %mul3A_1600, %sub3A_1604 : vector<1x1024xf32>
    %mul3A_1606 = arith.mulf %min3A_1591, %mul3A_1605 : vector<1x1024xf32>
    %mul3A_1607 = arith.mulf %mul3A_1606, %mul3A_1606 : vector<1x1024xf32>
    %mul3A_1608 = arith.constant 0.00304996455 : f32
    %mul3A_1609 = vector.broadcast %mul3A_1608 : f32 to vector<1x1024xf32>
    %mul3A_1610 = arith.mulf %mul3A_1609, %mul3A_1607 : vector<1x1024xf32>
    %add3A_1611 = arith.constant -0.0168274343 : f32
    %add3A_1612 = vector.broadcast %add3A_1611 : f32 to vector<1x1024xf32>
    %add3A_1613 = arith.addf %mul3A_1610, %add3A_1612 : vector<1x1024xf32>
    %mul3A_1614 = arith.mulf %add3A_1613, %mul3A_1607 : vector<1x1024xf32>
    %add3A_1615 = arith.constant 0.043855574 : f32
    %add3A_1616 = vector.broadcast %add3A_1615 : f32 to vector<1x1024xf32>
    %add3A_1617 = arith.addf %mul3A_1614, %add3A_1616 : vector<1x1024xf32>
    %mul3A_1618 = arith.mulf %add3A_1617, %mul3A_1607 : vector<1x1024xf32>
    %add3A_1619 = arith.constant -0.0759680793 : f32
    %add3A_1620 = vector.broadcast %add3A_1619 : f32 to vector<1x1024xf32>
    %add3A_1621 = arith.addf %mul3A_1618, %add3A_1620 : vector<1x1024xf32>
    %mul3A_1622 = arith.mulf %add3A_1621, %mul3A_1607 : vector<1x1024xf32>
    %add3A_1623 = arith.constant 0.106814198 : f32
    %add3A_1624 = vector.broadcast %add3A_1623 : f32 to vector<1x1024xf32>
    %add3A_1625 = arith.addf %mul3A_1622, %add3A_1624 : vector<1x1024xf32>
    %mul3A_1626 = arith.mulf %add3A_1625, %mul3A_1607 : vector<1x1024xf32>
    %add3A_1627 = arith.constant -0.142131954 : f32
    %add3A_1628 = vector.broadcast %add3A_1627 : f32 to vector<1x1024xf32>
    %add3A_1629 = arith.addf %mul3A_1626, %add3A_1628 : vector<1x1024xf32>
    %mul3A_1630 = arith.mulf %add3A_1629, %mul3A_1607 : vector<1x1024xf32>
    %add3A_1631 = arith.constant 0.199937165 : f32
    %add3A_1632 = vector.broadcast %add3A_1631 : f32 to vector<1x1024xf32>
    %add3A_1633 = arith.addf %mul3A_1630, %add3A_1632 : vector<1x1024xf32>
    %mul3A_1634 = arith.mulf %add3A_1633, %mul3A_1607 : vector<1x1024xf32>
    %add3A_1635 = arith.constant -0.333331198 : f32
    %add3A_1636 = vector.broadcast %add3A_1635 : f32 to vector<1x1024xf32>
    %add3A_1637 = arith.addf %mul3A_1634, %add3A_1636 : vector<1x1024xf32>
    %mul3A_1638 = arith.mulf %add3A_1637, %mul3A_1607 : vector<1x1024xf32>
    %add3A_1639 = arith.constant 1.000000e+00 : f32
    %add3A_1640 = vector.broadcast %add3A_1639 : f32 to vector<1x1024xf32>
    %add3A_1641 = arith.addf %mul3A_1638, %add3A_1640 : vector<1x1024xf32>
    %mul3A_1642 = arith.mulf %add3A_1641, %mul3A_1606 : vector<1x1024xf32>
    %gt3A_1643 = arith.cmpf ogt, %select_n3A_1586, %abs3A_1590 : vector<1x1024xf32>
    %sub3A_1644 = arith.constant 1.57079637 : f32
    %sub3A_1645 = vector.broadcast %sub3A_1644 : f32 to vector<1x1024xf32>
    %sub3A_1646 = arith.subf %sub3A_1645, %mul3A_1642 : vector<1x1024xf32>
    %select_n3A_1647 = arith.select %gt3A_1643, %sub3A_1646, %mul3A_1642 : vector<1x1024xi1>, vector<1x1024xf32>
    %lt3A_1648 = arith.constant 0.000000e+00 : f32
    %lt3A_1649 = vector.broadcast %lt3A_1648 : f32 to vector<1x1024xf32>
    %lt3A_1650 = arith.cmpf olt, %select_n3A_1589, %lt3A_1649 : vector<1x1024xf32>
    %sub3A_1651 = arith.constant 3.14159274 : f32
    %sub3A_1652 = vector.broadcast %sub3A_1651 : f32 to vector<1x1024xf32>
    %sub3A_1653 = arith.subf %sub3A_1652, %select_n3A_1647 : vector<1x1024xf32>
    %select_n3A_1654 = arith.select %lt3A_1650, %sub3A_1653, %select_n3A_1647 : vector<1x1024xi1>, vector<1x1024xf32>
    %mul3A_1655 = arith.mulf %slice3A_1355, %slice3A_1359 : vector<1x1024xf32>
    %mul3A_1656 = arith.mulf %slice3A_1356, %slice3A_1358 : vector<1x1024xf32>
    %sub3A_1657 = arith.subf %mul3A_1655, %mul3A_1656 : vector<1x1024xf32>
    %mul3A_1658 = arith.mulf %slice3A_1356, %slice3A_1357 : vector<1x1024xf32>
    %mul3A_1659 = arith.mulf %slice3A_1354, %slice3A_1359 : vector<1x1024xf32>
    %sub3A_1660 = arith.subf %mul3A_1658, %mul3A_1659 : vector<1x1024xf32>
    %mul3A_1661 = arith.mulf %slice3A_1354, %slice3A_1358 : vector<1x1024xf32>
    %mul3A_1662 = arith.mulf %slice3A_1355, %slice3A_1357 : vector<1x1024xf32>
    %sub3A_1663 = arith.subf %mul3A_1661, %mul3A_1662 : vector<1x1024xf32>
    %mul3A_1664 = arith.mulf %sub3A_1657, %sub3A_1657 : vector<1x1024xf32>
    %mul3A_1665 = arith.mulf %sub3A_1660, %sub3A_1660 : vector<1x1024xf32>
    %add3A_1666 = arith.addf %mul3A_1664, %mul3A_1665 : vector<1x1024xf32>
    %mul3A_1667 = arith.mulf %sub3A_1663, %sub3A_1663 : vector<1x1024xf32>
    %add3A_1668 = arith.addf %add3A_1666, %mul3A_1667 : vector<1x1024xf32>
    %eq3A_1669 = arith.constant 0.000000e+00 : f32
    %eq3A_1670 = vector.broadcast %eq3A_1669 : f32 to vector<1x1024xf32>
    %eq3A_1671 = arith.cmpf oeq, %add3A_1668, %eq3A_1670 : vector<1x1024xf32>
    %eq3A_1672 = arith.constant 0.000000e+00 : f32
    %eq3A_1673 = vector.broadcast %eq3A_1672 : f32 to vector<1x1024xf32>
    %eq3A_1674 = arith.cmpf oeq, %add3A_1668, %eq3A_1673 : vector<1x1024xf32>
    %jit3A_1675 = arith.constant 1.000000e+00 : f32
    %broadcast_in_dim3A_1676 = vector.broadcast %jit3A_1675 : f32 to vector<1x1024xf32>
    %select_n3A_1677 = arith.select %eq3A_1674, %broadcast_in_dim3A_1676, %add3A_1668 : vector<1x1024xi1>, vector<1x1024xf32>
    %rsqrt3A_1678 = math.rsqrt %select_n3A_1677 : vector<1x1024xf32>
    %mul3A_1679 = arith.constant 5.000000e-01 : f32
    %mul3A_1680 = vector.broadcast %mul3A_1679 : f32 to vector<1x1024xf32>
    %mul3A_1681 = arith.mulf %mul3A_1680, %select_n3A_1677 : vector<1x1024xf32>
    %mul3A_1682 = arith.mulf %mul3A_1681, %rsqrt3A_1678 : vector<1x1024xf32>
    %mul3A_1683 = arith.mulf %mul3A_1682, %rsqrt3A_1678 : vector<1x1024xf32>
    %sub3A_1684 = arith.constant 1.500000e+00 : f32
    %sub3A_1685 = vector.broadcast %sub3A_1684 : f32 to vector<1x1024xf32>
    %sub3A_1686 = arith.subf %sub3A_1685, %mul3A_1683 : vector<1x1024xf32>
    %mul3A_1687 = arith.mulf %rsqrt3A_1678, %sub3A_1686 : vector<1x1024xf32>
    %mul3A_1688 = arith.constant 5.000000e-01 : f32
    %mul3A_1689 = vector.broadcast %mul3A_1688 : f32 to vector<1x1024xf32>
    %mul3A_1690 = arith.mulf %mul3A_1689, %select_n3A_1677 : vector<1x1024xf32>
    %mul3A_1691 = arith.mulf %mul3A_1690, %mul3A_1687 : vector<1x1024xf32>
    %mul3A_1692 = arith.mulf %mul3A_1691, %mul3A_1687 : vector<1x1024xf32>
    %sub3A_1693 = arith.constant 1.500000e+00 : f32
    %sub3A_1694 = vector.broadcast %sub3A_1693 : f32 to vector<1x1024xf32>
    %sub3A_1695 = arith.subf %sub3A_1694, %mul3A_1692 : vector<1x1024xf32>
    %mul3A_1696 = arith.mulf %mul3A_1687, %sub3A_1695 : vector<1x1024xf32>
    %mul3A_1697 = arith.mulf %select_n3A_1677, %mul3A_1696 : vector<1x1024xf32>
    %jit3A_1698 = arith.constant 0.000000e+00 : f32
    %broadcast_in_dim3A_1699 = vector.broadcast %jit3A_1698 : f32 to vector<1x1024xf32>
    %select_n3A_1700 = arith.select %eq3A_1671, %broadcast_in_dim3A_1699, %mul3A_1697 : vector<1x1024xi1>, vector<1x1024xf32>
    %mul3A_1701 = arith.mulf %slice3A_1354, %slice3A_1357 : vector<1x1024xf32>
    %mul3A_1702 = arith.mulf %slice3A_1355, %slice3A_1358 : vector<1x1024xf32>
    %add3A_1703 = arith.addf %mul3A_1701, %mul3A_1702 : vector<1x1024xf32>
    %mul3A_1704 = arith.mulf %slice3A_1356, %slice3A_1359 : vector<1x1024xf32>
    %add3A_1705 = arith.addf %add3A_1703, %mul3A_1704 : vector<1x1024xf32>
    %eq3A_1706 = arith.constant 0.000000e+00 : f32
    %eq3A_1707 = vector.broadcast %eq3A_1706 : f32 to vector<1x1024xf32>
    %eq3A_1708 = arith.cmpf oeq, %select_n3A_1700, %eq3A_1707 : vector<1x1024xf32>
    %eq3A_1709 = arith.constant 0.000000e+00 : f32
    %eq3A_1710 = vector.broadcast %eq3A_1709 : f32 to vector<1x1024xf32>
    %eq3A_1711 = arith.cmpf oeq, %add3A_1705, %eq3A_1710 : vector<1x1024xf32>
    %and3A_1712 = arith.andi %eq3A_1708, %eq3A_1711 : vector<1x1024xi1>
    %jit3A_1713 = arith.constant 0.000000e+00 : f32
    %broadcast_in_dim3A_1714 = vector.broadcast %jit3A_1713 : f32 to vector<1x1024xf32>
    %select_n3A_1715 = arith.select %and3A_1712, %broadcast_in_dim3A_1714, %select_n3A_1700 : vector<1x1024xi1>, vector<1x1024xf32>
    %jit3A_1716 = arith.constant 1.000000e+00 : f32
    %broadcast_in_dim3A_1717 = vector.broadcast %jit3A_1716 : f32 to vector<1x1024xf32>
    %select_n3A_1718 = arith.select %and3A_1712, %broadcast_in_dim3A_1717, %add3A_1705 : vector<1x1024xi1>, vector<1x1024xf32>
    %abs3A_1719 = math.absf %select_n3A_1718 : vector<1x1024xf32>
    %min3A_1720 = arith.minimumf %select_n3A_1715, %abs3A_1719 : vector<1x1024xf32>
    %max3A_1721 = arith.maximumf %select_n3A_1715, %abs3A_1719 : vector<1x1024xf32>
    %integer_pow3A_1722 = arith.constant 1.000000e+00 : f32
    %integer_pow3A_1723 = vector.broadcast %integer_pow3A_1722 : f32 to vector<1x1024xf32>
    %integer_pow3A_1724 = arith.divf %integer_pow3A_1723, %max3A_1721 : vector<1x1024xf32>
    %mul3A_1725 = arith.mulf %max3A_1721, %integer_pow3A_1724 : vector<1x1024xf32>
    %sub3A_1726 = arith.constant 2.000000e+00 : f32
    %sub3A_1727 = vector.broadcast %sub3A_1726 : f32 to vector<1x1024xf32>
    %sub3A_1728 = arith.subf %sub3A_1727, %mul3A_1725 : vector<1x1024xf32>
    %mul3A_1729 = arith.mulf %integer_pow3A_1724, %sub3A_1728 : vector<1x1024xf32>
    %mul3A_1730 = arith.mulf %max3A_1721, %mul3A_1729 : vector<1x1024xf32>
    %sub3A_1731 = arith.constant 2.000000e+00 : f32
    %sub3A_1732 = vector.broadcast %sub3A_1731 : f32 to vector<1x1024xf32>
    %sub3A_1733 = arith.subf %sub3A_1732, %mul3A_1730 : vector<1x1024xf32>
    %mul3A_1734 = arith.mulf %mul3A_1729, %sub3A_1733 : vector<1x1024xf32>
    %mul3A_1735 = arith.mulf %min3A_1720, %mul3A_1734 : vector<1x1024xf32>
    %mul3A_1736 = arith.mulf %mul3A_1735, %mul3A_1735 : vector<1x1024xf32>
    %mul3A_1737 = arith.constant 0.00304996455 : f32
    %mul3A_1738 = vector.broadcast %mul3A_1737 : f32 to vector<1x1024xf32>
    %mul3A_1739 = arith.mulf %mul3A_1738, %mul3A_1736 : vector<1x1024xf32>
    %add3A_1740 = arith.constant -0.0168274343 : f32
    %add3A_1741 = vector.broadcast %add3A_1740 : f32 to vector<1x1024xf32>
    %add3A_1742 = arith.addf %mul3A_1739, %add3A_1741 : vector<1x1024xf32>
    %mul3A_1743 = arith.mulf %add3A_1742, %mul3A_1736 : vector<1x1024xf32>
    %add3A_1744 = arith.constant 0.043855574 : f32
    %add3A_1745 = vector.broadcast %add3A_1744 : f32 to vector<1x1024xf32>
    %add3A_1746 = arith.addf %mul3A_1743, %add3A_1745 : vector<1x1024xf32>
    %mul3A_1747 = arith.mulf %add3A_1746, %mul3A_1736 : vector<1x1024xf32>
    %add3A_1748 = arith.constant -0.0759680793 : f32
    %add3A_1749 = vector.broadcast %add3A_1748 : f32 to vector<1x1024xf32>
    %add3A_1750 = arith.addf %mul3A_1747, %add3A_1749 : vector<1x1024xf32>
    %mul3A_1751 = arith.mulf %add3A_1750, %mul3A_1736 : vector<1x1024xf32>
    %add3A_1752 = arith.constant 0.106814198 : f32
    %add3A_1753 = vector.broadcast %add3A_1752 : f32 to vector<1x1024xf32>
    %add3A_1754 = arith.addf %mul3A_1751, %add3A_1753 : vector<1x1024xf32>
    %mul3A_1755 = arith.mulf %add3A_1754, %mul3A_1736 : vector<1x1024xf32>
    %add3A_1756 = arith.constant -0.142131954 : f32
    %add3A_1757 = vector.broadcast %add3A_1756 : f32 to vector<1x1024xf32>
    %add3A_1758 = arith.addf %mul3A_1755, %add3A_1757 : vector<1x1024xf32>
    %mul3A_1759 = arith.mulf %add3A_1758, %mul3A_1736 : vector<1x1024xf32>
    %add3A_1760 = arith.constant 0.199937165 : f32
    %add3A_1761 = vector.broadcast %add3A_1760 : f32 to vector<1x1024xf32>
    %add3A_1762 = arith.addf %mul3A_1759, %add3A_1761 : vector<1x1024xf32>
    %mul3A_1763 = arith.mulf %add3A_1762, %mul3A_1736 : vector<1x1024xf32>
    %add3A_1764 = arith.constant -0.333331198 : f32
    %add3A_1765 = vector.broadcast %add3A_1764 : f32 to vector<1x1024xf32>
    %add3A_1766 = arith.addf %mul3A_1763, %add3A_1765 : vector<1x1024xf32>
    %mul3A_1767 = arith.mulf %add3A_1766, %mul3A_1736 : vector<1x1024xf32>
    %add3A_1768 = arith.constant 1.000000e+00 : f32
    %add3A_1769 = vector.broadcast %add3A_1768 : f32 to vector<1x1024xf32>
    %add3A_1770 = arith.addf %mul3A_1767, %add3A_1769 : vector<1x1024xf32>
    %mul3A_1771 = arith.mulf %add3A_1770, %mul3A_1735 : vector<1x1024xf32>
    %gt3A_1772 = arith.cmpf ogt, %select_n3A_1715, %abs3A_1719 : vector<1x1024xf32>
    %sub3A_1773 = arith.constant 1.57079637 : f32
    %sub3A_1774 = vector.broadcast %sub3A_1773 : f32 to vector<1x1024xf32>
    %sub3A_1775 = arith.subf %sub3A_1774, %mul3A_1771 : vector<1x1024xf32>
    %select_n3A_1776 = arith.select %gt3A_1772, %sub3A_1775, %mul3A_1771 : vector<1x1024xi1>, vector<1x1024xf32>
    %lt3A_1777 = arith.constant 0.000000e+00 : f32
    %lt3A_1778 = vector.broadcast %lt3A_1777 : f32 to vector<1x1024xf32>
    %lt3A_1779 = arith.cmpf olt, %select_n3A_1718, %lt3A_1778 : vector<1x1024xf32>
    %sub3A_1780 = arith.constant 3.14159274 : f32
    %sub3A_1781 = vector.broadcast %sub3A_1780 : f32 to vector<1x1024xf32>
    %sub3A_1782 = arith.subf %sub3A_1781, %select_n3A_1776 : vector<1x1024xf32>
    %select_n3A_1783 = arith.select %lt3A_1779, %sub3A_1782, %select_n3A_1776 : vector<1x1024xi1>, vector<1x1024xf32>
    %concatenate3A_1784 = tpu.concatenate %select_n3A_1396, %select_n3A_1525, %select_n3A_1654, %select_n3A_1783 in 0 : vector<1x1024xf32>, vector<1x1024xf32>, vector<1x1024xf32>, vector<1x1024xf32> -> vector<4x1024xf32>
    %swap3A_1785 = arith.constant 0 : index
    %swap3A_1786 = arith.constant 3 : index
    %swap3A_1787 = arith.constant 0 : index
    %swap3A_1788 = arith.constant 0 : index
    %swap3A_1789 = vector.load %arg12[%swap3A_1785, %swap3A_1786, %swap3A_1787, %swap3A_1788] : memref<1x4x4x1024xf32, #tpu.memory_space<vmem>>, vector<1x1x4x1024xf32>
    %swap3A_1790 = vector.shape_cast %swap3A_1789 : vector<1x1x4x1024xf32> to vector<4x1024xf32>
    %swap3A_1791 = vector.shape_cast %concatenate3A_1784 : vector<4x1024xf32> to vector<1x1x4x1024xf32>
    tpu.vector_store %arg12[%swap3A_1785, %swap3A_1786, %swap3A_1787, %swap3A_1788], %swap3A_1791 {strides = array<i32>} : memref<1x4x4x1024xf32, #tpu.memory_space<vmem>>, vector<1x1x4x1024xf32>,
    %concatenate3A_1792 = tpu.concatenate %concatenate3A, %concatenate3A_880, %concatenate3A_1332, %concatenate3A_1784 in 1 : vector<4x1024xf32>, vector<4x1024xf32>, vector<4x1024xf32>, vector<4x1024xf32> -> vector<4x4096xf32>
    %get3A_1793 = arith.constant 0 : index
    %get3A_1794 = arith.constant 0 : index
    %get3A_1795 = vector.load %arg7[%get3A_1793, %get3A_1794] : memref<4x16xf32, #tpu.memory_space<vmem>>, vector<4x16xf32>
    %dot_general3A = arith.constant dense<0.000000e+00> : vector<4096x16xf32>
    %dot_general3A_1796 = tpu.matmul %concatenate3A_1792, %get3A_1795, %dot_general3A {dimension_numbers = #tpu.dot_dimension_numbers<[0], [0], [1], [1], [0, 1, 1, 1], [], []>, transpose_lhs_hint = false} : vector<4x4096xf32>, vector<4x16xf32>, vector<4096x16xf32> -> vector<4096x16xf32>
    %get3A_1797 = arith.constant 0 : index
    %get3A_1798 = arith.constant 0 : index
    %get3A_1799 = vector.load %arg8[%get3A_1797, %get3A_1798] : memref<1x16xf32, #tpu.memory_space<vmem>>, vector<1x16xf32>
    %add3A_1800 = vector.broadcast %get3A_1799 : vector<1x16xf32> to vector<4096x16xf32>
    %add3A_1801 = arith.addf %dot_general3A_1796, %add3A_1800 : vector<4096x16xf32>
    %max3A_1802 = arith.constant 0.000000e+00 : f32
    %max3A_1803 = vector.broadcast %max3A_1802 : f32 to vector<4096x16xf32>
    %max3A_1804 = arith.maximumf %add3A_1801, %max3A_1803 : vector<4096x16xf32>
    %get3A_1805 = arith.constant 0 : index
    %get3A_1806 = arith.constant 0 : index
    %get3A_1807 = vector.load %arg9[%get3A_1805, %get3A_1806] : memref<16x32xf32, #tpu.memory_space<vmem>>, vector<16x32xf32>
    %dot_general3A_1808 = arith.constant dense<0.000000e+00> : vector<4096x32xf32>
    %dot_general3A_1809 = tpu.matmul %max3A_1804, %get3A_1807, %dot_general3A_1808 {dimension_numbers = #tpu.dot_dimension_numbers<[1], [0], [0], [1], [0, 0, 1, 1], [], []>, transpose_lhs_hint = false} : vector<4096x16xf32>, vector<16x32xf32>, vector<4096x32xf32> -> vector<4096x32xf32>
    %get3A_1810 = arith.constant 0 : index
    %get3A_1811 = arith.constant 0 : index
    %get3A_1812 = vector.load %arg10[%get3A_1810, %get3A_1811] : memref<1x32xf32, #tpu.memory_space<vmem>>, vector<1x32xf32>
    %add3A_1813 = vector.broadcast %get3A_1812 : vector<1x32xf32> to vector<4096x32xf32>
    %add3A_1814 = arith.addf %dot_general3A_1809, %add3A_1813 : vector<4096x32xf32>
    %max3A_1815 = arith.constant 0.000000e+00 : f32
    %max3A_1816 = vector.broadcast %max3A_1815 : f32 to vector<4096x32xf32>
    %max3A_1817 = arith.maximumf %add3A_1814, %max3A_1816 : vector<4096x32xf32>
    %slice3A_1818 = vector.extract_strided_slice %max3A_1817 {offsets = [0, 0], sizes = [1024, 32], strides = [1, 1]} : vector<4096x32xf32> to vector<1024x32xf32>
    %slice3A_1819 = vector.extract_strided_slice %max3A_1817 {offsets = [1024, 0], sizes = [1024, 32], strides = [1, 1]} : vector<4096x32xf32> to vector<1024x32xf32>
    %max3A_1820 = arith.maximumf %slice3A_1818, %slice3A_1819 : vector<1024x32xf32>
    %slice3A_1821 = vector.extract_strided_slice %max3A_1817 {offsets = [2048, 0], sizes = [1024, 32], strides = [1, 1]} : vector<4096x32xf32> to vector<1024x32xf32>
    %slice3A_1822 = vector.extract_strided_slice %max3A_1817 {offsets = [3072, 0], sizes = [1024, 32], strides = [1, 1]} : vector<4096x32xf32> to vector<1024x32xf32>
    %max3A_1823 = arith.maximumf %slice3A_1821, %slice3A_1822 : vector<1024x32xf32>
    %max3A_1824 = arith.maximumf %max3A_1820, %max3A_1823 : vector<1024x32xf32>
    %get3A_1825 = arith.constant 0 : index
    %get3A_1826 = arith.constant 0 : index
    %get3A_1827 = vector.load %arg13[%get3A_1825, %get3A_1826] : memref<1024x32xf32, #tpu.memory_space<vmem>>, vector<1024x32xf32>
    %eq3A_1828 = arith.constant 0 : i32
    %eq3A_1829 = arith.cmpi eq, %arg1, %eq3A_1828 : i32
    %max3A_1830 = arith.maximumf %get3A_1827, %max3A_1824 : vector<1024x32xf32>
    %select_n3A_1831 = arith.select %eq3A_1829, %max3A_1824, %max3A_1830 : vector<1024x32xf32>
    %swap3A_1832 = arith.constant 0 : index
    %swap3A_1833 = arith.constant 0 : index
    %swap3A_1834 = vector.load %arg13[%swap3A_1832, %swap3A_1833] : memref<1024x32xf32, #tpu.memory_space<vmem>>, vector<1024x32xf32>
    tpu.vector_store %arg13[%swap3A_1832, %swap3A_1833], %select_n3A_1831 {strides = array<i32>} : memref<1024x32xf32, #tpu.memory_space<vmem>>, vector<1024x32xf32>,
    %eq3A_1835 = arith.constant 3 : i32
    %eq3A_1836 = arith.cmpi eq, %arg1, %eq3A_1835 : i32
    %convert_element_type3A = arith.extui %eq3A_1836 : i1 to i32
    %cond3A = arith.constant 0 : i32
    %cond3A_1837 = arith.cmpi ne, %convert_element_type3A, %cond3A : i32
    scf.if %cond3A_1837 {
      %max3A_1838 = arith.constant 0.000000e+00 : f32
      %max3A_1839 = vector.broadcast %max3A_1838 : f32 to vector<1024x32xf32>
      %max3A_1840 = arith.maximumf %select_n3A_1831, %max3A_1839 : vector<1024x32xf32>
      %swap3A_1841 = arith.constant 0 : index
      %swap3A_1842 = arith.constant 0 : index
      %swap3A_1843 = vector.load %arg11[%swap3A_1841, %swap3A_1842] : memref<1024x32xf32, #tpu.memory_space<vmem>>, vector<1024x32xf32>
      tpu.vector_store %arg11[%swap3A_1841, %swap3A_1842], %max3A_1840 {strides = array<i32>} : memref<1024x32xf32, #tpu.memory_space<vmem>>, vector<1024x32xf32>,
    } else {
    }
    return
  }
  func.func @transform_0(%arg0: i32, %arg1: i32) -> (i32, i32, i32) {
    %mul3A = arith.constant 4 : i32
    %mul3A_0 = arith.muli %mul3A, %arg1 : i32
    %c0_i32 = arith.constant 0 : i32
    %c0_i32_1 = arith.constant 0 : i32
    return %mul3A_0, %c0_i32, %arg0 : i32, i32, i32
  }
  func.func @transform_1(%arg0: i32, %arg1: i32) -> (i32, i32, i32) {
    %mul3A = arith.constant 4 : i32
    %mul3A_0 = arith.muli %mul3A, %arg1 : i32
    %add3A = arith.constant 1 : i32
    %add3A_1 = arith.addi %mul3A_0, %add3A : i32
    %c0_i32 = arith.constant 0 : i32
    %c0_i32_2 = arith.constant 0 : i32
    return %add3A_1, %c0_i32, %arg0 : i32, i32, i32
  }
  func.func @transform_2(%arg0: i32, %arg1: i32) -> (i32, i32, i32) {
    %mul3A = arith.constant 4 : i32
    %mul3A_0 = arith.muli %mul3A, %arg1 : i32
    %add3A = arith.constant 2 : i32
    %add3A_1 = arith.addi %mul3A_0, %add3A : i32
    %c0_i32 = arith.constant 0 : i32
    %c0_i32_2 = arith.constant 0 : i32
    return %add3A_1, %c0_i32, %arg0 : i32, i32, i32
  }
  func.func @transform_3(%arg0: i32, %arg1: i32) -> (i32, i32, i32) {
    %mul3A = arith.constant 4 : i32
    %mul3A_0 = arith.muli %mul3A, %arg1 : i32
    %add3A = arith.constant 3 : i32
    %add3A_1 = arith.addi %mul3A_0, %add3A : i32
    %c0_i32 = arith.constant 0 : i32
    %c0_i32_2 = arith.constant 0 : i32
    return %add3A_1, %c0_i32, %arg0 : i32, i32, i32
  }
  func.func @transform_4(%arg0: i32, %arg1: i32) -> (i32, i32) {
    %c0_i32 = arith.constant 0 : i32
    %c0_i32_0 = arith.constant 0 : i32
    return %c0_i32, %arg0 : i32, i32
  }
  func.func @transform_5(%arg0: i32, %arg1: i32) -> (i32, i32) {
    %c0_i32 = arith.constant 0 : i32
    %c0_i32_0 = arith.constant 0 : i32
    %c0_i32_1 = arith.constant 0 : i32
    return %c0_i32, %c0_i32_0 : i32, i32
  }
  func.func @transform_6(%arg0: i32, %arg1: i32) -> (i32, i32) {
    %c0_i32 = arith.constant 0 : i32
    %c0_i32_0 = arith.constant 0 : i32
    %c0_i32_1 = arith.constant 0 : i32
    return %c0_i32, %c0_i32_0 : i32, i32
  }
  func.func @transform_7(%arg0: i32, %arg1: i32) -> (i32, i32) {
    %c0_i32 = arith.constant 0 : i32
    %c0_i32_0 = arith.constant 0 : i32
    %c0_i32_1 = arith.constant 0 : i32
    return %c0_i32, %c0_i32_0 : i32, i32
  }
  func.func @transform_8(%arg0: i32, %arg1: i32) -> (i32, i32) {
    %c0_i32 = arith.constant 0 : i32
    %c0_i32_0 = arith.constant 0 : i32
    %c0_i32_1 = arith.constant 0 : i32
    return %c0_i32, %c0_i32_0 : i32, i32
  }
  func.func @transform_9(%arg0: i32, %arg1: i32) -> (i32, i32) {
    %c0_i32 = arith.constant 0 : i32
    %c0_i32_0 = arith.constant 0 : i32
    return %arg0, %c0_i32 : i32, i32
  }
  func.func @transform_10(%arg0: i32, %arg1: i32) -> (i32, i32, i32, i32) {
    %c0_i32 = arith.constant 0 : i32
    %c0_i32_0 = arith.constant 0 : i32
    %c0_i32_1 = arith.constant 0 : i32
    return %arg1, %c0_i32, %c0_i32_0, %arg0 : i32, i32, i32, i32
  }
}

module attributes {stable_mosaic.version = 14 : i64} {
  func.func @_conv2_body(%arg0: i32, %arg1: i32, %arg2: memref<1024x32xf32, #tpu.memory_space<vmem>>, %arg3: memref<1024x32xf32, #tpu.memory_space<vmem>>, %arg4: memref<1024x32xf32, #tpu.memory_space<vmem>>, %arg5: memref<1024x32xf32, #tpu.memory_space<vmem>>, %arg6: memref<1x4x4x1024xf32, #tpu.memory_space<vmem>>, %arg7: memref<36x64xf32, #tpu.memory_space<vmem>>, %arg8: memref<1x64xf32, #tpu.memory_space<vmem>>, %arg9: memref<64x128xf32, #tpu.memory_space<vmem>>, %arg10: memref<1x128xf32, #tpu.memory_space<vmem>>, %arg11: memref<128x40xf32, #tpu.memory_space<vmem>>, %arg12: memref<1x40xf32, #tpu.memory_space<vmem>>, %arg13: memref<1x1x40xf32, #tpu.memory_space<vmem>>, %arg14: memref<1024x128xf32, #tpu.memory_space<vmem>>) attributes {dimension_semantics = [#tpu.dimension_semantics<arbitrary>, #tpu.dimension_semantics<arbitrary>], iteration_bounds = array<i64: 32, 4>, scalar_prefetch = 0 : i64, scratch_operands = 1 : i64, tpu.core_type = #tpu.core_type<tc>, window_params = [{transform_indices = @transform_0, window_bounds = array<i64: 1024, 32>}, {transform_indices = @transform_1, window_bounds = array<i64: 1024, 32>}, {transform_indices = @transform_2, window_bounds = array<i64: 1024, 32>}, {transform_indices = @transform_3, window_bounds = array<i64: 1024, 32>}, {transform_indices = @transform_4, window_bounds = array<i64: 1, 4, 4, 1024>}, {pipeline_mode = #tpu.pipeline_mode<synchronous>, transform_indices = @transform_5, window_bounds = array<i64: 36, 64>}, {pipeline_mode = #tpu.pipeline_mode<synchronous>, transform_indices = @transform_6, window_bounds = array<i64: 1, 64>}, {pipeline_mode = #tpu.pipeline_mode<synchronous>, transform_indices = @transform_7, window_bounds = array<i64: 64, 128>}, {pipeline_mode = #tpu.pipeline_mode<synchronous>, transform_indices = @transform_8, window_bounds = array<i64: 1, 128>}, {pipeline_mode = #tpu.pipeline_mode<synchronous>, transform_indices = @transform_9, window_bounds = array<i64: 128, 40>}, {pipeline_mode = #tpu.pipeline_mode<synchronous>, transform_indices = @transform_10, window_bounds = array<i64: 1, 40>}, {transform_indices = @transform_11, window_bounds = array<i64: 1, 1, 40>}]} {
    %get3A = arith.constant 0 : index
    %get3A_0 = arith.constant 0 : index
    %get3A_1 = vector.load %arg7[%get3A, %get3A_0] : memref<36x64xf32, #tpu.memory_space<vmem>>, vector<36x64xf32>
    %get3A_2 = arith.constant 0 : index
    %get3A_3 = arith.constant 0 : index
    %get3A_4 = vector.load %arg2[%get3A_2, %get3A_3] : memref<1024x32xf32, #tpu.memory_space<vmem>>, vector<1024x32xf32>
    %get3A_5 = arith.constant 0 : index
    %get3A_6 = arith.constant 0 : index
    %get3A_7 = vector.load %arg3[%get3A_5, %get3A_6] : memref<1024x32xf32, #tpu.memory_space<vmem>>, vector<1024x32xf32>
    %get3A_8 = arith.constant 0 : index
    %get3A_9 = arith.constant 0 : index
    %get3A_10 = vector.load %arg4[%get3A_8, %get3A_9] : memref<1024x32xf32, #tpu.memory_space<vmem>>, vector<1024x32xf32>
    %get3A_11 = arith.constant 0 : index
    %get3A_12 = arith.constant 0 : index
    %get3A_13 = vector.load %arg5[%get3A_11, %get3A_12] : memref<1024x32xf32, #tpu.memory_space<vmem>>, vector<1024x32xf32>
    %concatenate3A = tpu.concatenate %get3A_4, %get3A_7, %get3A_10, %get3A_13 in 0 : vector<1024x32xf32>, vector<1024x32xf32>, vector<1024x32xf32>, vector<1024x32xf32> -> vector<4096x32xf32>
    %get3A_14 = arith.constant 0 : index
    %get3A_15 = arith.constant 0 : index
    %get3A_16 = arith.constant 0 : index
    %get3A_17 = arith.constant 0 : index
    %get3A_18 = vector.load %arg6[%get3A_14, %get3A_15, %get3A_16, %get3A_17] : memref<1x4x4x1024xf32, #tpu.memory_space<vmem>>, vector<1x1x4x1024xf32>
    %get3A_19 = vector.shape_cast %get3A_18 : vector<1x1x4x1024xf32> to vector<4x1024xf32>
    %get3A_20 = arith.constant 0 : index
    %get3A_21 = arith.constant 1 : index
    %get3A_22 = arith.constant 0 : index
    %get3A_23 = arith.constant 0 : index
    %get3A_24 = vector.load %arg6[%get3A_20, %get3A_21, %get3A_22, %get3A_23] : memref<1x4x4x1024xf32, #tpu.memory_space<vmem>>, vector<1x1x4x1024xf32>
    %get3A_25 = vector.shape_cast %get3A_24 : vector<1x1x4x1024xf32> to vector<4x1024xf32>
    %get3A_26 = arith.constant 0 : index
    %get3A_27 = arith.constant 2 : index
    %get3A_28 = arith.constant 0 : index
    %get3A_29 = arith.constant 0 : index
    %get3A_30 = vector.load %arg6[%get3A_26, %get3A_27, %get3A_28, %get3A_29] : memref<1x4x4x1024xf32, #tpu.memory_space<vmem>>, vector<1x1x4x1024xf32>
    %get3A_31 = vector.shape_cast %get3A_30 : vector<1x1x4x1024xf32> to vector<4x1024xf32>
    %get3A_32 = arith.constant 0 : index
    %get3A_33 = arith.constant 3 : index
    %get3A_34 = arith.constant 0 : index
    %get3A_35 = arith.constant 0 : index
    %get3A_36 = vector.load %arg6[%get3A_32, %get3A_33, %get3A_34, %get3A_35] : memref<1x4x4x1024xf32, #tpu.memory_space<vmem>>, vector<1x1x4x1024xf32>
    %get3A_37 = vector.shape_cast %get3A_36 : vector<1x1x4x1024xf32> to vector<4x1024xf32>
    %concatenate3A_38 = tpu.concatenate %get3A_19, %get3A_25, %get3A_31, %get3A_37 in 1 : vector<4x1024xf32>, vector<4x1024xf32>, vector<4x1024xf32>, vector<4x1024xf32> -> vector<4x4096xf32>
    %slice3A = vector.extract_strided_slice %get3A_1 {offsets = [0, 0], sizes = [32, 64], strides = [1, 1]} : vector<36x64xf32> to vector<32x64xf32>
    %dot_general3A = arith.constant dense<0.000000e+00> : vector<4096x64xf32>
    %dot_general3A_39 = tpu.matmul %concatenate3A, %slice3A, %dot_general3A {dimension_numbers = #tpu.dot_dimension_numbers<[1], [0], [0], [1], [0, 0, 1, 1], [], []>, transpose_lhs_hint = false} : vector<4096x32xf32>, vector<32x64xf32>, vector<4096x64xf32> -> vector<4096x64xf32>
    %slice3A_40 = vector.extract_strided_slice %get3A_1 {offsets = [32, 0], sizes = [4, 64], strides = [1, 1]} : vector<36x64xf32> to vector<4x64xf32>
    %dot_general3A_41 = arith.constant dense<0.000000e+00> : vector<4096x64xf32>
    %dot_general3A_42 = tpu.matmul %concatenate3A_38, %slice3A_40, %dot_general3A_41 {dimension_numbers = #tpu.dot_dimension_numbers<[0], [0], [1], [1], [0, 1, 1, 1], [], []>, transpose_lhs_hint = false} : vector<4x4096xf32>, vector<4x64xf32>, vector<4096x64xf32> -> vector<4096x64xf32>
    %add3A = arith.addf %dot_general3A_39, %dot_general3A_42 : vector<4096x64xf32>
    %get3A_43 = arith.constant 0 : index
    %get3A_44 = arith.constant 0 : index
    %get3A_45 = vector.load %arg8[%get3A_43, %get3A_44] : memref<1x64xf32, #tpu.memory_space<vmem>>, vector<1x64xf32>
    %add3A_46 = vector.broadcast %get3A_45 : vector<1x64xf32> to vector<4096x64xf32>
    %add3A_47 = arith.addf %add3A, %add3A_46 : vector<4096x64xf32>
    %max3A = arith.constant 0.000000e+00 : f32
    %max3A_48 = vector.broadcast %max3A : f32 to vector<4096x64xf32>
    %max3A_49 = arith.maximumf %add3A_47, %max3A_48 : vector<4096x64xf32>
    %get3A_50 = arith.constant 0 : index
    %get3A_51 = arith.constant 0 : index
    %get3A_52 = vector.load %arg9[%get3A_50, %get3A_51] : memref<64x128xf32, #tpu.memory_space<vmem>>, vector<64x128xf32>
    %dot_general3A_53 = arith.constant dense<0.000000e+00> : vector<4096x128xf32>
    %dot_general3A_54 = tpu.matmul %max3A_49, %get3A_52, %dot_general3A_53 {dimension_numbers = #tpu.dot_dimension_numbers<[1], [0], [0], [1], [0, 0, 1, 1], [], []>, transpose_lhs_hint = false} : vector<4096x64xf32>, vector<64x128xf32>, vector<4096x128xf32> -> vector<4096x128xf32>
    %get3A_55 = arith.constant 0 : index
    %get3A_56 = arith.constant 0 : index
    %get3A_57 = vector.load %arg10[%get3A_55, %get3A_56] : memref<1x128xf32, #tpu.memory_space<vmem>>, vector<1x128xf32>
    %add3A_58 = vector.broadcast %get3A_57 : vector<1x128xf32> to vector<4096x128xf32>
    %add3A_59 = arith.addf %dot_general3A_54, %add3A_58 : vector<4096x128xf32>
    %max3A_60 = arith.constant 0.000000e+00 : f32
    %max3A_61 = vector.broadcast %max3A_60 : f32 to vector<4096x128xf32>
    %max3A_62 = arith.maximumf %add3A_59, %max3A_61 : vector<4096x128xf32>
    %slice3A_63 = vector.extract_strided_slice %max3A_62 {offsets = [0, 0], sizes = [1024, 128], strides = [1, 1]} : vector<4096x128xf32> to vector<1024x128xf32>
    %slice3A_64 = vector.extract_strided_slice %max3A_62 {offsets = [1024, 0], sizes = [1024, 128], strides = [1, 1]} : vector<4096x128xf32> to vector<1024x128xf32>
    %max3A_65 = arith.maximumf %slice3A_63, %slice3A_64 : vector<1024x128xf32>
    %slice3A_66 = vector.extract_strided_slice %max3A_62 {offsets = [2048, 0], sizes = [1024, 128], strides = [1, 1]} : vector<4096x128xf32> to vector<1024x128xf32>
    %slice3A_67 = vector.extract_strided_slice %max3A_62 {offsets = [3072, 0], sizes = [1024, 128], strides = [1, 1]} : vector<4096x128xf32> to vector<1024x128xf32>
    %max3A_68 = arith.maximumf %slice3A_66, %slice3A_67 : vector<1024x128xf32>
    %max3A_69 = arith.maximumf %max3A_65, %max3A_68 : vector<1024x128xf32>
    %get3A_70 = arith.constant 0 : index
    %get3A_71 = arith.constant 0 : index
    %get3A_72 = vector.load %arg14[%get3A_70, %get3A_71] : memref<1024x128xf32, #tpu.memory_space<vmem>>, vector<1024x128xf32>
    %eq3A = arith.constant 0 : i32
    %eq3A_73 = arith.cmpi eq, %arg1, %eq3A : i32
    %max3A_74 = arith.maximumf %get3A_72, %max3A_69 : vector<1024x128xf32>
    %select_n3A = arith.select %eq3A_73, %max3A_69, %max3A_74 : vector<1024x128xf32>
    %swap3A = arith.constant 0 : index
    %swap3A_75 = arith.constant 0 : index
    %swap3A_76 = vector.load %arg14[%swap3A, %swap3A_75] : memref<1024x128xf32, #tpu.memory_space<vmem>>, vector<1024x128xf32>
    tpu.vector_store %arg14[%swap3A, %swap3A_75], %select_n3A {strides = array<i32>} : memref<1024x128xf32, #tpu.memory_space<vmem>>, vector<1024x128xf32>,
    %eq3A_77 = arith.constant 3 : i32
    %eq3A_78 = arith.cmpi eq, %arg1, %eq3A_77 : i32
    %convert_element_type3A = arith.extui %eq3A_78 : i1 to i32
    %cond3A = arith.constant 0 : i32
    %cond3A_79 = arith.cmpi ne, %convert_element_type3A, %cond3A : i32
    scf.if %cond3A_79 {
      %max3A_80 = arith.constant 0.000000e+00 : f32
      %max3A_81 = vector.broadcast %max3A_80 : f32 to vector<1024x128xf32>
      %max3A_82 = arith.maximumf %select_n3A, %max3A_81 : vector<1024x128xf32>
      %reduce_max3A = arith.constant dense<0xFF800000> : vector<128xf32>
      %reduce_max3A_83 = vector.multi_reduction <maximumf>, %max3A_82, %reduce_max3A [0] : vector<1024x128xf32> to vector<128xf32>
      %broadcast_in_dim3A = vector.shape_cast %reduce_max3A_83 : vector<128xf32> to vector<1x128xf32>
      %get3A_84 = arith.constant 0 : index
      %get3A_85 = arith.constant 0 : index
      %get3A_86 = vector.load %arg11[%get3A_84, %get3A_85] : memref<128x40xf32, #tpu.memory_space<vmem>>, vector<128x40xf32>
      %dot_general3A_87 = arith.constant dense<0.000000e+00> : vector<1x40xf32>
      %dot_general3A_88 = tpu.matmul %broadcast_in_dim3A, %get3A_86, %dot_general3A_87 {dimension_numbers = #tpu.dot_dimension_numbers<[1], [0], [0], [1], [0, 0, 1, 1], [], []>, transpose_lhs_hint = false} : vector<1x128xf32>, vector<128x40xf32>, vector<1x40xf32> -> vector<1x40xf32>
      %get3A_89 = arith.constant 0 : index
      %get3A_90 = arith.constant 0 : index
      %get3A_91 = vector.load %arg12[%get3A_89, %get3A_90] : memref<1x40xf32, #tpu.memory_space<vmem>>, vector<1x40xf32>
      %add3A_92 = arith.addf %dot_general3A_88, %get3A_91 : vector<1x40xf32>
      %swap3A_93 = arith.constant 0 : index
      %swap3A_94 = arith.constant 0 : index
      %swap3A_95 = arith.constant 0 : index
      %swap3A_96 = vector.load %arg13[%swap3A_93, %swap3A_94, %swap3A_95] : memref<1x1x40xf32, #tpu.memory_space<vmem>>, vector<1x1x40xf32>
      %swap3A_97 = vector.shape_cast %swap3A_96 : vector<1x1x40xf32> to vector<1x40xf32>
      %swap3A_98 = vector.shape_cast %add3A_92 : vector<1x40xf32> to vector<1x1x40xf32>
      tpu.vector_store %arg13[%swap3A_93, %swap3A_94, %swap3A_95], %swap3A_98 {strides = array<i32>} : memref<1x1x40xf32, #tpu.memory_space<vmem>>, vector<1x1x40xf32>,
    } else {
    }
    return
  }
  func.func @transform_0(%arg0: i32, %arg1: i32) -> (i32, i32) {
    %mul3A = arith.constant 4 : i32
    %mul3A_0 = arith.muli %mul3A, %arg1 : i32
    %mul3A_1 = arith.constant 32 : i32
    %mul3A_2 = arith.muli %mul3A_0, %mul3A_1 : i32
    %add3A = arith.addi %mul3A_2, %arg0 : i32
    %c0_i32 = arith.constant 0 : i32
    %c0_i32_3 = arith.constant 0 : i32
    return %add3A, %c0_i32 : i32, i32
  }
  func.func @transform_1(%arg0: i32, %arg1: i32) -> (i32, i32) {
    %mul3A = arith.constant 4 : i32
    %mul3A_0 = arith.muli %mul3A, %arg1 : i32
    %add3A = arith.constant 1 : i32
    %add3A_1 = arith.addi %mul3A_0, %add3A : i32
    %mul3A_2 = arith.constant 32 : i32
    %mul3A_3 = arith.muli %add3A_1, %mul3A_2 : i32
    %add3A_4 = arith.addi %mul3A_3, %arg0 : i32
    %c0_i32 = arith.constant 0 : i32
    %c0_i32_5 = arith.constant 0 : i32
    return %add3A_4, %c0_i32 : i32, i32
  }
  func.func @transform_2(%arg0: i32, %arg1: i32) -> (i32, i32) {
    %mul3A = arith.constant 4 : i32
    %mul3A_0 = arith.muli %mul3A, %arg1 : i32
    %add3A = arith.constant 2 : i32
    %add3A_1 = arith.addi %mul3A_0, %add3A : i32
    %mul3A_2 = arith.constant 32 : i32
    %mul3A_3 = arith.muli %add3A_1, %mul3A_2 : i32
    %add3A_4 = arith.addi %mul3A_3, %arg0 : i32
    %c0_i32 = arith.constant 0 : i32
    %c0_i32_5 = arith.constant 0 : i32
    return %add3A_4, %c0_i32 : i32, i32
  }
  func.func @transform_3(%arg0: i32, %arg1: i32) -> (i32, i32) {
    %mul3A = arith.constant 4 : i32
    %mul3A_0 = arith.muli %mul3A, %arg1 : i32
    %add3A = arith.constant 3 : i32
    %add3A_1 = arith.addi %mul3A_0, %add3A : i32
    %mul3A_2 = arith.constant 32 : i32
    %mul3A_3 = arith.muli %add3A_1, %mul3A_2 : i32
    %add3A_4 = arith.addi %mul3A_3, %arg0 : i32
    %c0_i32 = arith.constant 0 : i32
    %c0_i32_5 = arith.constant 0 : i32
    return %add3A_4, %c0_i32 : i32, i32
  }
  func.func @transform_4(%arg0: i32, %arg1: i32) -> (i32, i32, i32, i32) {
    %c0_i32 = arith.constant 0 : i32
    %c0_i32_0 = arith.constant 0 : i32
    %c0_i32_1 = arith.constant 0 : i32
    return %arg1, %c0_i32, %c0_i32_0, %arg0 : i32, i32, i32, i32
  }
  func.func @transform_5(%arg0: i32, %arg1: i32) -> (i32, i32) {
    %c0_i32 = arith.constant 0 : i32
    %c0_i32_0 = arith.constant 0 : i32
    %c0_i32_1 = arith.constant 0 : i32
    return %c0_i32, %c0_i32_0 : i32, i32
  }
  func.func @transform_6(%arg0: i32, %arg1: i32) -> (i32, i32) {
    %c0_i32 = arith.constant 0 : i32
    %c0_i32_0 = arith.constant 0 : i32
    %c0_i32_1 = arith.constant 0 : i32
    return %c0_i32, %c0_i32_0 : i32, i32
  }
  func.func @transform_7(%arg0: i32, %arg1: i32) -> (i32, i32) {
    %c0_i32 = arith.constant 0 : i32
    %c0_i32_0 = arith.constant 0 : i32
    %c0_i32_1 = arith.constant 0 : i32
    return %c0_i32, %c0_i32_0 : i32, i32
  }
  func.func @transform_8(%arg0: i32, %arg1: i32) -> (i32, i32) {
    %c0_i32 = arith.constant 0 : i32
    %c0_i32_0 = arith.constant 0 : i32
    %c0_i32_1 = arith.constant 0 : i32
    return %c0_i32, %c0_i32_0 : i32, i32
  }
  func.func @transform_9(%arg0: i32, %arg1: i32) -> (i32, i32) {
    %c0_i32 = arith.constant 0 : i32
    %c0_i32_0 = arith.constant 0 : i32
    %c0_i32_1 = arith.constant 0 : i32
    return %c0_i32, %c0_i32_0 : i32, i32
  }
  func.func @transform_10(%arg0: i32, %arg1: i32) -> (i32, i32) {
    %c0_i32 = arith.constant 0 : i32
    %c0_i32_0 = arith.constant 0 : i32
    %c0_i32_1 = arith.constant 0 : i32
    return %c0_i32, %c0_i32_0 : i32, i32
  }
  func.func @transform_11(%arg0: i32, %arg1: i32) -> (i32, i32, i32) {
    %c0_i32 = arith.constant 0 : i32
    %c0_i32_0 = arith.constant 0 : i32
    %c0_i32_1 = arith.constant 0 : i32
    return %arg0, %c0_i32, %c0_i32_0 : i32, i32, i32
  }
}

</mosaic_0001>

<sc_bundles>
// kernel: kernel.10.cloned.1.call-start
scs
__scs_entry_jumppad:
0x0: {  	(pc) =	sbr.rel $0x88, $3  }
0x1: {  	(tag) =	ssettag $0x0;
	lr =	simm.s32 $0x1  }
0x2: {  	[smem:$0x3F95] =	sst lr;
	_ =	strace $0xD0000000  }
0x3: {  	_ = 	snop  }
0x4: {  	_ = 	snop  }
0x5: {  	_ = 	snop  }
0x6: {  	_ = 	snop  }
0x7: {  	_ = 	snop  }
__scs_overlays_trampoline_lowered:
0x8: {  	[smem:$0x3FA4] =	sst s0  }
0x9: {  	[smem:$0x3FA5] =	sst s1  }
0xa: {  	[smem:$0x3FA6] =	sst s2  }
0xb: {  	[smem:$0x3FA7] =	sst s3  }
0xc: {  	[smem:$0x3FA8] =	sst s4  }
0xd: {  	[smem:$0x3FA9] =	sst s5  }
0xe: {  	[smem:$0x3FAA] =	sst s6  }
0xf: {  	[smem:$0x3FAB] =	sst s7  }
0x10: {  	[smem:$0x3FAC] =	sst s8  }
0x11: {  	[smem:$0x3FAD] =	sst s9;
	s0 =	simm.s32 @!p0 $0x0  }
0x12: {  	s1 =	sld [smem:$0x3F93];
	s0 =	simm.s32 @p0 $0x1  }
0x13: {  	[smem:$0x3FAE] =	sst s0;
	s0 =	simm.s32 @!p1 $0x0  }
0x14: {  	s2 =	sld [smem:$0x3F92];
	s0 =	simm.s32 @p1 $0x1  }
0x15: {  	[smem:$0x3FAF] =	sst s0;
	s0 =	simm.s32 @!p2 $0x0  }
0x16: {  	s3 =	sld [smem:$0x3FDB];
	s0 =	simm.s32 @p2 $0x1  }
0x17: {  	s4 =	simm.s32 $0x1BF5;
	[smem:$0x3FB1] =	sst s0  }
0x18: {  	s0 =	sld [smem:$0x3F94];
	_ =	swait.ge [sflag:s4], $0x0  }
0x19: {  	s7 =	sld [smem:$0x3F95]  }
0x1a: {  	s8 =	sadd.s32 $0xFFFFE003, lr  }
0x1b: {  	s9 =	sadd.s32 $0xFFFFFEF7, lr;
	s5 =	simm.s32 $0xFFFFFFFF;
	p2 =	slt.u32 s8, $0xFFFFF086  }
0x1c: {  	p1 =	slt.u32 s9, $0xF7A;
	s5 =	simm.s32 @!p2 $0x0  }
0x1d: {  	s5 =	simm.s32 @p1 $0x1;
	p0 =	seq.s32 s7, s2  }
0x1e: {  	s7 =	smul.u32 @!p0 $0xF7A, s2;
	p2 =	seq.s32 @!p0 s5, $0x0  }
0x1f: {  	s9 =	smul.u32 $0xF7A, s1;
	s8 =	simm.s32 @!p0 $0x1BF5;
	p2 =	por !p2, p0  }
0x20: {  	[sflag:s8] =	ssyncset.s32 @!p0 $0xFFFFF086;
	s6 =	sadd.s32 @!p0 s3, s7;
	s7 =	simm.s32 @!p0 $0x108  }
0x21: {  	s3 =	sadd.s32 s3, s9;
	s6 =	sadd.s32 @!p0 $0x88, s6;
	s7 =	simm.s32 @p2 $0x1082  }
0x22: {  	[simem:s7], [sflag:s8] =	dma.local @!p0 [hbm:s6], $0xF7A  }
0x23: {  	s9 =	sor.u32 $0xD0000000, s2;
	s6 =	simm.s32 $0x108;
	_ =	swait.ge @!p0 [sflag:s8], $0x0  }
0x24: {  	s3 =	sadd.s32 $0x88, s3;
	s6 =	simm.s32 @!p1 $0x1082;
	[sflag:s4] =	ssyncset.s32 $0xFFFFF086  }
0x25: {  	[simem:s6], [sflag:s4] =	dma.local [hbm:s3], $0xF7A  }
0x26: {  	[smem:$0x3F95] =	sst s1;
	(tag) =	ssettag s2;
	_ =	strace s9  }
0x27: {  	s1 =	sld [smem:$0x3FA5]  }
0x28: {  	s2 =	sld [smem:$0x3FA6]  }
0x29: {  	s4 =	sld [smem:$0x3FA8]  }
0x2a: {  	p0 =	seq.s32 s5, $0x0;
	s5 =	sld [smem:$0x3FA9]  }
0x2b: {  	s6 =	sld [smem:$0x3FAA]  }
0x2c: {  	s7 =	sld [smem:$0x3FAB]  }
0x2d: {  	s3 =	simm.s32 $0x108;
	s8 =	sld [smem:$0x3FAC]  }
0x2e: {  	s3 =	simm.s32 @!p0 $0x1082;
	s9 =	sld [smem:$0x3FAD]  }
0x2f: {  	lr =	sadd.s32 s0, s3;
	s0 =	sld [smem:$0x3FA4]  }
0x30: {  	s3 =	sld [smem:$0x3FA7]  }
0x31: {  	[smem:$0x3FB0] =	sst s10  }
0x32: {  	s10 =	sld [smem:$0x3FAE];
	_ =	sdelay $0x3  }
0x33: {  	p0 =	seq.s32 s10, $0x1;
	s10 =	sld [smem:$0x3FB0];
	_ =	sdelay $0x3  }
0x34: {  	[smem:$0x3FB0] =	sst s10  }
0x35: {  	s10 =	sld [smem:$0x3FAF];
	_ =	sdelay $0x3  }
0x36: {  	p1 =	seq.s32 s10, $0x1;
	s10 =	sld [smem:$0x3FB0];
	_ =	sdelay $0x3  }
0x37: {  	[smem:$0x3FB0] =	sst s10  }
0x38: {  	s10 =	sld [smem:$0x3FB1]  }
0x39: {  	_ = 	snop;
	(pc) =	sbr.ind lr, $3  }
0x3a: {  	_ = 	snop  }
0x3b: {  	_ = 	snop  }
0x3c: {  	p2 =	seq.s32 s10, $0x1;
	s10 =	sld [smem:$0x3FB0]  }
0x3d: {  	_ =	shalt  }
0x3e: {  	_ =	shalt  }
0x3f: {  	_ =	shalt  }
0x40: {  	_ =	shalt  }
0x41: {  	_ =	shalt  }
0x42: {  	_ =	shalt  }
0x43: {  	_ =	shalt  }
0x44: {  	_ =	shalt  }
0x45: {  	_ =	shalt  }
0x46: {  	_ =	shalt  }
0x47: {  	_ =	shalt  }
0x48: {  	_ =	shalt  }
0x49: {  	_ =	shalt  }
0x4a: {  	_ =	shalt  }
0x4b: {  	_ =	shalt  }
0x4c: {  	_ =	shalt  }
0x4d: {  	_ =	shalt  }
0x4e: {  	_ =	shalt  }
0x4f: {  	_ =	shalt  }
0x50: {  	_ =	shalt  }
0x51: {  	_ =	shalt  }
0x52: {  	_ =	shalt  }
0x53: {  	_ =	shalt  }
0x54: {  	_ =	shalt  }
0x55: {  	_ =	shalt  }
0x56: {  	_ =	shalt  }
0x57: {  	_ =	shalt  }
0x58: {  	_ =	shalt  }
0x59: {  	_ =	shalt  }
0x5a: {  	_ =	shalt  }
0x5b: {  	_ =	shalt  }
0x5c: {  	_ =	shalt  }
0x5d: {  	_ =	shalt  }
0x5e: {  	_ =	shalt  }
0x5f: {  	_ =	shalt  }
0x60: {  	_ =	shalt  }
0x61: {  	_ =	shalt  }
0x62: {  	_ =	shalt  }
0x63: {  	_ =	shalt  }
0x64: {  	_ =	shalt  }
0x65: {  	_ =	shalt  }
0x66: {  	_ =	shalt  }
0x67: {  	_ =	shalt  }
0x68: {  	_ =	shalt  }
0x69: {  	_ =	shalt  }
0x6a: {  	_ =	shalt  }
0x6b: {  	_ =	shalt  }
0x6c: {  	_ =	shalt  }
0x6d: {  	_ =	shalt  }
0x6e: {  	_ =	shalt  }
0x6f: {  	_ =	shalt  }
0x70: {  	_ =	shalt  }
0x71: {  	_ =	shalt  }
0x72: {  	_ =	shalt  }
0x73: {  	_ =	shalt  }
0x74: {  	_ =	shalt  }
0x75: {  	_ =	shalt  }
0x76: {  	_ =	shalt  }
0x77: {  	_ =	shalt  }
0x78: {  	_ =	shalt  }
0x79: {  	_ =	shalt  }
0x7a: {  	_ =	shalt  }
0x7b: {  	_ =	shalt  }
0x7c: {  	_ =	shalt  }
0x7d: {  	_ =	shalt  }
0x7e: {  	_ =	shalt  }
0x7f: {  	_ =	shalt  }
0x80: {  	_ =	shalt  }
0x81: {  	_ =	shalt  }
0x82: {  	_ =	shalt  }
0x83: {  	_ =	shalt  }
0x84: {  	_ =	shalt  }
0x85: {  	_ =	shalt  }
0x86: {  	_ =	shalt  }
0x87: {  	_ =	shalt  }
.Lfunc_end0:
.L_simem_size_0:
called_computation.2_lowered:
.L_overlay_start_0:
0x88: {  	s2 =	sld [smem:$0x3FD9]  }
0x89: {  	s3 =	sld [smem:$0x3FFE];
	_ =	sdelay $0x1  }
0x8a: {  	s1 =	srdreg.scid  }
0x8b: {  	s0 =	sand.u32 $0x1, s1  }
0x8c: {  	s16 =	sshll.u32 s0, $0xA;
	s2 =	sadd.s32 s3, s2  }
0x8d: {  	s2 =	sadd.s32 s2, s16  }
0x8e: {  	[smem:$0x3FBC] =	sst s2  }
0x8f: {  	_ = 	snop  }
0x90: {  	(tm) =	ssettm $0x1  }
0x91: {  	s17 =	sld [smem:$0x3FFB];
	_ =	sdelay $0x3  }
0x92: {  	_ =	strace s17  }
0x93: {  	s2 =	sld [smem:$0x3FFC];
	_ =	sdelay $0x3  }
0x94: {  	_ =	strace s2  }
0x95: {  	s2 =	sld [smem:$0x3FFD];
	_ =	sdelay $0x3  }
0x96: {  	_ =	strace s2  }
0x97: {  	_ =	strace $0x8FFFFFFF  }
0x98: {  	s18 =	sld [smem:$0x3FDB];
	_ =	sdelay $0x1  }
0x99: {  	s19 =	simm.s32 $_scs_section_size  }
0x9a: {  	s4 =	simm.s32 $_size__tile_overlayer_lowered;
	s5 =	simm.s32 $_tile_overlayer_lowered  }
0x9b: {  	s22 =	simm.s32 $0x1BFF;
	s21 =	sshll.u32 s5, $0x1;
	s2 =	sadd.s32 s19, s18  }
0x9c: {  	s6 =	simm.s32 $0x0;
	s20 =	sshll.u32 s4, $0x1;
	s4 =	sadd.s32 s21, s2  }
0x9d: {  	[timem:s6], [sflag:s22] =	dma.local [hbm:s4], s20  }
0x9e: {  	_ =	swait.ge [sflag:s22], s20  }
0x9f: {  	s3 =	ssub.s32 $0x0, s20;
	[sflag:s22] =	ssyncset.done $0x0  }
0xa0: {  	[sflag:s22] =	ssyncadd.s32 s3;
	_ =	sdelay $0x1  }
0xa1: {  	s23 =	simm.s32 $0x1B8B  }
0xa2: {  	_ =	swait.ge [sflag:s23], $0x1  }
0xa3: {  	[sflag:s23] =	ssyncset.done $0x0  }
0xa4: {  	s25 =	simm.s32 $0x1B8E;
	s24 =	sld [smem:$0x3FFE];
	[sflag:s23] =	ssyncadd.s32 $0xFFFFFFFF  }
0xa5: {  	s26 =	simm.s32 $execute0_lowered;
	[smem:$0x3FD2] =	sst s25  }
0xa6: {  	s4 =	sshll.u32 s26, $0x1;
	_ =	strace $0x8000004C;
	[dreg:$0x1] =	wrdreg $0xFFFFFFFF  }
0xa7: {  	s28 =	simm.s32 $_size_execute0_lowered;
	s2 =	sadd.s32 s2, s4;
	[dreg:$0x0] =	wrdreg $0x0  }
0xa8: {  	s4 =	sshll.u32 s28, $0x1;
	[dreg:$0x2] =	wrdreg s2  }
0xa9: {  	[dreg:$0x3] =	wrdreg s4  }
0xaa: {  	[dreg:$0x4] =	wrdreg $0xC0  }
0xab: {  	_ =	task [dreg:s6], $0x5FFFF  }
0xac: {  	[dreg:$0x1] =	wrdreg $0xFFFFFFFF  }
0xad: {  	[dreg:$0x0] =	wrdreg $0x60  }
0xae: {  	[dreg:$0x2] =	wrdreg s24  }
0xaf: {  	[dreg:$0x3] =	wrdreg $0x9  }
0xb0: {  	_ =	task.clear_ibuf [dreg:s6], $0x4FFFF;
	_ =	strace $0x9000004C  }
0xb1: {  	s29 =	simm.s32 $0x9;
	_ =	strace $0x8000004E  }
0xb2: {  	_ =	swait.ge [sflag:s29], $0x1  }
0xb3: {  	[sflag:s29] =	ssyncadd.s32 $0xFFFFFFFF  }
0xb4: {  	_ =	strace $0x9000004E  }
0xb5: {  	_ =	sfence  }
0xb6: {  	s30 =	sld [smem:$0x0];
	_ =	sdelay $0x2  }
0xb7: {  	s31 =	sshll.u32 s1, $0xD;
	s1 =	sshrl.u32 s1, $0x2  }
0xb8: {  	s3 =	sand.u32 $0x4000, s31;
	s1 =	sadd.s32 s1, s30  }
0xb9: {  	s0 =	sor.u32 s3, s0;
	s1 =	sshll.u32 s1, $0x11  }
0xba: {  	s0 =	sor.u32 s1, s0  }
0xbb: {  	s0 =	sadd.s32 $0x8F2B, s0  }
0xbc: {  	[sflag:s0] =	ssyncadd.remote.s32 $0x1  }
0xbd: {  	_ =	sfence.sel $0xFFFF  }
0xbe: {  	[dreg:$0x0] =	wrdreg $0xFFFFFFFF;
	(pc) =	sbr.abs _section_cstart, $3  }
0xbf: {  	[dreg:$0x1] =	wrdreg $0xFFFFFFFF  }
0xc0: {  	_ =	task.clear_ibuf [dreg:s6], $0x2FFFF;
	_ =	strace $0x9FFFFFFF  }
0xc1: {  	(tm) =	ssettm $0x7FFFFFFF  }
tec
execute0_lowered:
.L_overlay_start_1:
0x0: {  	(tag) =	ssettag $0x1  }
0x1: {  	s4 =	rddreg [dreg:$0x0]  }
0x2: {  	s0 =	rddreg [dreg:$0x1];
	s2 =	simm.s32 $0x0;
	s3 =	srdreg.scid  }
0x3: {  	s1 =	stileid.u32;
	s10 =	simm.s32 $0x0;
	[smem:$0x7FF] =	sst s2  }
0x4: {  	s5 =	sand.u32 $0x1, s3;
	s6 =	sshll.u32 s1, $0xF;
	s3 =	sadd.s32 $0x53800, s4  }
0x5: {  	s8 =	sshll.u32 s1, $0x11;
	_ =	strace $0x8000004D;
	s7 =	sshll.u32 s5, $0xE  }
0x6: {  	s31 =	ssub.s32 $0x2, s5;
	s8 =	sadd.s32 s8, s4;
	s5 =	sshll.u32 s5, $0x10  }
0x7: {  	s6 =	sor.u32 s7, s6;
	s9 =	sshrl.u32 s31, $0x1;
	s5 =	sadd.s32 s5, s8  }
0x8: {  	s8 =	simm.s32 $0x800;
	s6 =	sshrl.u32 s6, $0x3;
	s7 =	ssub.s32 s31, s9  }
0x9: {  	s5 =	sadd.s32 $0x73800, s5;
	s9 =	simm.s32 $0x1;
	s6 =	sadd.s32 s6, s4  }
0xa: {  	s4 =	smax.u32 s7, $0x1;
	s7 =	simm.s32 $0x2;
	s6 =	sadd.s32 $0x3800, s6  }
.LBB2_1:
0xb: {  	s11 =	sadd.s32 $0x0, s6  }
0xc: {  	[tilespmem:s2], [sflag:$0x2] =	stream.linear.gather [hbm4b:s11+s2], $0x800, $0x38;
	[tilespmem:$0x10800] =	vst v63  }
0xd: {  	_ =	swait.ge [sflag:s7], $0x800  }
0xe: {  	[sflag:s7] =	ssyncset.done $0x0  }
0xf: {  	[sflag:s7] =	ssyncadd.s32 $0xFFFFF800  }
0x10: {  	[tilespmem:s8], [sflag:$0x1] =	stream.indirect.gather [hbm4b:s3+s8], $0x20, s2, s8, $0xb8;
	[tilespmem:$0x10800] =	vst v63  }
0x11: {  	_ =	swait.ge [sflag:s9], $0x10000  }
0x12: {  	[sflag:s9] =	ssyncset.done $0x0  }
0x13: {  	[sflag:s9] =	ssyncadd.s32 $0xFFFF0000  }
0x14: {  	[hbm4b:s5+s2] =	stream.linear.scatter [tilespmem:s8], [sflag:$0x2], $0x10000, $0x38;
	[tilespmem:$0x10800] =	vst v63  }
0x15: {  	s12 =	simm.s32 $0x100;
	_ =	swait.ge [sflag:s7], $0x10000  }
0x16: {  	s13 =	simm.s32 $0x200;
	s11 =	sadd.s32 $0x2000, s5;
	[sflag:s7] =	ssyncset.done $0x0  }
.LBB2_2:
0x17: {  	s14 =	sadd.s32 s12, s6  }
0x18: {  	[sflag:s7] =	ssyncadd.s32 $0xFFFF0000;
	s12 =	smov.u32 s13;
	s15 =	sadd.s32 $0x100, s13  }
0x19: {  	[tilespmem:s2], [sflag:$0x2] =	stream.linear.gather [hbm4b:s14+s2], $0x800, $0x38;
	[tilespmem:$0x10800] =	vst v63  }
0x1a: {  	p0 =	sne.s32 s13, $0x700;
	_ =	swait.ge [sflag:s7], $0x800  }
0x1b: {  	[sflag:s7] =	ssyncset.done $0x0  }
0x1c: {  	[sflag:s7] =	ssyncadd.s32 $0xFFFFF800  }
0x1d: {  	[tilespmem:s8], [sflag:$0x1] =	stream.indirect.gather [hbm4b:s3+s8], $0x20, s2, s8, $0xb8;
	[tilespmem:$0x10800] =	vst v63  }
0x1e: {  	_ =	swait.ge [sflag:s9], $0x10000  }
.Ltmp0:
0x1f: {  	[sflag:s9] =	ssyncset.done $0x0;
	(pc) =	sbr.rel @p0 .LBB2_2-.Ltmp0, $4  }
0x20: {  	[sflag:s9] =	ssyncadd.s32 $0xFFFF0000  }
0x21: {  	[hbm4b:s11+s2] =	stream.linear.scatter [tilespmem:s8], [sflag:$0x2], $0x10000, $0x38;
	[tilespmem:$0x10800] =	vst v63  }
0x22: {  	_ =	swait.ge [sflag:s7], $0x10000  }
0x23: {  	s13 =	smov.u32 s15;
	s11 =	sadd.s32 $0x2000, s11;
	[sflag:s7] =	ssyncset.done $0x0  }
0x24: {  	s12 =	sadd.s32 s12, s6;
	[sflag:s7] =	ssyncadd.s32 $0xFFFF0000  }
0x25: {  	[tilespmem:s2], [sflag:$0x2] =	stream.linear.gather [hbm4b:s12+s2], $0x800, $0x38;
	[tilespmem:$0x10800] =	vst v63  }
0x26: {  	_ =	swait.ge [sflag:s7], $0x800  }
0x27: {  	[sflag:s7] =	ssyncset.done $0x0  }
0x28: {  	[sflag:s7] =	ssyncadd.s32 $0xFFFFF800  }
0x29: {  	[tilespmem:s8], [sflag:$0x1] =	stream.indirect.gather [hbm4b:s3+s8], $0x20, s2, s8, $0xb8;
	[tilespmem:$0x10800] =	vst v63  }
0x2a: {  	s10 =	sadd.s32 $0x1, s10;
	_ =	swait.ge [sflag:s9], $0x10000  }
0x2b: {  	p0 =	sne.s32 s10, s4;
	[sflag:s9] =	ssyncset.done $0x0  }
.Ltmp1:
0x2c: {  	[sflag:s9] =	ssyncadd.s32 $0xFFFF0000;
	(pc) =	sbr.rel @p0 .LBB2_1-.Ltmp1, $4  }
0x2d: {  	[hbm4b:s11+s2] =	stream.linear.scatter [tilespmem:s8], [sflag:$0x2], $0x10000, $0x38;
	[tilespmem:$0x10800] =	vst v63  }
0x2e: {  	_ =	swait.ge [sflag:s7], $0x10000  }
0x2f: {  	[sflag:s7] =	ssyncset.done $0x0  }
0x30: {  	[sflag:s7] =	ssyncadd.s32 $0xFFFF0000  }
0x31: {  	_ =	sfence.sel $0x180000  }
0x32: {  	[bflag:$0x0] =	sbarrier.arrive $0xFFFF  }
0x33: {  	p0 =	sne.s32 s1, $0x0;
	_ =	strace $0x9000004D  }
0x34: {  	s0 =	sadd.s32 @!p0 $0x100000, s0;
	[bflag:$0x2] =	sbarrier.arrive $0xFFFF  }
0x35: {  	[sflag:s0] =	ssyncadd.tile.s32 @!p0 $0x1;
	_ =	shalt  }
.Lfunc_end2:
_tile_overlayer_lowered:
.L_overlay_start_2:
0x36: {  	(tag) =	ssettag $0x2  }
0x37: {  	s0 =	rddreg [dreg:$0x0];
	s2 =	stileid.u32  }
0x38: {  	s1 =	rddreg [dreg:$0x1];
	p0 =	sne.s32 s2, $0x0  }
0x39: {  	s3 =	rddreg [dreg:$0x2];
	[bflag:$0x3] =	sbarrier.arrive $0xFFFF;
	s2 =	simm.s32 @!p0 $0x1C02  }
0x3a: {  	[timem:s3], [sflag:s2] =	dma.local @!p0 [hbm:s0], s1  }
0x3b: {  	s0 =	simm.s32 @!p0 $0x2  }
0x3c: {  	_ =	swait.ge @!p0 [sflag:s0], s1  }
0x3d: {  	s1 =	ssub.s32 @!p0 $0x0, s1;
	[sflag:s0] =	ssyncset.done @!p0 $0x0  }
0x3e: {  	[sflag:s0] =	ssyncadd.s32 @!p0 s1  }
0x3f: {  	[bflag:$0x3] =	sbarrier.arrive $0xFFFF  }
0x40: {  	_ =	shalt  }

// kernel: kernel.7.cloned.1.call-start
scs
__scs_entry_jumppad:
0x0: {  	(pc) =	sbr.rel $0x88, $3  }
0x1: {  	(tag) =	ssettag $0x0;
	lr =	simm.s32 $0x1  }
0x2: {  	[smem:$0x3F95] =	sst lr;
	_ =	strace $0xD0000000  }
0x3: {  	_ = 	snop  }
0x4: {  	_ = 	snop  }
0x5: {  	_ = 	snop  }
0x6: {  	_ = 	snop  }
0x7: {  	_ = 	snop  }
__scs_overlays_trampoline_lowered:
0x8: {  	[smem:$0x3FA4] =	sst s0  }
0x9: {  	[smem:$0x3FA5] =	sst s1  }
0xa: {  	[smem:$0x3FA6] =	sst s2  }
0xb: {  	[smem:$0x3FA7] =	sst s3  }
0xc: {  	[smem:$0x3FA8] =	sst s4  }
0xd: {  	[smem:$0x3FA9] =	sst s5  }
0xe: {  	[smem:$0x3FAA] =	sst s6  }
0xf: {  	[smem:$0x3FAB] =	sst s7  }
0x10: {  	[smem:$0x3FAC] =	sst s8  }
0x11: {  	[smem:$0x3FAD] =	sst s9;
	s0 =	simm.s32 @!p0 $0x0  }
0x12: {  	s1 =	sld [smem:$0x3F93];
	s0 =	simm.s32 @p0 $0x1  }
0x13: {  	[smem:$0x3FAE] =	sst s0;
	s0 =	simm.s32 @!p1 $0x0  }
0x14: {  	s2 =	sld [smem:$0x3F92];
	s0 =	simm.s32 @p1 $0x1  }
0x15: {  	[smem:$0x3FAF] =	sst s0;
	s0 =	simm.s32 @!p2 $0x0  }
0x16: {  	s3 =	sld [smem:$0x3FDB];
	s0 =	simm.s32 @p2 $0x1  }
0x17: {  	s4 =	simm.s32 $0x1BF5;
	[smem:$0x3FB1] =	sst s0  }
0x18: {  	s0 =	sld [smem:$0x3F94];
	_ =	swait.ge [sflag:s4], $0x0  }
0x19: {  	s7 =	sld [smem:$0x3F95]  }
0x1a: {  	s8 =	sadd.s32 $0xFFFFE003, lr  }
0x1b: {  	s9 =	sadd.s32 $0xFFFFFEF7, lr;
	s5 =	simm.s32 $0xFFFFFFFF;
	p2 =	slt.u32 s8, $0xFFFFF086  }
0x1c: {  	p1 =	slt.u32 s9, $0xF7A;
	s5 =	simm.s32 @!p2 $0x0  }
0x1d: {  	s5 =	simm.s32 @p1 $0x1;
	p0 =	seq.s32 s7, s2  }
0x1e: {  	s7 =	smul.u32 @!p0 $0xF7A, s2;
	p2 =	seq.s32 @!p0 s5, $0x0  }
0x1f: {  	s9 =	smul.u32 $0xF7A, s1;
	s8 =	simm.s32 @!p0 $0x1BF5;
	p2 =	por !p2, p0  }
0x20: {  	[sflag:s8] =	ssyncset.s32 @!p0 $0xFFFFF086;
	s6 =	sadd.s32 @!p0 s3, s7;
	s7 =	simm.s32 @!p0 $0x108  }
0x21: {  	s3 =	sadd.s32 s3, s9;
	s6 =	sadd.s32 @!p0 $0x88, s6;
	s7 =	simm.s32 @p2 $0x1082  }
0x22: {  	[simem:s7], [sflag:s8] =	dma.local @!p0 [hbm:s6], $0xF7A  }
0x23: {  	s9 =	sor.u32 $0xD0000000, s2;
	s6 =	simm.s32 $0x108;
	_ =	swait.ge @!p0 [sflag:s8], $0x0  }
0x24: {  	s3 =	sadd.s32 $0x88, s3;
	s6 =	simm.s32 @!p1 $0x1082;
	[sflag:s4] =	ssyncset.s32 $0xFFFFF086  }
0x25: {  	[simem:s6], [sflag:s4] =	dma.local [hbm:s3], $0xF7A  }
0x26: {  	[smem:$0x3F95] =	sst s1;
	(tag) =	ssettag s2;
	_ =	strace s9  }
0x27: {  	s1 =	sld [smem:$0x3FA5]  }
0x28: {  	s2 =	sld [smem:$0x3FA6]  }
0x29: {  	s4 =	sld [smem:$0x3FA8]  }
0x2a: {  	p0 =	seq.s32 s5, $0x0;
	s5 =	sld [smem:$0x3FA9]  }
0x2b: {  	s6 =	sld [smem:$0x3FAA]  }
0x2c: {  	s7 =	sld [smem:$0x3FAB]  }
0x2d: {  	s3 =	simm.s32 $0x108;
	s8 =	sld [smem:$0x3FAC]  }
0x2e: {  	s3 =	simm.s32 @!p0 $0x1082;
	s9 =	sld [smem:$0x3FAD]  }
0x2f: {  	lr =	sadd.s32 s0, s3;
	s0 =	sld [smem:$0x3FA4]  }
0x30: {  	s3 =	sld [smem:$0x3FA7]  }
0x31: {  	[smem:$0x3FB0] =	sst s10  }
0x32: {  	s10 =	sld [smem:$0x3FAE];
	_ =	sdelay $0x3  }
0x33: {  	p0 =	seq.s32 s10, $0x1;
	s10 =	sld [smem:$0x3FB0];
	_ =	sdelay $0x3  }
0x34: {  	[smem:$0x3FB0] =	sst s10  }
0x35: {  	s10 =	sld [smem:$0x3FAF];
	_ =	sdelay $0x3  }
0x36: {  	p1 =	seq.s32 s10, $0x1;
	s10 =	sld [smem:$0x3FB0];
	_ =	sdelay $0x3  }
0x37: {  	[smem:$0x3FB0] =	sst s10  }
0x38: {  	s10 =	sld [smem:$0x3FB1]  }
0x39: {  	_ = 	snop;
	(pc) =	sbr.ind lr, $3  }
0x3a: {  	_ = 	snop  }
0x3b: {  	_ = 	snop  }
0x3c: {  	p2 =	seq.s32 s10, $0x1;
	s10 =	sld [smem:$0x3FB0]  }
0x3d: {  	_ =	shalt  }
0x3e: {  	_ =	shalt  }
0x3f: {  	_ =	shalt  }
0x40: {  	_ =	shalt  }
0x41: {  	_ =	shalt  }
0x42: {  	_ =	shalt  }
0x43: {  	_ =	shalt  }
0x44: {  	_ =	shalt  }
0x45: {  	_ =	shalt  }
0x46: {  	_ =	shalt  }
0x47: {  	_ =	shalt  }
0x48: {  	_ =	shalt  }
0x49: {  	_ =	shalt  }
0x4a: {  	_ =	shalt  }
0x4b: {  	_ =	shalt  }
0x4c: {  	_ =	shalt  }
0x4d: {  	_ =	shalt  }
0x4e: {  	_ =	shalt  }
0x4f: {  	_ =	shalt  }
0x50: {  	_ =	shalt  }
0x51: {  	_ =	shalt  }
0x52: {  	_ =	shalt  }
0x53: {  	_ =	shalt  }
0x54: {  	_ =	shalt  }
0x55: {  	_ =	shalt  }
0x56: {  	_ =	shalt  }
0x57: {  	_ =	shalt  }
0x58: {  	_ =	shalt  }
0x59: {  	_ =	shalt  }
0x5a: {  	_ =	shalt  }
0x5b: {  	_ =	shalt  }
0x5c: {  	_ =	shalt  }
0x5d: {  	_ =	shalt  }
0x5e: {  	_ =	shalt  }
0x5f: {  	_ =	shalt  }
0x60: {  	_ =	shalt  }
0x61: {  	_ =	shalt  }
0x62: {  	_ =	shalt  }
0x63: {  	_ =	shalt  }
0x64: {  	_ =	shalt  }
0x65: {  	_ =	shalt  }
0x66: {  	_ =	shalt  }
0x67: {  	_ =	shalt  }
0x68: {  	_ =	shalt  }
0x69: {  	_ =	shalt  }
0x6a: {  	_ =	shalt  }
0x6b: {  	_ =	shalt  }
0x6c: {  	_ =	shalt  }
0x6d: {  	_ =	shalt  }
0x6e: {  	_ =	shalt  }
0x6f: {  	_ =	shalt  }
0x70: {  	_ =	shalt  }
0x71: {  	_ =	shalt  }
0x72: {  	_ =	shalt  }
0x73: {  	_ =	shalt  }
0x74: {  	_ =	shalt  }
0x75: {  	_ =	shalt  }
0x76: {  	_ =	shalt  }
0x77: {  	_ =	shalt  }
0x78: {  	_ =	shalt  }
0x79: {  	_ =	shalt  }
0x7a: {  	_ =	shalt  }
0x7b: {  	_ =	shalt  }
0x7c: {  	_ =	shalt  }
0x7d: {  	_ =	shalt  }
0x7e: {  	_ =	shalt  }
0x7f: {  	_ =	shalt  }
0x80: {  	_ =	shalt  }
0x81: {  	_ =	shalt  }
0x82: {  	_ =	shalt  }
0x83: {  	_ =	shalt  }
0x84: {  	_ =	shalt  }
0x85: {  	_ =	shalt  }
0x86: {  	_ =	shalt  }
0x87: {  	_ =	shalt  }
.Lfunc_end0:
.L_simem_size_0:
called_computation.1_lowered:
.L_overlay_start_0:
0x88: {  	s2 =	sld [smem:$0x3FD9]  }
0x89: {  	s3 =	sld [smem:$0x3FFE];
	_ =	sdelay $0x1  }
0x8a: {  	s1 =	srdreg.scid  }
0x8b: {  	s0 =	sand.u32 $0x1, s1  }
0x8c: {  	s16 =	sshll.u32 s0, $0xA;
	s2 =	sadd.s32 s3, s2  }
0x8d: {  	s2 =	sadd.s32 s2, s16  }
0x8e: {  	[smem:$0x3FBC] =	sst s2  }
0x8f: {  	_ = 	snop  }
0x90: {  	(tm) =	ssettm $0x1  }
0x91: {  	s17 =	sld [smem:$0x3FFB];
	_ =	sdelay $0x3  }
0x92: {  	_ =	strace s17  }
0x93: {  	s2 =	sld [smem:$0x3FFC];
	_ =	sdelay $0x3  }
0x94: {  	_ =	strace s2  }
0x95: {  	s2 =	sld [smem:$0x3FFD];
	_ =	sdelay $0x3  }
0x96: {  	_ =	strace s2  }
0x97: {  	_ =	strace $0x8FFFFFFF  }
0x98: {  	s18 =	sld [smem:$0x3FDB];
	_ =	sdelay $0x1  }
0x99: {  	s19 =	simm.s32 $_scs_section_size  }
0x9a: {  	s4 =	simm.s32 $_size__tile_overlayer_lowered;
	s5 =	simm.s32 $_tile_overlayer_lowered  }
0x9b: {  	s22 =	simm.s32 $0x1BFF;
	s21 =	sshll.u32 s5, $0x1;
	s2 =	sadd.s32 s19, s18  }
0x9c: {  	s6 =	simm.s32 $0x0;
	s20 =	sshll.u32 s4, $0x1;
	s4 =	sadd.s32 s21, s2  }
0x9d: {  	[timem:s6], [sflag:s22] =	dma.local [hbm:s4], s20  }
0x9e: {  	_ =	swait.ge [sflag:s22], s20  }
0x9f: {  	s3 =	ssub.s32 $0x0, s20;
	[sflag:s22] =	ssyncset.done $0x0  }
0xa0: {  	[sflag:s22] =	ssyncadd.s32 s3;
	_ =	sdelay $0x1  }
0xa1: {  	s23 =	simm.s32 $0x1B8B  }
0xa2: {  	_ =	swait.ge [sflag:s23], $0x1  }
0xa3: {  	[sflag:s23] =	ssyncset.done $0x0  }
0xa4: {  	s25 =	simm.s32 $0x1B8E;
	s24 =	sld [smem:$0x3FFE];
	[sflag:s23] =	ssyncadd.s32 $0xFFFFFFFF  }
0xa5: {  	s26 =	simm.s32 $execute0_lowered;
	[smem:$0x3FD2] =	sst s25  }
0xa6: {  	s4 =	sshll.u32 s26, $0x1;
	_ =	strace $0x80000046;
	[dreg:$0x1] =	wrdreg $0xFFFFFFFF  }
0xa7: {  	s28 =	simm.s32 $_size_execute0_lowered;
	s2 =	sadd.s32 s2, s4;
	[dreg:$0x0] =	wrdreg $0x0  }
0xa8: {  	s4 =	sshll.u32 s28, $0x1;
	[dreg:$0x2] =	wrdreg s2  }
0xa9: {  	[dreg:$0x3] =	wrdreg s4  }
0xaa: {  	[dreg:$0x4] =	wrdreg $0xC0  }
0xab: {  	_ =	task [dreg:s6], $0x5FFFF  }
0xac: {  	[dreg:$0x1] =	wrdreg $0xFFFFFFFF  }
0xad: {  	[dreg:$0x0] =	wrdreg $0x60  }
0xae: {  	[dreg:$0x2] =	wrdreg s24  }
0xaf: {  	[dreg:$0x3] =	wrdreg $0x9  }
0xb0: {  	_ =	task.clear_ibuf [dreg:s6], $0x4FFFF;
	_ =	strace $0x90000046  }
0xb1: {  	s29 =	simm.s32 $0x9;
	_ =	strace $0x80000048  }
0xb2: {  	_ =	swait.ge [sflag:s29], $0x1  }
0xb3: {  	[sflag:s29] =	ssyncadd.s32 $0xFFFFFFFF  }
0xb4: {  	_ =	strace $0x90000048  }
0xb5: {  	_ =	sfence  }
0xb6: {  	s30 =	sld [smem:$0x0];
	_ =	sdelay $0x2  }
0xb7: {  	s31 =	sshll.u32 s1, $0xD;
	s1 =	sshrl.u32 s1, $0x2  }
0xb8: {  	s3 =	sand.u32 $0x4000, s31;
	s1 =	sadd.s32 s1, s30  }
0xb9: {  	s0 =	sor.u32 s3, s0;
	s1 =	sshll.u32 s1, $0x11  }
0xba: {  	s0 =	sor.u32 s1, s0  }
0xbb: {  	s0 =	sadd.s32 $0x8F2B, s0  }
0xbc: {  	[sflag:s0] =	ssyncadd.remote.s32 $0x1  }
0xbd: {  	_ =	sfence.sel $0xFFFF  }
0xbe: {  	[dreg:$0x0] =	wrdreg $0xFFFFFFFF;
	(pc) =	sbr.abs _section_cstart, $3  }
0xbf: {  	[dreg:$0x1] =	wrdreg $0xFFFFFFFF  }
0xc0: {  	_ =	task.clear_ibuf [dreg:s6], $0x2FFFF;
	_ =	strace $0x9FFFFFFF  }
0xc1: {  	(tm) =	ssettm $0x7FFFFFFF  }
tec
execute0_lowered:
.L_overlay_start_1:
0x0: {  	(tag) =	ssettag $0x1  }
0x1: {  	s1 =	srdreg.scid  }
0x2: {  	s0 =	stileid.u32;
	s14 =	sand.u32 $0x1, s1  }
0x3: {  	s8 =	rddreg [dreg:$0x0];
	s3 =	sshll.u32 s0, $0xF;
	s4 =	sshll.u32 s14, $0xE  }
0x4: {  	s2 =	simm.s32 $0x0;
	s1 =	rddreg [dreg:$0x1];
	s13 =	sor.u32 s4, s3  }
0x5: {  	[smem:$0x7FF] =	sst s2;
	s15 =	sadd.s32 $0x3800, s8;
	s3 =	sshrl.u32 s13, $0x3  }
0x6: {  	_ =	strace $0x80000047;
	s4 =	sadd.s32 s15, s3;
	s3 =	simm.s32 $0x2  }
0x7: {  	[tilespmem:s2], [sflag:$0x2] =	stream.linear.gather [hbm4b:s4+s2], $0x1000, $0x38;
	[tilespmem:$0x11000] =	vst v63  }
0x8: {  	_ =	swait.ge [sflag:s3], $0x1000  }
0x9: {  	s6 =	simm.s32 $0x1000;
	[sflag:s3] =	ssyncset.done $0x0  }
0xa: {  	s7 =	simm.s32 $0x1;
	s5 =	sadd.s32 $0x13800, s8;
	[sflag:s3] =	ssyncadd.s32 $0xFFFFF000  }
0xb: {  	[tilespmem:s6], [sflag:$0x1] =	stream.indirect.gather [hbm4b:s5+s6], $0x10, s2, s6, $0xb8;
	[tilespmem:$0x11000] =	vst v63  }
0xc: {  	_ =	swait.ge [sflag:s7], $0x10000  }
0xd: {  	s16 =	sadd.s32 $0x23800, s8;
	s29 =	sshll.u32 s13, $0x1;
	[sflag:s7] =	ssyncset.done $0x0  }
0xe: {  	s8 =	sadd.s32 s16, s29;
	[sflag:s7] =	ssyncadd.s32 $0xFFFF0000  }
0xf: {  	[hbm4b:s8+s2] =	stream.linear.scatter [tilespmem:s6], [sflag:$0x2], $0x10000, $0x38;
	[tilespmem:$0x11000] =	vst v63  }
0x10: {  	s10 =	sor.u32 $0x1000, s13;
	_ =	swait.ge [sflag:s3], $0x10000  }
0x11: {  	s9 =	sshrl.u32 s10, $0x3;
	[sflag:s3] =	ssyncset.done $0x0  }
0x12: {  	s9 =	sadd.s32 s15, s9;
	[sflag:s3] =	ssyncadd.s32 $0xFFFF0000  }
0x13: {  	[tilespmem:s2], [sflag:$0x2] =	stream.linear.gather [hbm4b:s9+s2], $0x1000, $0x38;
	[tilespmem:$0x11000] =	vst v63  }
0x14: {  	_ =	swait.ge [sflag:s3], $0x1000  }
0x15: {  	[sflag:s3] =	ssyncset.done $0x0  }
0x16: {  	[sflag:s3] =	ssyncadd.s32 $0xFFFFF000  }
0x17: {  	[tilespmem:s6], [sflag:$0x1] =	stream.indirect.gather [hbm4b:s5+s6], $0x10, s2, s6, $0xb8;
	[tilespmem:$0x11000] =	vst v63  }
0x18: {  	_ =	swait.ge [sflag:s7], $0x10000  }
0x19: {  	s10 =	sshll.u32 s10, $0x1;
	[sflag:s7] =	ssyncset.done $0x0  }
0x1a: {  	s10 =	sadd.s32 s16, s10;
	[sflag:s7] =	ssyncadd.s32 $0xFFFF0000  }
0x1b: {  	[hbm4b:s10+s2] =	stream.linear.scatter [tilespmem:s6], [sflag:$0x2], $0x10000, $0x38;
	[tilespmem:$0x11000] =	vst v63  }
0x1c: {  	s12 =	sor.u32 $0x2000, s13;
	_ =	swait.ge [sflag:s3], $0x10000  }
0x1d: {  	s11 =	sshrl.u32 s12, $0x3;
	[sflag:s3] =	ssyncset.done $0x0  }
0x1e: {  	s11 =	sadd.s32 s15, s11;
	[sflag:s3] =	ssyncadd.s32 $0xFFFF0000  }
0x1f: {  	[tilespmem:s2], [sflag:$0x2] =	stream.linear.gather [hbm4b:s11+s2], $0x1000, $0x38;
	[tilespmem:$0x11000] =	vst v63  }
0x20: {  	_ =	swait.ge [sflag:s3], $0x1000  }
0x21: {  	[sflag:s3] =	ssyncset.done $0x0  }
0x22: {  	[sflag:s3] =	ssyncadd.s32 $0xFFFFF000  }
0x23: {  	[tilespmem:s6], [sflag:$0x1] =	stream.indirect.gather [hbm4b:s5+s6], $0x10, s2, s6, $0xb8;
	[tilespmem:$0x11000] =	vst v63  }
0x24: {  	_ =	swait.ge [sflag:s7], $0x10000  }
0x25: {  	s12 =	sshll.u32 s12, $0x1;
	[sflag:s7] =	ssyncset.done $0x0  }
0x26: {  	s12 =	sadd.s32 s16, s12;
	[sflag:s7] =	ssyncadd.s32 $0xFFFF0000  }
0x27: {  	[hbm4b:s12+s2] =	stream.linear.scatter [tilespmem:s6], [sflag:$0x2], $0x10000, $0x38;
	[tilespmem:$0x11000] =	vst v63  }
0x28: {  	s17 =	sor.u32 $0x3000, s13;
	_ =	swait.ge [sflag:s3], $0x10000  }
0x29: {  	s13 =	sshrl.u32 s17, $0x3;
	[sflag:s3] =	ssyncset.done $0x0  }
0x2a: {  	s14 =	ssub.s32 $0x2, s14;
	s13 =	sadd.s32 s15, s13;
	[sflag:s3] =	ssyncadd.s32 $0xFFFF0000  }
0x2b: {  	[tilespmem:s2], [sflag:$0x2] =	stream.linear.gather [hbm4b:s13+s2], $0x1000, $0x38;
	[tilespmem:$0x11000] =	vst v63  }
0x2c: {  	s30 =	sshrl.u32 s14, $0x1;
	_ =	swait.ge [sflag:s3], $0x1000  }
0x2d: {  	s15 =	ssub.s32 s14, s30;
	[sflag:s3] =	ssyncset.done $0x0  }
0x2e: {  	s15 =	smax.u32 s15, $0x1;
	[sflag:s3] =	ssyncadd.s32 $0xFFFFF000  }
0x2f: {  	[tilespmem:s6], [sflag:$0x1] =	stream.indirect.gather [hbm4b:s5+s6], $0x10, s2, s6, $0xb8;
	[tilespmem:$0x11000] =	vst v63  }
0x30: {  	p0 =	sne.s32 s15, $0x1;
	_ =	swait.ge [sflag:s7], $0x10000  }
.Ltmp0:
0x31: {  	s31 =	sshll.u32 s17, $0x1;
	[sflag:s7] =	ssyncset.done $0x0;
	(pc) =	sbr.rel @!p0 .LBB2_2-.Ltmp0, $4  }
0x32: {  	s14 =	sadd.s32 s16, s31;
	[sflag:s7] =	ssyncadd.s32 $0xFFFF0000  }
0x33: {  	[hbm4b:s14+s2] =	stream.linear.scatter [tilespmem:s6], [sflag:$0x2], $0x10000, $0x38;
	[tilespmem:$0x11000] =	vst v63  }
0x34: {  	_ =	swait.ge [sflag:s3], $0x10000  }
0x35: {  	s15 =	sadd.s32 $0xFFFFFFFF, s15;
	[sflag:s3] =	ssyncset.done $0x0  }
.LBB2_1:
0x36: {  	p0 =	sne.s32 s15, $0x1;
	s15 =	sadd.s32 $0xFFFFFFFF, s15;
	[sflag:s3] =	ssyncadd.s32 $0xFFFF0000  }
0x37: {  	[tilespmem:s2], [sflag:$0x2] =	stream.linear.gather [hbm4b:s4+s2], $0x1000, $0x38;
	[tilespmem:$0x11000] =	vst v63  }
0x38: {  	_ =	swait.ge [sflag:s3], $0x1000  }
0x39: {  	[sflag:s3] =	ssyncset.done $0x0  }
0x3a: {  	[sflag:s3] =	ssyncadd.s32 $0xFFFFF000  }
0x3b: {  	[tilespmem:s6], [sflag:$0x1] =	stream.indirect.gather [hbm4b:s5+s6], $0x10, s2, s6, $0xb8;
	[tilespmem:$0x11000] =	vst v63  }
0x3c: {  	_ =	swait.ge [sflag:s7], $0x10000  }
0x3d: {  	[sflag:s7] =	ssyncset.done $0x0  }
0x3e: {  	[sflag:s7] =	ssyncadd.s32 $0xFFFF0000  }
0x3f: {  	[hbm4b:s8+s2] =	stream.linear.scatter [tilespmem:s6], [sflag:$0x2], $0x10000, $0x38;
	[tilespmem:$0x11000] =	vst v63  }
0x40: {  	_ =	swait.ge [sflag:s3], $0x10000  }
0x41: {  	[sflag:s3] =	ssyncset.done $0x0  }
0x42: {  	[sflag:s3] =	ssyncadd.s32 $0xFFFF0000  }
0x43: {  	[tilespmem:s2], [sflag:$0x2] =	stream.linear.gather [hbm4b:s9+s2], $0x1000, $0x38;
	[tilespmem:$0x11000] =	vst v63  }
0x44: {  	_ =	swait.ge [sflag:s3], $0x1000  }
0x45: {  	[sflag:s3] =	ssyncset.done $0x0  }
0x46: {  	[sflag:s3] =	ssyncadd.s32 $0xFFFFF000  }
0x47: {  	[tilespmem:s6], [sflag:$0x1] =	stream.indirect.gather [hbm4b:s5+s6], $0x10, s2, s6, $0xb8;
	[tilespmem:$0x11000] =	vst v63  }
0x48: {  	_ =	swait.ge [sflag:s7], $0x10000  }
0x49: {  	[sflag:s7] =	ssyncset.done $0x0  }
0x4a: {  	[sflag:s7] =	ssyncadd.s32 $0xFFFF0000  }
0x4b: {  	[hbm4b:s10+s2] =	stream.linear.scatter [tilespmem:s6], [sflag:$0x2], $0x10000, $0x38;
	[tilespmem:$0x11000] =	vst v63  }
0x4c: {  	_ =	swait.ge [sflag:s3], $0x10000  }
0x4d: {  	[sflag:s3] =	ssyncset.done $0x0  }
0x4e: {  	[sflag:s3] =	ssyncadd.s32 $0xFFFF0000  }
0x4f: {  	[tilespmem:s2], [sflag:$0x2] =	stream.linear.gather [hbm4b:s11+s2], $0x1000, $0x38;
	[tilespmem:$0x11000] =	vst v63  }
0x50: {  	_ =	swait.ge [sflag:s3], $0x1000  }
0x51: {  	[sflag:s3] =	ssyncset.done $0x0  }
0x52: {  	[sflag:s3] =	ssyncadd.s32 $0xFFFFF000  }
0x53: {  	[tilespmem:s6], [sflag:$0x1] =	stream.indirect.gather [hbm4b:s5+s6], $0x10, s2, s6, $0xb8;
	[tilespmem:$0x11000] =	vst v63  }
0x54: {  	_ =	swait.ge [sflag:s7], $0x10000  }
0x55: {  	[sflag:s7] =	ssyncset.done $0x0  }
0x56: {  	[sflag:s7] =	ssyncadd.s32 $0xFFFF0000  }
0x57: {  	[hbm4b:s12+s2] =	stream.linear.scatter [tilespmem:s6], [sflag:$0x2], $0x10000, $0x38;
	[tilespmem:$0x11000] =	vst v63  }
0x58: {  	_ =	swait.ge [sflag:s3], $0x10000  }
0x59: {  	[sflag:s3] =	ssyncset.done $0x0  }
0x5a: {  	[sflag:s3] =	ssyncadd.s32 $0xFFFF0000  }
0x5b: {  	[tilespmem:s2], [sflag:$0x2] =	stream.linear.gather [hbm4b:s13+s2], $0x1000, $0x38;
	[tilespmem:$0x11000] =	vst v63  }
0x5c: {  	_ =	swait.ge [sflag:s3], $0x1000  }
0x5d: {  	[sflag:s3] =	ssyncset.done $0x0  }
0x5e: {  	[sflag:s3] =	ssyncadd.s32 $0xFFFFF000  }
0x5f: {  	[tilespmem:s6], [sflag:$0x1] =	stream.indirect.gather [hbm4b:s5+s6], $0x10, s2, s6, $0xb8;
	[tilespmem:$0x11000] =	vst v63  }
0x60: {  	_ =	swait.ge [sflag:s7], $0x10000  }
.Ltmp1:
0x61: {  	[sflag:s7] =	ssyncset.done $0x0;
	(pc) =	sbr.rel @p0 .LBB2_1-.Ltmp1, $4  }
0x62: {  	[sflag:s7] =	ssyncadd.s32 $0xFFFF0000  }
0x63: {  	[hbm4b:s14+s2] =	stream.linear.scatter [tilespmem:s6], [sflag:$0x2], $0x10000, $0x38;
	[tilespmem:$0x11000] =	vst v63  }
0x64: {  	_ =	swait.ge [sflag:s3], $0x10000  }
0x65: {  	[sflag:s3] =	ssyncset.done $0x0  }
.LBB2_2:
0x66: {  	[sflag:s3] =	ssyncadd.s32 $0xFFFF0000  }
0x67: {  	_ =	sfence.sel $0x180000  }
0x68: {  	[bflag:$0x0] =	sbarrier.arrive $0xFFFF  }
0x69: {  	p0 =	sne.s32 s0, $0x0;
	_ =	strace $0x90000047  }
0x6a: {  	s0 =	sadd.s32 @!p0 $0x100000, s1;
	[bflag:$0x2] =	sbarrier.arrive $0xFFFF  }
0x6b: {  	[sflag:s0] =	ssyncadd.tile.s32 @!p0 $0x1;
	_ =	shalt  }
.Lfunc_end2:
_tile_overlayer_lowered:
.L_overlay_start_2:
0x6c: {  	(tag) =	ssettag $0x2  }
0x6d: {  	s0 =	rddreg [dreg:$0x0];
	s2 =	stileid.u32  }
0x6e: {  	s1 =	rddreg [dreg:$0x1];
	p0 =	sne.s32 s2, $0x0  }
0x6f: {  	s3 =	rddreg [dreg:$0x2];
	[bflag:$0x3] =	sbarrier.arrive $0xFFFF;
	s2 =	simm.s32 @!p0 $0x1C02  }
0x70: {  	[timem:s3], [sflag:s2] =	dma.local @!p0 [hbm:s0], s1  }
0x71: {  	s0 =	simm.s32 @!p0 $0x2  }
0x72: {  	_ =	swait.ge @!p0 [sflag:s0], s1  }
0x73: {  	s1 =	ssub.s32 @!p0 $0x0, s1;
	[sflag:s0] =	ssyncset.done @!p0 $0x0  }
0x74: {  	[sflag:s0] =	ssyncadd.s32 @!p0 s1  }
0x75: {  	[bflag:$0x3] =	sbarrier.arrive $0xFFFF  }
0x76: {  	_ =	shalt  }

// kernel: sparse-core-data-format-call.cloned.1.call-start
scs
called_computation_lowered:
.L_overlay_start_0:
0x0: {  	s1 =	sld [smem:$0x3FD9]  }
0x1: {  	s2 =	sld [smem:$0x3FFE];
	_ =	sdelay $0x1  }
0x2: {  	s3 =	srdreg.scid  }
0x3: {  	s0 =	sand.u32 $0x1, s3  }
0x4: {  	s17 =	sshll.u32 s0, $0xA;
	s1 =	sadd.s32 s2, s1  }
0x5: {  	s1 =	sadd.s32 s1, s17  }
0x6: {  	[smem:$0x3FBC] =	sst s1  }
0x7: {  	_ = 	snop  }
0x8: {  	(tm) =	ssettm $0x1  }
0x9: {  	s18 =	sld [smem:$0x3FFB];
	_ =	sdelay $0x3  }
0xa: {  	_ =	strace s18  }
0xb: {  	s1 =	sld [smem:$0x3FFC];
	_ =	sdelay $0x3  }
0xc: {  	_ =	strace s1  }
0xd: {  	s1 =	sld [smem:$0x3FFD];
	_ =	sdelay $0x3  }
0xe: {  	_ =	strace s1  }
0xf: {  	_ =	strace $0x8FFFFFFF  }
0x10: {  	s19 =	sld [smem:$0x3FDB];
	_ =	sdelay $0x1  }
0x11: {  	s20 =	simm.s32 $_scs_section_size  }
0x12: {  	s4 =	simm.s32 $_size__tile_overlayer_lowered;
	s5 =	simm.s32 $_tile_overlayer_lowered  }
0x13: {  	s23 =	simm.s32 $0x1BFF;
	s22 =	sshll.u32 s5, $0x1;
	s1 =	sadd.s32 s20, s19  }
0x14: {  	s6 =	simm.s32 $0x0;
	s21 =	sshll.u32 s4, $0x1;
	s4 =	sadd.s32 s22, s1  }
0x15: {  	[timem:s6], [sflag:s23] =	dma.local [hbm:s4], s21  }
0x16: {  	_ =	swait.ge [sflag:s23], s21  }
0x17: {  	s2 =	ssub.s32 $0x0, s21;
	[sflag:s23] =	ssyncset.done $0x0  }
0x18: {  	[sflag:s23] =	ssyncadd.s32 s2;
	_ =	sdelay $0x1  }
0x19: {  	s24 =	simm.s32 $0x1B8B  }
0x1a: {  	_ =	swait.ge [sflag:s24], $0x1  }
0x1b: {  	[sflag:s24] =	ssyncset.done $0x0  }
0x1c: {  	s26 =	simm.s32 $0x1B8E;
	s25 =	sld [smem:$0x3FFE];
	[sflag:s24] =	ssyncadd.s32 $0xFFFFFFFF  }
0x1d: {  	s27 =	simm.s32 $execute0_lowered;
	[smem:$0x3FD2] =	sst s26  }
0x1e: {  	s4 =	sshll.u32 s27, $0x1;
	_ =	strace $0x80000049;
	[dreg:$0x1] =	wrdreg $0xFFFFFFFF  }
0x1f: {  	s28 =	simm.s32 $_size_execute0_lowered;
	s1 =	sadd.s32 s1, s4;
	[dreg:$0x0] =	wrdreg $0x0  }
0x20: {  	s4 =	sshll.u32 s28, $0x1;
	[dreg:$0x2] =	wrdreg s1  }
0x21: {  	[dreg:$0x3] =	wrdreg s4  }
0x22: {  	[dreg:$0x4] =	wrdreg $0xC0  }
0x23: {  	_ =	task [dreg:s6], $0x5FFFF  }
0x24: {  	[dreg:$0x1] =	wrdreg $0xFFFFFFFF  }
0x25: {  	[dreg:$0x0] =	wrdreg $0x60  }
0x26: {  	[dreg:$0x2] =	wrdreg s25  }
0x27: {  	[dreg:$0x3] =	wrdreg $0x9  }
0x28: {  	_ =	task.clear_ibuf [dreg:s6], $0x4FFFF;
	_ =	strace $0x90000049  }
0x29: {  	s29 =	simm.s32 $0x9;
	_ =	strace $0x8000004B  }
0x2a: {  	_ =	swait.ge [sflag:s29], $0x1  }
0x2b: {  	[sflag:s29] =	ssyncadd.s32 $0xFFFFFFFF  }
0x2c: {  	_ =	strace $0x9000004B  }
0x2d: {  	_ =	sfence  }
0x2e: {  	s30 =	sld [smem:$0x0];
	_ =	sdelay $0x2  }
0x2f: {  	s31 =	sshll.u32 s3, $0xD;
	s3 =	sshrl.u32 s3, $0x2  }
0x30: {  	s2 =	sand.u32 $0x4000, s31;
	s1 =	sadd.s32 s3, s30  }
0x31: {  	s0 =	sor.u32 s2, s0;
	s1 =	sshll.u32 s1, $0x11  }
0x32: {  	s0 =	sor.u32 s1, s0  }
0x33: {  	s0 =	sadd.s32 $0x8F2B, s0  }
0x34: {  	[sflag:s0] =	ssyncadd.remote.s32 $0x1  }
0x35: {  	_ =	sfence.sel $0xFFFF  }
0x36: {  	[dreg:$0x0] =	wrdreg $0xFFFFFFFF;
	(pc) =	sbr.abs _section_cstart, $3  }
0x37: {  	[dreg:$0x1] =	wrdreg $0xFFFFFFFF  }
0x38: {  	_ =	task.clear_ibuf [dreg:s6], $0x2FFFF;
	_ =	strace $0x9FFFFFFF  }
0x39: {  	(tm) =	ssettm $0x7FFFFFFF  }
tec
execute0_lowered:
.L_overlay_start_1:
0x0: {  	(tag) =	ssettag $0x1  }
0x1: {  	s14 =	rddreg [dreg:$0x0]  }
0x2: {  	s0 =	rddreg [dreg:$0x1];
	_ =	strace $0x8000004A;
	s1 =	stileid.u32  }
0x3: {  	s4 =	srdreg.scid;
	s13 =	simm.s32 $0x2;
	s20 =	simm.s32 $0x0  }
0x4: {  	s16 =	simm.s32 $0x40000;
	s21 =	simm.s32 $0x0;
	s19 =	simm.s32 $0x0  }
0x5: {  	s2 =	sadd.s32 $0x123800, s14;
	s3 =	sadd.s32 $0x13800, s14;
	s5 =	sshll.u32 s1, $0x3  }
0x6: {  	s6 =	sshll.u32 s1, $0x6;
	s7 =	sshll.u32 s4, $0xA;
	s12 =	sadd.s32 $0x3A3800, s14  }
0x7: {  	s4 =	sand.u32 $0x8, s5;
	s6 =	sor.u32 s6, s7;
	s5 =	simm.s32 $0x1  }
0x8: {  	s6 =	sand.u32 $0x780, s6;
	[sflag:s5] =	ssyncpa.u1 $0x0;
	s30 =	ssub.s32 $0x10, s4  }
0x9: {  	s18 =	smov.u32 s4;
	s8 =	sshrl.u32 s30, $0x3;
	s9 =	ssub.s32 $0x8000, s6  }
0xa: {  	s7 =	sshrl.u32 s30, $0x4;
	s8 =	sand.u32 $0x1, s8;
	s10 =	sand.u32 $0x780, s9  }
0xb: {  	s11 =	sadd.s32 s7, s8;
	p0 =	sne.s32 s10, $0x0;
	s8 =	simm.s32 $0x1  }
.Ltmp0:
0xc: {  	s9 =	sshrl.u32 s9, $0xB;
	s8 =	simm.s32 @!p0 $0x0;
	(pc) =	sbr.rel .LBB1_1-.Ltmp0, $4  }
0xd: {  	[sflag:s13] =	ssyncpa.u1 $0x0;
	s13 =	sadd.s32 $0x423800, s14;
	s31 =	sadd.s32 s8, s9  }
0xe: {  	s17 =	smov.u32 s6;
	s7 =	sadd.s32 $0x1A3800, s14;
	s10 =	smul.u32 s11, s31  }
0xf: {  	p0 =	por $0x0, $0x0;
	s8 =	sadd.s32 $0x223800, s14;
	s9 =	sadd.s32 $0x2A3800, s14  }
0x10: {  	s11 =	sadd.s32 $0x323800, s14;
	s14 =	sadd.s32 $0x4A3800, s14;
	s15 =	sadd.s32 $0x1, s10  }
.LBB1_7:
0x11: {  	s22 =	sadd.s32 $0x800, s17  }
0x12: {  	s20 =	sadd.s32 $0x10, s18;
	s24 =	smov.u32 s18;
	p2 =	sgt.s32 s22, $0x7FFF  }
0x13: {  	s24 =	smov.u32 @p2 s20  }
0x14: {  	s22 =	smov.u32 @p2 s6;
	p2 =	sgt.s32 s24, $0xF  }
0x15: {  	s24 =	smov.u32 @p2 s4;
	p2 =	sne.s32 s19, s15  }
.Ltmp1:
0x16: {  	p1 =	slt.u32 s19, $0x2;
	(pc) =	sbr.rel @!p2 .LBB1_8-.Ltmp1, $4  }
0x17: {  	s23 =	simm.s32 @!p1 $0x2  }
0x18: {  	s21 =	smov.u32 s18;
	p0 =	por !p0, !p0;
	_ =	swait.ge @!p1 [sflag:s23], $0x4000  }
0x19: {  	s20 =	smov.u32 s17;
	[sflag:s23] =	ssyncset.done @!p1 $0x0;
	s17 =	smov.u32 s22  }
0x1a: {  	s19 =	sadd.s32 $0x1, s19;
	[sflag:s23] =	ssyncadd.s32 @!p1 $0xFFFFC000;
	s18 =	smov.u32 s24  }
.LBB1_1:
0x1b: {  	p1 =	sge.u32 s19, s10  }
0x1c: {  	s22 =	sxor.u32 @!p1 $0xFFFFFFFF, s19  }
0x1d: {  	s23 =	sshll.u32 @!p1 s18, $0x13;
	s24 =	sshll.u32 @!p1 s17, $0x4;
	s26 =	simm.s32 @!p1 $0x10  }
0x1e: {  	s22 =	sshll.u32 @!p1 s22, $0xE;
	s24 =	sand.u32 @!p1 $0x7FFF0, s24;
	s25 =	sadd.s32 @!p1 s2, s23  }
0x1f: {  	s27 =	simm.s32 @!p1 $0x80;
	s22 =	sand.u32 @!p1 $0x4000, s22;
	s25 =	sadd.s32 @!p1 s24, s25  }
0x20: {  	[tilespmem:s22], [sflag:$0x1] =	stream.strided.gather @!p1 [hbm4b:s25+s26], $0x800, s27, s26, $0x38;
	[tilespmem:$0x10100] =	vst v63  }
0x21: {  	s25 =	sadd.s32 @!p1 s23, s7  }
0x22: {  	s28 =	sor.u32 @!p1 $0x800, s22;
	s25 =	sadd.s32 @!p1 s24, s25  }
0x23: {  	[tilespmem:s28], [sflag:$0x1] =	stream.strided.gather @!p1 [hbm4b:s25+s26], $0x800, s27, s26, $0x38;
	[tilespmem:$0x10100] =	vst v63  }
0x24: {  	s25 =	sadd.s32 @!p1 s23, s8  }
0x25: {  	s28 =	sor.u32 @!p1 $0x1000, s22;
	s25 =	sadd.s32 @!p1 s24, s25  }
0x26: {  	[tilespmem:s28], [sflag:$0x1] =	stream.strided.gather @!p1 [hbm4b:s25+s26], $0x800, s27, s26, $0x38;
	[tilespmem:$0x10100] =	vst v63  }
0x27: {  	s25 =	sadd.s32 @!p1 s23, s9  }
0x28: {  	s28 =	sor.u32 @!p1 $0x1800, s22;
	s25 =	sadd.s32 @!p1 s24, s25  }
0x29: {  	[tilespmem:s28], [sflag:$0x1] =	stream.strided.gather @!p1 [hbm4b:s25+s26], $0x800, s27, s26, $0x38;
	[tilespmem:$0x10100] =	vst v63  }
0x2a: {  	s25 =	sadd.s32 @!p1 s23, s11  }
0x2b: {  	s28 =	sor.u32 @!p1 $0x2000, s22;
	s25 =	sadd.s32 @!p1 s24, s25  }
0x2c: {  	[tilespmem:s28], [sflag:$0x1] =	stream.strided.gather @!p1 [hbm4b:s25+s26], $0x800, s27, s26, $0x38;
	[tilespmem:$0x10100] =	vst v63  }
0x2d: {  	s25 =	sadd.s32 @!p1 s23, s12  }
0x2e: {  	s28 =	sor.u32 @!p1 $0x2800, s22;
	s25 =	sadd.s32 @!p1 s24, s25  }
0x2f: {  	[tilespmem:s28], [sflag:$0x1] =	stream.strided.gather @!p1 [hbm4b:s25+s26], $0x800, s27, s26, $0x38;
	[tilespmem:$0x10100] =	vst v63  }
0x30: {  	s25 =	sadd.s32 @!p1 s23, s13  }
0x31: {  	s28 =	sor.u32 @!p1 $0x3000, s22;
	s23 =	sadd.s32 @!p1 s23, s14;
	s25 =	sadd.s32 @!p1 s24, s25  }
0x32: {  	[tilespmem:s28], [sflag:$0x1] =	stream.strided.gather @!p1 [hbm4b:s25+s26], $0x800, s27, s26, $0x38;
	[tilespmem:$0x10100] =	vst v63  }
0x33: {  	s31 =	sadd.s32 $0xFFFFFFFF, s19;
	s22 =	sor.u32 @!p1 $0x3800, s22;
	s23 =	sadd.s32 @!p1 s24, s23  }
0x34: {  	[tilespmem:s22], [sflag:$0x1] =	stream.strided.gather @!p1 [hbm4b:s23+s26], $0x800, s27, s26, $0x38;
	[tilespmem:$0x10100] =	vst v63  }
0x35: {  	p1 =	sge.u32 s31, s10  }
.Ltmp2:
0x36: {  	_ = 	snop;
	(pc) =	sbr.rel @p1 .LBB1_7-.Ltmp2, $1  }
0x37: {  	_ =	sdelay $0x3  }
0x38: {  	s22 =	simm.s32 $0x1;
	s24 =	sand.u32 $0x1, s19  }
0x39: {  	_ =	swait.ge [sflag:s5], $0x4000;
	s22 =	simm.s32 @!p0 $0x0;
	s25 =	smul.u32 $0x10200, s24  }
0x3a: {  	[sflag:s5] =	ssyncset.done $0x0;
	s23 =	smul.u32 $0x10200, s22  }
0x3b: {  	s22 =	sshll.u32 s22, $0xE;
	[sflag:s5] =	ssyncadd.s32 $0xFFFFC000  }
0x3c: {  	s24 =	sor.u32 $0x40, s22;
	s31 =	sshrl.u32 s25, $0x2;
	s23 =	sshrl.u32 s23, $0x2  }
0x3d: {  	s25 =	simm.s32 $0x0;
	s22 =	sor.u32 $0x8000, s31;
	s23 =	sor.u32 $0x8007, s23  }
.LBB1_3:
0x3e: {  	v3 =	vld [tilespmem:s24+$0x30]  }
0x3f: {  	v4 =	vld [tilespmem:s24+$0xFFFFFFD0]  }
0x40: {  	v5 =	vld [tilespmem:s24+$0xFFFFFFE0]  }
0x41: {  	v1 =	vld [tilespmem:s24+$0xFFFFFFF0]  }
0x42: {  	v0 =	vld [tilespmem:s24+$0x0]  }
0x43: {  	v2 =	vld [tilespmem:s24+$0x10];
	[tilespmem:s23+$0x0 ss:$0x81] =	vst.msk $0xffff, v3  }
0x44: {  	[tilespmem:s23+$0xFFFFFFFA ss:$0x81] =	vst.msk $0xffff, v4;
	v4 =	vld [tilespmem:s24+$0x20]  }
0x45: {  	s27 =	simm.s32 $0x0;
	s28 =	sadd.s32 $0x80, s24;
	s26 =	smov.u32 s23;
	v3 =	vld [tilespmem:s24+$0xFFFFFFC0];
	[tilespmem:s23+$0xFFFFFFFB ss:$0x81] =	vst.msk $0xffff, v5  }
.LBB1_4:
0x46: {  	v5 =	vld [tilespmem:s28+$0x30];
	s27 =	sadd.s32 $0x8, s27;
	[tilespmem:s26+$0xFFFFFFFC ss:$0x81] =	vst.msk $0xffff, v1  }
0x47: {  	v6 =	vld [tilespmem:s28+$0xFFFFFFD0];
	p1 =	slt.u32 s27, $0x78;
	[tilespmem:s26+$0xFFFFFFFD ss:$0x81] =	vst.msk $0xffff, v0  }
0x48: {  	v7 =	vld [tilespmem:s28+$0xFFFFFFE0];
	[tilespmem:s26+$0xFFFFFFFE ss:$0x81] =	vst.msk $0xffff, v2  }
.Ltmp3:
0x49: {  	v1 =	vld [tilespmem:s28+$0xFFFFFFF0];
	[tilespmem:s26+$0xFFFFFFFF ss:$0x81] =	vst.msk $0xffff, v4;
	(pc) =	sbr.rel @p1 .LBB1_4-.Ltmp3, $4  }
0x4a: {  	v0 =	vld [tilespmem:s28+$0x0];
	[tilespmem:s26+$0xFFFFFFF9 ss:$0x81] =	vst.msk $0xffff, v3;
	s26 =	sadd.s32 $0x8, s26  }
0x4b: {  	v2 =	vld [tilespmem:s28+$0x10];
	[tilespmem:s26+$0x0 ss:$0x81] =	vst.msk $0xffff, v5  }
0x4c: {  	[tilespmem:s26+$0xFFFFFFFA ss:$0x81] =	vst.msk $0xffff, v6;
	v4 =	vld [tilespmem:s28+$0x20]  }
0x4d: {  	v3 =	vld [tilespmem:s28+$0xFFFFFFC0];
	[tilespmem:s26+$0xFFFFFFFB ss:$0x81] =	vst.msk $0xffff, v7;
	s28 =	sadd.s32 $0x80, s28  }
0x4e: {  	s25 =	sadd.s32 $0x1, s25  }
0x4f: {  	p1 =	sne.s32 s25, $0x8  }
.Ltmp4:
0x50: {  	[tilespmem:s26+$0xFFFFFFFC ss:$0x81] =	vst.msk $0xffff, v1;
	(pc) =	sbr.rel @p1 .LBB1_3-.Ltmp4, $4  }
0x51: {  	[tilespmem:s26+$0xFFFFFFFD ss:$0x81] =	vst.msk $0xffff, v0  }
0x52: {  	[tilespmem:s26+$0xFFFFFFFE ss:$0x81] =	vst.msk $0xffff, v2  }
0x53: {  	[tilespmem:s26+$0xFFFFFFFF ss:$0x81] =	vst.msk $0xffff, v4  }
0x54: {  	s23 =	sadd.s32 $0x810, s23;
	s24 =	sadd.s32 $0x800, s24;
	[tilespmem:s26+$0xFFFFFFF9 ss:$0x81] =	vst.msk $0xffff, v3  }
0x55: {  	s23 =	sshll.u32 s20, $0x3;
	s24 =	sand.u32 $0x78, s20;
	s21 =	sshll.u32 s21, $0x10  }
.Ltmp5:
0x56: {  	s30 =	sand.u32 $0xF000, s20;
	s23 =	sand.u32 $0x7C00, s23;
	(pc) =	sbr.rel .LBB1_7-.Ltmp5, $4  }
0x57: {  	s31 =	sand.u32 $0x7, s20;
	s21 =	sadd.s32 s3, s21;
	s23 =	sor.u32 s24, s23  }
0x58: {  	s20 =	sshll.u32 s31, $0x12;
	s21 =	sadd.s32 s30, s21;
	s23 =	sshrl.u32 s23, $0x3  }
0x59: {  	s20 =	sor.u32 $0x400, s20;
	s21 =	sadd.s32 s23, s21  }
0x5a: {  	[hbm4b:s21+s20] =	stream.strided.scatter [tilespmem:s22], [sflag:$0x2], $0x4000, s16, s20, $0x20;
	[tilespmem:$0x10100] =	vst v63  }
.LBB1_8:
0x5b: {  	_ =	sfence.sel $0x180000  }
0x5c: {  	s2 =	simm.s32 $0x1;
	[bflag:$0x0] =	sbarrier.arrive $0xFFFF  }
0x5d: {  	s31 =	simm.s32 $0x2;
	[sflag:s2] =	ssyncpa.u1 $0x1  }
0x5e: {  	[sflag:s31] =	ssyncpa.u1 $0x1  }
0x5f: {  	p0 =	sne.s32 s1, $0x0;
	_ =	strace $0x9000004A  }
0x60: {  	s0 =	sadd.s32 @!p0 $0x100000, s0;
	[bflag:$0x2] =	sbarrier.arrive $0xFFFF  }
0x61: {  	[sflag:s0] =	ssyncadd.tile.s32 @!p0 $0x1;
	_ =	shalt  }
.Lfunc_end1:
_tile_overlayer_lowered:
.L_overlay_start_2:
0x62: {  	(tag) =	ssettag $0x2  }
0x63: {  	s0 =	rddreg [dreg:$0x0];
	s2 =	stileid.u32  }
0x64: {  	s1 =	rddreg [dreg:$0x1];
	p0 =	sne.s32 s2, $0x0  }
0x65: {  	s3 =	rddreg [dreg:$0x2];
	[bflag:$0x3] =	sbarrier.arrive $0xFFFF;
	s2 =	simm.s32 @!p0 $0x1C01  }
0x66: {  	[timem:s3], [sflag:s2] =	dma.local @!p0 [hbm:s0], s1  }
0x67: {  	s0 =	simm.s32 @!p0 $0x1  }
0x68: {  	_ =	swait.ge @!p0 [sflag:s0], s1  }
0x69: {  	s1 =	ssub.s32 @!p0 $0x0, s1;
	[sflag:s0] =	ssyncset.done @!p0 $0x0  }
0x6a: {  	[sflag:s0] =	ssyncadd.s32 @!p0 s1  }
0x6b: {  	[bflag:$0x3] =	sbarrier.arrive $0xFFFF  }
0x6c: {  	_ =	shalt  }

</sc_bundles>
